<compile_context>
chip_gen: v7x
topology: tpu7x:2x2x1
jax: 0.10.2.dev20260603
libtpu: 0.0.44.dev20260713+nightly
codegen_flags: <defaults>
</compile_context>

<pallas_src>
import functools

import jax
import jax.numpy as jnp
from jax import lax
from jax.experimental import pallas as pl
from jax.experimental.pallas import tpu as pltpu
from jax.experimental.pallas import tpu_sc as plsc

N = 10000
D = 128
E = 320000

NC = 2
NS = 16
NW = NC * NS

NPAD = 10240
RPT = NPAD // NS
EPT = E // NW
CH = 100
NCHT = EPT // CH
NHALF = 2
NCHH = NCHT // NHALF

_mesh = plsc.VectorSubcoreMesh(
    core_axis_name="c", subcore_axis_name="s", num_cores=NC, num_subcores=NS)

def _fill2d(ref, nrows, ncols, val):
    vec = jnp.full((16,), val, jnp.float32)
    def row(r, carry):
        for j in range(ncols // 16):
            ref[r, pl.ds(j * 16, 16)] = vec
        return carry
    lax.fori_loop(0, nrows, row, 0)


def _deg_body(dst_hbm, out_hbm, dst_v, ones_v, deg_sh, sem):
    c = lax.axis_index("c")
    s = lax.axis_index("s")
    wid = s * NC + c

    _fill2d(ones_v, CH, D, 0.0)
    r0 = s * RPT
    for k in range(RPT // CH):
        pltpu.sync_copy(ones_v, deg_sh.at[pl.ds(r0 + k * CH, CH)])
    rem = RPT - (RPT // CH) * CH
    if rem:
        pltpu.sync_copy(ones_v.at[pl.ds(0, rem)],
                        deg_sh.at[pl.ds(r0 + (RPT // CH) * CH, rem)])
    _fill2d(ones_v, CH, D, 1.0)
    plsc.subcore_barrier()

    def issue(j, carry):
        pltpu.async_copy(ones_v, deg_sh.at[dst_v.at[j]], sem, add=True)
        return carry
    def drain(j, carry):
        pltpu.make_async_copy(ones_v, deg_sh.at[dst_v.at[0]], sem).wait()
        return carry
    for half in range(NHALF):
        pltpu.sync_copy(dst_hbm.at[wid * NHALF + half], dst_v)
        lax.fori_loop(0, NCHH, issue, 0)
        lax.fori_loop(0, NCHH, drain, 0)

    plsc.subcore_barrier()
    pltpu.sync_copy(deg_sh.at[pl.ds(r0, RPT)], out_hbm.at[c, pl.ds(r0, RPT)])


_deg_call = functools.partial(
    pl.kernel,
    out_type=jax.ShapeDtypeStruct((NC, NPAD, D), jnp.float32),
    mesh=_mesh,
    scratch_types=[
        pltpu.VMEM((NCHH, CH), jnp.int32),
        pltpu.VMEM((CH, D), jnp.float32),
        pltpu.VMEM_SHARED((NPAD, D), jnp.float32),
        pltpu.SemaphoreType.DMA,
    ],
)(_deg_body)


def _conv_body(g_hbm, src_hbm, dst_hbm, out_hbm,
               src_v, dst_v, rows_v, acc_sh, gsem0, gsem1, ssem):
    c = lax.axis_index("c")
    s = lax.axis_index("s")
    wid = s * NC + c

    zvec = jnp.zeros((16,), jnp.float32)
    def zrow(r, carry):
        for j in range(D // 16):
            rows_v[0, r, pl.ds(j * 16, 16)] = zvec
        return carry
    lax.fori_loop(0, CH, zrow, 0)
    r0 = s * RPT
    for k in range(RPT // CH):
        pltpu.sync_copy(rows_v.at[0], acc_sh.at[pl.ds(r0 + k * CH, CH)])
    rem = RPT - (RPT // CH) * CH
    if rem:
        pltpu.sync_copy(rows_v.at[0].at[pl.ds(0, rem)],
                        acc_sh.at[pl.ds(r0 + (RPT // CH) * CH, rem)])
    plsc.subcore_barrier()

    def body(j2, carry):
        j = j2 * 2
        cpb = pltpu.async_copy(g_hbm.at[src_v.at[j + 1]], rows_v.at[1], gsem1)
        pltpu.make_async_copy(g_hbm.at[src_v.at[j]], rows_v.at[0],
                              gsem0).wait()
        pltpu.async_copy(rows_v.at[0], acc_sh.at[dst_v.at[j]], ssem,
                         add=True).wait()
        @pl.when(j2 < NCHH // 2 - 1)
        def _():
            pltpu.async_copy(g_hbm.at[src_v.at[j + 2]], rows_v.at[0], gsem0)
        cpb.wait()
        pltpu.async_copy(rows_v.at[1], acc_sh.at[dst_v.at[j + 1]], ssem,
                         add=True).wait()
        return carry
    for half in range(NHALF):
        pltpu.sync_copy(src_hbm.at[wid * NHALF + half], src_v)
        pltpu.sync_copy(dst_hbm.at[wid * NHALF + half], dst_v)
        pltpu.async_copy(g_hbm.at[src_v.at[0]], rows_v.at[0], gsem0)
        lax.fori_loop(0, NCHH // 2, body, 0)

    plsc.subcore_barrier()
    pltpu.sync_copy(acc_sh.at[pl.ds(r0, RPT)], out_hbm.at[c, pl.ds(r0, RPT)])


_conv_call = functools.partial(
    pl.kernel,
    out_type=jax.ShapeDtypeStruct((NC, NPAD, D), jnp.float32),
    mesh=_mesh,
    scratch_types=[
        pltpu.VMEM((NCHH, CH), jnp.int32),
        pltpu.VMEM((NCHH, CH), jnp.int32),
        pltpu.VMEM((2, CH, D), jnp.float32),
        pltpu.VMEM_SHARED((NPAD, D), jnp.float32),
        pltpu.SemaphoreType.DMA,
        pltpu.SemaphoreType.DMA,
        pltpu.SemaphoreType.DMA,
    ],
)(_conv_body)


BR = 5000
GRID = N // BR

def _row_spec(width):
    return pl.BlockSpec((BR, width), lambda i: (i, 0))

def _full_spec(shape):
    return pl.BlockSpec(shape, lambda i: (0,) * len(shape))


def _scale_body(x_ref, we_ref, be_ref, wg_ref, p0_ref, p1_ref,
                dinv_ref, g_ref):
    h = jnp.dot(x_ref[...], we_ref[...], preferred_element_type=jnp.float32)
    h = jnp.maximum(h + be_ref[...], 0.0)
    hr = jnp.dot(h, wg_ref[...], preferred_element_type=jnp.float32)
    deg = p0_ref[...] + p1_ref[...] + 1.0
    dinv = 1.0 / jnp.sqrt(deg)
    dinv_ref[...] = dinv
    g_ref[...] = dinv * hr


def _scale_call(x, W_enc, b_enc, W_gcn1, p0, p1):
    return pl.pallas_call(
        _scale_body,
        grid=(GRID,),
        in_specs=[_row_spec(D), _full_spec((D, D)), _full_spec((1, D)),
                  _full_spec((D, D)), _row_spec(D), _row_spec(D)],
        out_specs=[_row_spec(D), _row_spec(D)],
        out_shape=[jax.ShapeDtypeStruct((N, D), jnp.float32),
                   jax.ShapeDtypeStruct((N, D), jnp.float32)],
    )(x, W_enc, b_enc, W_gcn1, p0, p1)


def _mid_body(a0_ref, a1_ref, g_ref, dinv_ref, bg_ref, wu_ref, bu_ref,
              wn_ref, o_ref):
    dinv = dinv_ref[...]
    t = dinv * (a0_ref[...] + a1_ref[...] + g_ref[...]) + bg_ref[...]
    h = jnp.dot(t, wu_ref[...], preferred_element_type=jnp.float32)
    h = jnp.maximum(h + bu_ref[...], 0.0)
    o_ref[...] = dinv * jnp.dot(h, wn_ref[...],
                                preferred_element_type=jnp.float32)


def _mid_call(a0, a1, g, dinv, b_gcn, W_upd, b_upd, W_next):
    return pl.pallas_call(
        _mid_body,
        grid=(GRID,),
        in_specs=[_row_spec(D), _row_spec(D), _row_spec(D), _row_spec(D),
                  _full_spec((1, D)), _full_spec((D, D)), _full_spec((1, D)),
                  _full_spec((D, D))],
        out_specs=_row_spec(D),
        out_shape=jax.ShapeDtypeStruct((N, D), jnp.float32),
    )(a0, a1, g, dinv, b_gcn, W_upd, b_upd, W_next)


def _out_body(a0_ref, a1_ref, g_ref, dinv_ref, bg_ref, wu_ref, bu_ref, o_ref):
    dinv = dinv_ref[...]
    t = dinv * (a0_ref[...] + a1_ref[...] + g_ref[...]) + bg_ref[...]
    h = jnp.dot(t, wu_ref[...], preferred_element_type=jnp.float32)
    o_ref[...] = jnp.maximum(h + bu_ref[...], 0.0)


def _out_call(a0, a1, g, dinv, b_gcn, W_upd, b_upd):
    return pl.pallas_call(
        _out_body,
        grid=(GRID,),
        in_specs=[_row_spec(D), _row_spec(D), _row_spec(D), _row_spec(D),
                  _full_spec((1, D)), _full_spec((D, D)), _full_spec((1, D))],
        out_specs=_row_spec(D),
        out_shape=jax.ShapeDtypeStruct((N, D), jnp.float32),
    )(a0, a1, g, dinv, b_gcn, W_upd, b_upd)


def kernel(x, W_enc, b_enc, W_gcn1, b_gcn1, W_upd1, b_upd1,
           W_gcn2, b_gcn2, W_upd2, b_upd2, edge_index):
    src3d = edge_index[0].astype(jnp.int32).reshape(NW * NHALF, NCHH, CH)
    dst3d = edge_index[1].astype(jnp.int32).reshape(NW * NHALF, NCHH, CH)
    b_enc2 = b_enc.reshape(1, D)
    b_gcn1_2 = b_gcn1.reshape(1, D)
    b_upd1_2 = b_upd1.reshape(1, D)
    b_gcn2_2 = b_gcn2.reshape(1, D)
    b_upd2_2 = b_upd2.reshape(1, D)

    degp = _deg_call(dst3d)
    dinv, g1 = _scale_call(x, W_enc, b_enc2, W_gcn1, degp[0], degp[1])
    acc1 = _conv_call(g1, src3d, dst3d)
    g2 = _mid_call(acc1[0], acc1[1], g1, dinv, b_gcn1_2, W_upd1, b_upd1_2,
                   W_gcn2)
    acc2 = _conv_call(g2, src3d, dst3d)
    return _out_call(acc2[0], acc2[1], g2, dinv, b_gcn2_2, W_upd2, b_upd2_2)

# --- scband reference (transcript-rebuilt; emitter-appended) ---
"""Pipeline reference for scband-contact-gnn-22342419874448 (READ-ONLY COPY).

The authoritative reference and input builder live on the scoring server;
editing this copy changes nothing except your own understanding.
"""

import jax, jax.numpy as jnp
import numpy as np

N = 10000
D = 128
E = 320000


def _init_w(key, fan_in, fan_out):
    bound = 1.0 / np.sqrt(fan_in)
    return jax.random.uniform(key, (fan_in, fan_out), minval=-bound, maxval=bound, dtype=jnp.float32)


def _init_b(key, fan_in, fan_out):
    bound = 1.0 / np.sqrt(fan_in)
    return jax.random.uniform(key, (fan_out,), minval=-bound, maxval=bound, dtype=jnp.float32)


def setup_inputs(seed: int = 0) -> dict:
    key = jax.random.key(seed)
    ks = jax.random.split(key, 12)
    x = jax.random.normal(ks[0], (N, D), dtype=jnp.float32)
    edge_index = jax.random.randint(ks[1], (2, E), 0, N, dtype=jnp.int64)
    return {
        "x": x,
        "W_enc": _init_w(ks[2], D, D), "b_enc": _init_b(ks[3], D, D),
        "W_gcn1": _init_w(ks[4], D, D), "b_gcn1": _init_b(ks[5], D, D),
        "W_upd1": _init_w(ks[6], D, D), "b_upd1": _init_b(ks[7], D, D),
        "W_gcn2": _init_w(ks[8], D, D), "b_gcn2": _init_b(ks[9], D, D),
        "W_upd2": _init_w(ks[10], D, D), "b_upd2": _init_b(ks[11], D, D),
        "edge_index": edge_index,
    }


def _gcn_conv(x, edge_index, W, b):
    # PyG GCNConv: linear transform, symmetric normalization with added self loops,
    # scatter-add aggregation src -> dst, then bias.
    n = x.shape[0]
    loop = jnp.arange(n, dtype=edge_index.dtype)
    src = jnp.concatenate([edge_index[0], loop])
    dst = jnp.concatenate([edge_index[1], loop])
    deg = jnp.zeros((n,), dtype=x.dtype).at[dst].add(1.0)
    deg_inv_sqrt = jnp.where(deg > 0, 1.0 / jnp.sqrt(deg), 0.0)
    norm = deg_inv_sqrt[src] * deg_inv_sqrt[dst]
    h = x @ W
    msg = h[src] * norm[:, None]
    out = jax.ops.segment_sum(msg, dst, num_segments=n)
    return out + b


def reference(x, W_enc, b_enc, W_gcn1, b_gcn1, W_upd1, b_upd1, W_gcn2, b_gcn2, W_upd2, b_upd2, edge_index):
    # Encoder MLP: Linear + act (relu)
    h = jax.nn.relu(x @ W_enc + b_enc)
    # MP layer 1: GCNConv -> update Linear + act
    h = _gcn_conv(h, edge_index, W_gcn1, b_gcn1)
    h = jax.nn.relu(h @ W_upd1 + b_upd1)
    # MP layer 2: GCNConv -> update Linear + inner_act (relu)
    h = _gcn_conv(h, edge_index, W_gcn2, b_gcn2)
    h = jax.nn.relu(h @ W_upd2 + b_upd2)
    # head_architecture is None -> return latent node embeddings
    return h

if __name__ == "__main__":
    import jax
    _d = setup_inputs()
    print(jax.jit(kernel)(*tuple(_d.values())))

</pallas_src>

<mosaic_0001>
#map = affine_map<(d0, d1) -> (0, 0, 0)>
module attributes {stable_mosaic.version = 14 : i64} {
  func.func @_deg_body(%arg0: i32, %arg1: i32, %arg2: memref<64x50x100xi32, #tpu.memory_space<hbm>>, %arg3: memref<2x10240x128xf32, #tpu.memory_space<hbm>>, %arg4: memref<50x100xi32, #tpu.memory_space<vmem>>, %arg5: memref<100x128xf32, #tpu.memory_space<vmem>>, %arg6: memref<10240x128xf32, #tpu.memory_space<vmem_shared>>, %arg7: memref<!tpu.dma_semaphore, #tpu.memory_space<semaphore_mem>>) attributes {dimension_semantics = [#tpu.dimension_semantics<core_parallel>, #tpu.dimension_semantics<subcore_parallel>], iteration_bounds = array<i64: 2, 16>, scalar_prefetch = 0 : i64, scratch_operands = 4 : i64, tpu.core_type = #tpu.core_type<sc_vector_subcore>, window_params = [{transform_indices = #map}, {transform_indices = #map}]} {
    %mul3A = arith.constant 2 : i32
    %mul3A_0 = arith.muli %arg1, %mul3A : i32
    %add3A = arith.addi %mul3A_0, %arg0 : i32
    %broadcast_in_dim3A = arith.constant 0.000000e+00 : f32
    %broadcast_in_dim3A_1 = vector.broadcast %broadcast_in_dim3A : f32 to vector<16xf32>
    %scan3A = arith.constant 0 : i32
    %scan3A_2 = arith.constant 0 : i32
    %scan3A_3 = arith.constant 100 : i32
    %scan3A_4 = arith.addi %scan3A_2, %scan3A_3 : i32
    %scan3A_5 = arith.constant 1 : i32
    scf.for %scan3A_64 = %scan3A_2 to %scan3A_4 step %scan3A_5  : i32 {
      %swap3A = arith.index_cast %scan3A_64 : i32 to index
      %swap3A_65 = arith.constant 0 : index
      %swap3A_66 = tpu.vector_load %arg5[%swap3A, %swap3A_65] {strides = array<i32>} : memref<100x128xf32, #tpu.memory_space<vmem>>, vector<1x16xf32>,
      %swap3A_67 = vector.shape_cast %swap3A_66 : vector<1x16xf32> to vector<16xf32>
      %swap3A_68 = vector.shape_cast %broadcast_in_dim3A_1 : vector<16xf32> to vector<1x16xf32>
      tpu.vector_store %arg5[%swap3A, %swap3A_65], %swap3A_68 {strides = array<i32>} : memref<100x128xf32, #tpu.memory_space<vmem>>, vector<1x16xf32>,
      %swap3A_69 = arith.index_cast %scan3A_64 : i32 to index
      %swap3A_70 = arith.constant 16 : index
      %swap3A_71 = tpu.vector_load %arg5[%swap3A_69, %swap3A_70] {strides = array<i32>} : memref<100x128xf32, #tpu.memory_space<vmem>>, vector<1x16xf32>,
      %swap3A_72 = vector.shape_cast %swap3A_71 : vector<1x16xf32> to vector<16xf32>
      %swap3A_73 = vector.shape_cast %broadcast_in_dim3A_1 : vector<16xf32> to vector<1x16xf32>
      tpu.vector_store %arg5[%swap3A_69, %swap3A_70], %swap3A_73 {strides = array<i32>} : memref<100x128xf32, #tpu.memory_space<vmem>>, vector<1x16xf32>,
      %swap3A_74 = arith.index_cast %scan3A_64 : i32 to index
      %swap3A_75 = arith.constant 32 : index
      %swap3A_76 = tpu.vector_load %arg5[%swap3A_74, %swap3A_75] {strides = array<i32>} : memref<100x128xf32, #tpu.memory_space<vmem>>, vector<1x16xf32>,
      %swap3A_77 = vector.shape_cast %swap3A_76 : vector<1x16xf32> to vector<16xf32>
      %swap3A_78 = vector.shape_cast %broadcast_in_dim3A_1 : vector<16xf32> to vector<1x16xf32>
      tpu.vector_store %arg5[%swap3A_74, %swap3A_75], %swap3A_78 {strides = array<i32>} : memref<100x128xf32, #tpu.memory_space<vmem>>, vector<1x16xf32>,
      %swap3A_79 = arith.index_cast %scan3A_64 : i32 to index
      %swap3A_80 = arith.constant 48 : index
      %swap3A_81 = tpu.vector_load %arg5[%swap3A_79, %swap3A_80] {strides = array<i32>} : memref<100x128xf32, #tpu.memory_space<vmem>>, vector<1x16xf32>,
      %swap3A_82 = vector.shape_cast %swap3A_81 : vector<1x16xf32> to vector<16xf32>
      %swap3A_83 = vector.shape_cast %broadcast_in_dim3A_1 : vector<16xf32> to vector<1x16xf32>
      tpu.vector_store %arg5[%swap3A_79, %swap3A_80], %swap3A_83 {strides = array<i32>} : memref<100x128xf32, #tpu.memory_space<vmem>>, vector<1x16xf32>,
      %swap3A_84 = arith.index_cast %scan3A_64 : i32 to index
      %swap3A_85 = arith.constant 64 : index
      %swap3A_86 = tpu.vector_load %arg5[%swap3A_84, %swap3A_85] {strides = array<i32>} : memref<100x128xf32, #tpu.memory_space<vmem>>, vector<1x16xf32>,
      %swap3A_87 = vector.shape_cast %swap3A_86 : vector<1x16xf32> to vector<16xf32>
      %swap3A_88 = vector.shape_cast %broadcast_in_dim3A_1 : vector<16xf32> to vector<1x16xf32>
      tpu.vector_store %arg5[%swap3A_84, %swap3A_85], %swap3A_88 {strides = array<i32>} : memref<100x128xf32, #tpu.memory_space<vmem>>, vector<1x16xf32>,
      %swap3A_89 = arith.index_cast %scan3A_64 : i32 to index
      %swap3A_90 = arith.constant 80 : index
      %swap3A_91 = tpu.vector_load %arg5[%swap3A_89, %swap3A_90] {strides = array<i32>} : memref<100x128xf32, #tpu.memory_space<vmem>>, vector<1x16xf32>,
      %swap3A_92 = vector.shape_cast %swap3A_91 : vector<1x16xf32> to vector<16xf32>
      %swap3A_93 = vector.shape_cast %broadcast_in_dim3A_1 : vector<16xf32> to vector<1x16xf32>
      tpu.vector_store %arg5[%swap3A_89, %swap3A_90], %swap3A_93 {strides = array<i32>} : memref<100x128xf32, #tpu.memory_space<vmem>>, vector<1x16xf32>,
      %swap3A_94 = arith.index_cast %scan3A_64 : i32 to index
      %swap3A_95 = arith.constant 96 : index
      %swap3A_96 = tpu.vector_load %arg5[%swap3A_94, %swap3A_95] {strides = array<i32>} : memref<100x128xf32, #tpu.memory_space<vmem>>, vector<1x16xf32>,
      %swap3A_97 = vector.shape_cast %swap3A_96 : vector<1x16xf32> to vector<16xf32>
      %swap3A_98 = vector.shape_cast %broadcast_in_dim3A_1 : vector<16xf32> to vector<1x16xf32>
      tpu.vector_store %arg5[%swap3A_94, %swap3A_95], %swap3A_98 {strides = array<i32>} : memref<100x128xf32, #tpu.memory_space<vmem>>, vector<1x16xf32>,
      %swap3A_99 = arith.index_cast %scan3A_64 : i32 to index
      %swap3A_100 = arith.constant 112 : index
      %swap3A_101 = tpu.vector_load %arg5[%swap3A_99, %swap3A_100] {strides = array<i32>} : memref<100x128xf32, #tpu.memory_space<vmem>>, vector<1x16xf32>,
      %swap3A_102 = vector.shape_cast %swap3A_101 : vector<1x16xf32> to vector<16xf32>
      %swap3A_103 = vector.shape_cast %broadcast_in_dim3A_1 : vector<16xf32> to vector<1x16xf32>
      tpu.vector_store %arg5[%swap3A_99, %swap3A_100], %swap3A_103 {strides = array<i32>} : memref<100x128xf32, #tpu.memory_space<vmem>>, vector<1x16xf32>,
    }
    %scan3A_6 = arith.constant 100 : i32
    %mul3A_7 = arith.constant 640 : i32
    %mul3A_8 = arith.muli %arg1, %mul3A_7 : i32
    %add3A_9 = arith.constant 0 : i32
    %add3A_10 = arith.addi %mul3A_8, %add3A_9 : i32
    "tpu.region"() ({
      %run_scoped3A = tpu.sem_alloc : memref<!tpu.dma_semaphore, #tpu.memory_space<semaphore_mem>>
      %dma_start3A = arith.constant 0 : i32
      %dma_start3A_64 = tpu.memref_slice %arg6[%add3A_10, %dma_start3A] : memref<10240x128xf32, #tpu.memory_space<vmem_shared>> -> memref<100x128xf32, #tpu.memory_space<vmem_shared>>
      %dma_start3A_65 = arith.constant 0 : i32
      %dma_start3A_66 = tpu.memref_slice %arg6[%add3A_10, %dma_start3A_65] : memref<10240x128xf32, #tpu.memory_space<vmem_shared>> -> memref<100x128xf32, #tpu.memory_space<vmem_shared>>
      tpu.enqueue_dma source(%arg5 : memref<100x128xf32, #tpu.memory_space<vmem>>) target(%dma_start3A_66 : memref<100x128xf32, #tpu.memory_space<vmem_shared>>) target_semaphore(%run_scoped3A : memref<!tpu.dma_semaphore, #tpu.memory_space<semaphore_mem>>)
      %dma_wait3A = arith.constant 0 : i32
      %dma_wait3A_67 = tpu.memref_slice %arg6[%add3A_10, %dma_wait3A] : memref<10240x128xf32, #tpu.memory_space<vmem_shared>> -> memref<100x128xf32, #tpu.memory_space<vmem_shared>>
      %dma_wait3A_68 = arith.constant 0 : i32
      %dma_wait3A_69 = tpu.memref_slice %arg6[%add3A_10, %dma_wait3A_68] : memref<10240x128xf32, #tpu.memory_space<vmem_shared>> -> memref<100x128xf32, #tpu.memory_space<vmem_shared>>
      tpu.wait_dma2 semaphore(%run_scoped3A : memref<!tpu.dma_semaphore, #tpu.memory_space<semaphore_mem>>) src(%arg5 : memref<100x128xf32, #tpu.memory_space<vmem>>) dst(%dma_wait3A_69 : memref<100x128xf32, #tpu.memory_space<vmem_shared>>)
      tpu.yield
    }) : () -> ()
    %add3A_11 = arith.constant 100 : i32
    %add3A_12 = arith.addi %mul3A_8, %add3A_11 : i32
    "tpu.region"() ({
      %run_scoped3A = tpu.sem_alloc : memref<!tpu.dma_semaphore, #tpu.memory_space<semaphore_mem>>
      %dma_start3A = arith.constant 0 : i32
      %dma_start3A_64 = tpu.memref_slice %arg6[%add3A_12, %dma_start3A] : memref<10240x128xf32, #tpu.memory_space<vmem_shared>> -> memref<100x128xf32, #tpu.memory_space<vmem_shared>>
      %dma_start3A_65 = arith.constant 0 : i32
      %dma_start3A_66 = tpu.memref_slice %arg6[%add3A_12, %dma_start3A_65] : memref<10240x128xf32, #tpu.memory_space<vmem_shared>> -> memref<100x128xf32, #tpu.memory_space<vmem_shared>>
      tpu.enqueue_dma source(%arg5 : memref<100x128xf32, #tpu.memory_space<vmem>>) target(%dma_start3A_66 : memref<100x128xf32, #tpu.memory_space<vmem_shared>>) target_semaphore(%run_scoped3A : memref<!tpu.dma_semaphore, #tpu.memory_space<semaphore_mem>>)
      %dma_wait3A = arith.constant 0 : i32
      %dma_wait3A_67 = tpu.memref_slice %arg6[%add3A_12, %dma_wait3A] : memref<10240x128xf32, #tpu.memory_space<vmem_shared>> -> memref<100x128xf32, #tpu.memory_space<vmem_shared>>
      %dma_wait3A_68 = arith.constant 0 : i32
      %dma_wait3A_69 = tpu.memref_slice %arg6[%add3A_12, %dma_wait3A_68] : memref<10240x128xf32, #tpu.memory_space<vmem_shared>> -> memref<100x128xf32, #tpu.memory_space<vmem_shared>>
      tpu.wait_dma2 semaphore(%run_scoped3A : memref<!tpu.dma_semaphore, #tpu.memory_space<semaphore_mem>>) src(%arg5 : memref<100x128xf32, #tpu.memory_space<vmem>>) dst(%dma_wait3A_69 : memref<100x128xf32, #tpu.memory_space<vmem_shared>>)
      tpu.yield
    }) : () -> ()
    %add3A_13 = arith.constant 200 : i32
    %add3A_14 = arith.addi %mul3A_8, %add3A_13 : i32
    "tpu.region"() ({
      %run_scoped3A = tpu.sem_alloc : memref<!tpu.dma_semaphore, #tpu.memory_space<semaphore_mem>>
      %dma_start3A = arith.constant 0 : i32
      %dma_start3A_64 = tpu.memref_slice %arg6[%add3A_14, %dma_start3A] : memref<10240x128xf32, #tpu.memory_space<vmem_shared>> -> memref<100x128xf32, #tpu.memory_space<vmem_shared>>
      %dma_start3A_65 = arith.constant 0 : i32
      %dma_start3A_66 = tpu.memref_slice %arg6[%add3A_14, %dma_start3A_65] : memref<10240x128xf32, #tpu.memory_space<vmem_shared>> -> memref<100x128xf32, #tpu.memory_space<vmem_shared>>
      tpu.enqueue_dma source(%arg5 : memref<100x128xf32, #tpu.memory_space<vmem>>) target(%dma_start3A_66 : memref<100x128xf32, #tpu.memory_space<vmem_shared>>) target_semaphore(%run_scoped3A : memref<!tpu.dma_semaphore, #tpu.memory_space<semaphore_mem>>)
      %dma_wait3A = arith.constant 0 : i32
      %dma_wait3A_67 = tpu.memref_slice %arg6[%add3A_14, %dma_wait3A] : memref<10240x128xf32, #tpu.memory_space<vmem_shared>> -> memref<100x128xf32, #tpu.memory_space<vmem_shared>>
      %dma_wait3A_68 = arith.constant 0 : i32
      %dma_wait3A_69 = tpu.memref_slice %arg6[%add3A_14, %dma_wait3A_68] : memref<10240x128xf32, #tpu.memory_space<vmem_shared>> -> memref<100x128xf32, #tpu.memory_space<vmem_shared>>
      tpu.wait_dma2 semaphore(%run_scoped3A : memref<!tpu.dma_semaphore, #tpu.memory_space<semaphore_mem>>) src(%arg5 : memref<100x128xf32, #tpu.memory_space<vmem>>) dst(%dma_wait3A_69 : memref<100x128xf32, #tpu.memory_space<vmem_shared>>)
      tpu.yield
    }) : () -> ()
    %add3A_15 = arith.constant 300 : i32
    %add3A_16 = arith.addi %mul3A_8, %add3A_15 : i32
    "tpu.region"() ({
      %run_scoped3A = tpu.sem_alloc : memref<!tpu.dma_semaphore, #tpu.memory_space<semaphore_mem>>
      %dma_start3A = arith.constant 0 : i32
      %dma_start3A_64 = tpu.memref_slice %arg6[%add3A_16, %dma_start3A] : memref<10240x128xf32, #tpu.memory_space<vmem_shared>> -> memref<100x128xf32, #tpu.memory_space<vmem_shared>>
      %dma_start3A_65 = arith.constant 0 : i32
      %dma_start3A_66 = tpu.memref_slice %arg6[%add3A_16, %dma_start3A_65] : memref<10240x128xf32, #tpu.memory_space<vmem_shared>> -> memref<100x128xf32, #tpu.memory_space<vmem_shared>>
      tpu.enqueue_dma source(%arg5 : memref<100x128xf32, #tpu.memory_space<vmem>>) target(%dma_start3A_66 : memref<100x128xf32, #tpu.memory_space<vmem_shared>>) target_semaphore(%run_scoped3A : memref<!tpu.dma_semaphore, #tpu.memory_space<semaphore_mem>>)
      %dma_wait3A = arith.constant 0 : i32
      %dma_wait3A_67 = tpu.memref_slice %arg6[%add3A_16, %dma_wait3A] : memref<10240x128xf32, #tpu.memory_space<vmem_shared>> -> memref<100x128xf32, #tpu.memory_space<vmem_shared>>
      %dma_wait3A_68 = arith.constant 0 : i32
      %dma_wait3A_69 = tpu.memref_slice %arg6[%add3A_16, %dma_wait3A_68] : memref<10240x128xf32, #tpu.memory_space<vmem_shared>> -> memref<100x128xf32, #tpu.memory_space<vmem_shared>>
      tpu.wait_dma2 semaphore(%run_scoped3A : memref<!tpu.dma_semaphore, #tpu.memory_space<semaphore_mem>>) src(%arg5 : memref<100x128xf32, #tpu.memory_space<vmem>>) dst(%dma_wait3A_69 : memref<100x128xf32, #tpu.memory_space<vmem_shared>>)
      tpu.yield
    }) : () -> ()
    %add3A_17 = arith.constant 400 : i32
    %add3A_18 = arith.addi %mul3A_8, %add3A_17 : i32
    "tpu.region"() ({
      %run_scoped3A = tpu.sem_alloc : memref<!tpu.dma_semaphore, #tpu.memory_space<semaphore_mem>>
      %dma_start3A = arith.constant 0 : i32
      %dma_start3A_64 = tpu.memref_slice %arg6[%add3A_18, %dma_start3A] : memref<10240x128xf32, #tpu.memory_space<vmem_shared>> -> memref<100x128xf32, #tpu.memory_space<vmem_shared>>
      %dma_start3A_65 = arith.constant 0 : i32
      %dma_start3A_66 = tpu.memref_slice %arg6[%add3A_18, %dma_start3A_65] : memref<10240x128xf32, #tpu.memory_space<vmem_shared>> -> memref<100x128xf32, #tpu.memory_space<vmem_shared>>
      tpu.enqueue_dma source(%arg5 : memref<100x128xf32, #tpu.memory_space<vmem>>) target(%dma_start3A_66 : memref<100x128xf32, #tpu.memory_space<vmem_shared>>) target_semaphore(%run_scoped3A : memref<!tpu.dma_semaphore, #tpu.memory_space<semaphore_mem>>)
      %dma_wait3A = arith.constant 0 : i32
      %dma_wait3A_67 = tpu.memref_slice %arg6[%add3A_18, %dma_wait3A] : memref<10240x128xf32, #tpu.memory_space<vmem_shared>> -> memref<100x128xf32, #tpu.memory_space<vmem_shared>>
      %dma_wait3A_68 = arith.constant 0 : i32
      %dma_wait3A_69 = tpu.memref_slice %arg6[%add3A_18, %dma_wait3A_68] : memref<10240x128xf32, #tpu.memory_space<vmem_shared>> -> memref<100x128xf32, #tpu.memory_space<vmem_shared>>
      tpu.wait_dma2 semaphore(%run_scoped3A : memref<!tpu.dma_semaphore, #tpu.memory_space<semaphore_mem>>) src(%arg5 : memref<100x128xf32, #tpu.memory_space<vmem>>) dst(%dma_wait3A_69 : memref<100x128xf32, #tpu.memory_space<vmem_shared>>)
      tpu.yield
    }) : () -> ()
    %add3A_19 = arith.constant 500 : i32
    %add3A_20 = arith.addi %mul3A_8, %add3A_19 : i32
    "tpu.region"() ({
      %run_scoped3A = tpu.sem_alloc : memref<!tpu.dma_semaphore, #tpu.memory_space<semaphore_mem>>
      %dma_start3A = arith.constant 0 : i32
      %dma_start3A_64 = tpu.memref_slice %arg6[%add3A_20, %dma_start3A] : memref<10240x128xf32, #tpu.memory_space<vmem_shared>> -> memref<100x128xf32, #tpu.memory_space<vmem_shared>>
      %dma_start3A_65 = arith.constant 0 : i32
      %dma_start3A_66 = tpu.memref_slice %arg6[%add3A_20, %dma_start3A_65] : memref<10240x128xf32, #tpu.memory_space<vmem_shared>> -> memref<100x128xf32, #tpu.memory_space<vmem_shared>>
      tpu.enqueue_dma source(%arg5 : memref<100x128xf32, #tpu.memory_space<vmem>>) target(%dma_start3A_66 : memref<100x128xf32, #tpu.memory_space<vmem_shared>>) target_semaphore(%run_scoped3A : memref<!tpu.dma_semaphore, #tpu.memory_space<semaphore_mem>>)
      %dma_wait3A = arith.constant 0 : i32
      %dma_wait3A_67 = tpu.memref_slice %arg6[%add3A_20, %dma_wait3A] : memref<10240x128xf32, #tpu.memory_space<vmem_shared>> -> memref<100x128xf32, #tpu.memory_space<vmem_shared>>
      %dma_wait3A_68 = arith.constant 0 : i32
      %dma_wait3A_69 = tpu.memref_slice %arg6[%add3A_20, %dma_wait3A_68] : memref<10240x128xf32, #tpu.memory_space<vmem_shared>> -> memref<100x128xf32, #tpu.memory_space<vmem_shared>>
      tpu.wait_dma2 semaphore(%run_scoped3A : memref<!tpu.dma_semaphore, #tpu.memory_space<semaphore_mem>>) src(%arg5 : memref<100x128xf32, #tpu.memory_space<vmem>>) dst(%dma_wait3A_69 : memref<100x128xf32, #tpu.memory_space<vmem_shared>>)
      tpu.yield
    }) : () -> ()
    %add3A_21 = arith.constant 600 : i32
    %add3A_22 = arith.addi %mul3A_8, %add3A_21 : i32
    "tpu.region"() ({
      %run_scoped3A = tpu.sem_alloc : memref<!tpu.dma_semaphore, #tpu.memory_space<semaphore_mem>>
      %dma_start3A = arith.constant 0 : i32
      %dma_start3A_64 = arith.constant 0 : i32
      %dma_start3A_65 = tpu.memref_slice %arg5[%dma_start3A, %dma_start3A_64] : memref<100x128xf32, #tpu.memory_space<vmem>> -> memref<40x128xf32, #tpu.memory_space<vmem>>
      %dma_start3A_66 = arith.constant 0 : i32
      %dma_start3A_67 = tpu.memref_slice %arg6[%add3A_22, %dma_start3A_66] : memref<10240x128xf32, #tpu.memory_space<vmem_shared>> -> memref<40x128xf32, #tpu.memory_space<vmem_shared>>
      %dma_start3A_68 = arith.constant 0 : i32
      %dma_start3A_69 = tpu.memref_slice %arg6[%add3A_22, %dma_start3A_68] : memref<10240x128xf32, #tpu.memory_space<vmem_shared>> -> memref<40x128xf32, #tpu.memory_space<vmem_shared>>
      %dma_start3A_70 = arith.constant 0 : i32
      %dma_start3A_71 = arith.constant 0 : i32
      %dma_start3A_72 = tpu.memref_slice %arg5[%dma_start3A_70, %dma_start3A_71] : memref<100x128xf32, #tpu.memory_space<vmem>> -> memref<40x128xf32, #tpu.memory_space<vmem>>
      tpu.enqueue_dma source(%dma_start3A_72 : memref<40x128xf32, #tpu.memory_space<vmem>>) target(%dma_start3A_69 : memref<40x128xf32, #tpu.memory_space<vmem_shared>>) target_semaphore(%run_scoped3A : memref<!tpu.dma_semaphore, #tpu.memory_space<semaphore_mem>>)
      %dma_wait3A = arith.constant 0 : i32
      %dma_wait3A_73 = arith.constant 0 : i32
      %dma_wait3A_74 = tpu.memref_slice %arg5[%dma_wait3A, %dma_wait3A_73] : memref<100x128xf32, #tpu.memory_space<vmem>> -> memref<40x128xf32, #tpu.memory_space<vmem>>
      %dma_wait3A_75 = arith.constant 0 : i32
      %dma_wait3A_76 = tpu.memref_slice %arg6[%add3A_22, %dma_wait3A_75] : memref<10240x128xf32, #tpu.memory_space<vmem_shared>> -> memref<40x128xf32, #tpu.memory_space<vmem_shared>>
      %dma_wait3A_77 = arith.constant 0 : i32
      %dma_wait3A_78 = tpu.memref_slice %arg6[%add3A_22, %dma_wait3A_77] : memref<10240x128xf32, #tpu.memory_space<vmem_shared>> -> memref<40x128xf32, #tpu.memory_space<vmem_shared>>
      %dma_wait3A_79 = arith.constant 0 : i32
      %dma_wait3A_80 = arith.constant 0 : i32
      %dma_wait3A_81 = tpu.memref_slice %arg5[%dma_wait3A_79, %dma_wait3A_80] : memref<100x128xf32, #tpu.memory_space<vmem>> -> memref<40x128xf32, #tpu.memory_space<vmem>>
      tpu.wait_dma2 semaphore(%run_scoped3A : memref<!tpu.dma_semaphore, #tpu.memory_space<semaphore_mem>>) src(%dma_wait3A_81 : memref<40x128xf32, #tpu.memory_space<vmem>>) dst(%dma_wait3A_78 : memref<40x128xf32, #tpu.memory_space<vmem_shared>>)
      tpu.yield
    }) : () -> ()
    %broadcast_in_dim3A_23 = arith.constant 1.000000e+00 : f32
    %broadcast_in_dim3A_24 = vector.broadcast %broadcast_in_dim3A_23 : f32 to vector<16xf32>
    %scan3A_25 = arith.constant 0 : i32
    %scan3A_26 = arith.constant 0 : i32
    %scan3A_27 = arith.constant 100 : i32
    %scan3A_28 = arith.addi %scan3A_26, %scan3A_27 : i32
    %scan3A_29 = arith.constant 1 : i32
    scf.for %scan3A_64 = %scan3A_26 to %scan3A_28 step %scan3A_29  : i32 {
      %swap3A = arith.index_cast %scan3A_64 : i32 to index
      %swap3A_65 = arith.constant 0 : index
      %swap3A_66 = tpu.vector_load %arg5[%swap3A, %swap3A_65] {strides = array<i32>} : memref<100x128xf32, #tpu.memory_space<vmem>>, vector<1x16xf32>,
      %swap3A_67 = vector.shape_cast %swap3A_66 : vector<1x16xf32> to vector<16xf32>
      %swap3A_68 = vector.shape_cast %broadcast_in_dim3A_24 : vector<16xf32> to vector<1x16xf32>
      tpu.vector_store %arg5[%swap3A, %swap3A_65], %swap3A_68 {strides = array<i32>} : memref<100x128xf32, #tpu.memory_space<vmem>>, vector<1x16xf32>,
      %swap3A_69 = arith.index_cast %scan3A_64 : i32 to index
      %swap3A_70 = arith.constant 16 : index
      %swap3A_71 = tpu.vector_load %arg5[%swap3A_69, %swap3A_70] {strides = array<i32>} : memref<100x128xf32, #tpu.memory_space<vmem>>, vector<1x16xf32>,
      %swap3A_72 = vector.shape_cast %swap3A_71 : vector<1x16xf32> to vector<16xf32>
      %swap3A_73 = vector.shape_cast %broadcast_in_dim3A_24 : vector<16xf32> to vector<1x16xf32>
      tpu.vector_store %arg5[%swap3A_69, %swap3A_70], %swap3A_73 {strides = array<i32>} : memref<100x128xf32, #tpu.memory_space<vmem>>, vector<1x16xf32>,
      %swap3A_74 = arith.index_cast %scan3A_64 : i32 to index
      %swap3A_75 = arith.constant 32 : index
      %swap3A_76 = tpu.vector_load %arg5[%swap3A_74, %swap3A_75] {strides = array<i32>} : memref<100x128xf32, #tpu.memory_space<vmem>>, vector<1x16xf32>,
      %swap3A_77 = vector.shape_cast %swap3A_76 : vector<1x16xf32> to vector<16xf32>
      %swap3A_78 = vector.shape_cast %broadcast_in_dim3A_24 : vector<16xf32> to vector<1x16xf32>
      tpu.vector_store %arg5[%swap3A_74, %swap3A_75], %swap3A_78 {strides = array<i32>} : memref<100x128xf32, #tpu.memory_space<vmem>>, vector<1x16xf32>,
      %swap3A_79 = arith.index_cast %scan3A_64 : i32 to index
      %swap3A_80 = arith.constant 48 : index
      %swap3A_81 = tpu.vector_load %arg5[%swap3A_79, %swap3A_80] {strides = array<i32>} : memref<100x128xf32, #tpu.memory_space<vmem>>, vector<1x16xf32>,
      %swap3A_82 = vector.shape_cast %swap3A_81 : vector<1x16xf32> to vector<16xf32>
      %swap3A_83 = vector.shape_cast %broadcast_in_dim3A_24 : vector<16xf32> to vector<1x16xf32>
      tpu.vector_store %arg5[%swap3A_79, %swap3A_80], %swap3A_83 {strides = array<i32>} : memref<100x128xf32, #tpu.memory_space<vmem>>, vector<1x16xf32>,
      %swap3A_84 = arith.index_cast %scan3A_64 : i32 to index
      %swap3A_85 = arith.constant 64 : index
      %swap3A_86 = tpu.vector_load %arg5[%swap3A_84, %swap3A_85] {strides = array<i32>} : memref<100x128xf32, #tpu.memory_space<vmem>>, vector<1x16xf32>,
      %swap3A_87 = vector.shape_cast %swap3A_86 : vector<1x16xf32> to vector<16xf32>
      %swap3A_88 = vector.shape_cast %broadcast_in_dim3A_24 : vector<16xf32> to vector<1x16xf32>
      tpu.vector_store %arg5[%swap3A_84, %swap3A_85], %swap3A_88 {strides = array<i32>} : memref<100x128xf32, #tpu.memory_space<vmem>>, vector<1x16xf32>,
      %swap3A_89 = arith.index_cast %scan3A_64 : i32 to index
      %swap3A_90 = arith.constant 80 : index
      %swap3A_91 = tpu.vector_load %arg5[%swap3A_89, %swap3A_90] {strides = array<i32>} : memref<100x128xf32, #tpu.memory_space<vmem>>, vector<1x16xf32>,
      %swap3A_92 = vector.shape_cast %swap3A_91 : vector<1x16xf32> to vector<16xf32>
      %swap3A_93 = vector.shape_cast %broadcast_in_dim3A_24 : vector<16xf32> to vector<1x16xf32>
      tpu.vector_store %arg5[%swap3A_89, %swap3A_90], %swap3A_93 {strides = array<i32>} : memref<100x128xf32, #tpu.memory_space<vmem>>, vector<1x16xf32>,
      %swap3A_94 = arith.index_cast %scan3A_64 : i32 to index
      %swap3A_95 = arith.constant 96 : index
      %swap3A_96 = tpu.vector_load %arg5[%swap3A_94, %swap3A_95] {strides = array<i32>} : memref<100x128xf32, #tpu.memory_space<vmem>>, vector<1x16xf32>,
      %swap3A_97 = vector.shape_cast %swap3A_96 : vector<1x16xf32> to vector<16xf32>
      %swap3A_98 = vector.shape_cast %broadcast_in_dim3A_24 : vector<16xf32> to vector<1x16xf32>
      tpu.vector_store %arg5[%swap3A_94, %swap3A_95], %swap3A_98 {strides = array<i32>} : memref<100x128xf32, #tpu.memory_space<vmem>>, vector<1x16xf32>,
      %swap3A_99 = arith.index_cast %scan3A_64 : i32 to index
      %swap3A_100 = arith.constant 112 : index
      %swap3A_101 = tpu.vector_load %arg5[%swap3A_99, %swap3A_100] {strides = array<i32>} : memref<100x128xf32, #tpu.memory_space<vmem>>, vector<1x16xf32>,
      %swap3A_102 = vector.shape_cast %swap3A_101 : vector<1x16xf32> to vector<16xf32>
      %swap3A_103 = vector.shape_cast %broadcast_in_dim3A_24 : vector<16xf32> to vector<1x16xf32>
      tpu.vector_store %arg5[%swap3A_99, %swap3A_100], %swap3A_103 {strides = array<i32>} : memref<100x128xf32, #tpu.memory_space<vmem>>, vector<1x16xf32>,
    }
    %scan3A_30 = arith.constant 100 : i32
    %barrier3A = arith.constant 0 : index
    tpu.barrier barrier_id(%barrier3A)
    %mul3A_31 = arith.constant 2 : i32
    %mul3A_32 = arith.muli %add3A, %mul3A_31 : i32
    %add3A_33 = arith.constant 0 : i32
    %add3A_34 = arith.addi %mul3A_32, %add3A_33 : i32
    "tpu.region"() ({
      %run_scoped3A = tpu.sem_alloc : memref<!tpu.dma_semaphore, #tpu.memory_space<semaphore_mem>>
      %dma_start3A = arith.constant 0 : i32
      %dma_start3A_64 = arith.constant 0 : i32
      %dma_start3A_65 = tpu.memref_slice %arg2[%add3A_34, %dma_start3A, %dma_start3A_64] : memref<64x50x100xi32, #tpu.memory_space<hbm>> -> memref<1x50x100xi32, #tpu.memory_space<hbm>>
      %dma_start3A_66 = tpu.memref_squeeze %dma_start3A_65 : memref<1x50x100xi32, #tpu.memory_space<hbm>> -> memref<50x100xi32, #tpu.memory_space<hbm>>
      %dma_start3A_67 = arith.constant 0 : i32
      %dma_start3A_68 = arith.constant 0 : i32
      %dma_start3A_69 = tpu.memref_slice %arg2[%add3A_34, %dma_start3A_67, %dma_start3A_68] : memref<64x50x100xi32, #tpu.memory_space<hbm>> -> memref<1x50x100xi32, #tpu.memory_space<hbm>>
      %dma_start3A_70 = tpu.memref_squeeze %dma_start3A_69 : memref<1x50x100xi32, #tpu.memory_space<hbm>> -> memref<50x100xi32, #tpu.memory_space<hbm>>
      tpu.enqueue_dma source(%dma_start3A_70 : memref<50x100xi32, #tpu.memory_space<hbm>>) target(%arg4 : memref<50x100xi32, #tpu.memory_space<vmem>>) target_semaphore(%run_scoped3A : memref<!tpu.dma_semaphore, #tpu.memory_space<semaphore_mem>>)
      %dma_wait3A = arith.constant 0 : i32
      %dma_wait3A_71 = arith.constant 0 : i32
      %dma_wait3A_72 = tpu.memref_slice %arg2[%add3A_34, %dma_wait3A, %dma_wait3A_71] : memref<64x50x100xi32, #tpu.memory_space<hbm>> -> memref<1x50x100xi32, #tpu.memory_space<hbm>>
      %dma_wait3A_73 = tpu.memref_squeeze %dma_wait3A_72 : memref<1x50x100xi32, #tpu.memory_space<hbm>> -> memref<50x100xi32, #tpu.memory_space<hbm>>
      %dma_wait3A_74 = arith.constant 0 : i32
      %dma_wait3A_75 = arith.constant 0 : i32
      %dma_wait3A_76 = tpu.memref_slice %arg2[%add3A_34, %dma_wait3A_74, %dma_wait3A_75] : memref<64x50x100xi32, #tpu.memory_space<hbm>> -> memref<1x50x100xi32, #tpu.memory_space<hbm>>
      %dma_wait3A_77 = tpu.memref_squeeze %dma_wait3A_76 : memref<1x50x100xi32, #tpu.memory_space<hbm>> -> memref<50x100xi32, #tpu.memory_space<hbm>>
      tpu.wait_dma2 semaphore(%run_scoped3A : memref<!tpu.dma_semaphore, #tpu.memory_space<semaphore_mem>>) src(%dma_wait3A_77 : memref<50x100xi32, #tpu.memory_space<hbm>>) dst(%arg4 : memref<50x100xi32, #tpu.memory_space<vmem>>)
      tpu.yield
    }) : () -> ()
    %scan3A_35 = arith.constant 0 : i32
    %scan3A_36 = arith.constant 0 : i32
    %scan3A_37 = arith.constant 50 : i32
    %scan3A_38 = arith.addi %scan3A_36, %scan3A_37 : i32
    %scan3A_39 = arith.constant 1 : i32
    scf.for %scan3A_64 = %scan3A_36 to %scan3A_38 step %scan3A_39  : i32 {
      %dma_start3A = arith.constant 0 : i32
      %dma_start3A_65 = tpu.memref_slice %arg4[%scan3A_64, %dma_start3A] : memref<50x100xi32, #tpu.memory_space<vmem>> -> memref<1x100xi32, #tpu.memory_space<vmem>>
      %dma_start3A_66 = tpu.memref_squeeze %dma_start3A_65 : memref<1x100xi32, #tpu.memory_space<vmem>> -> memref<100xi32, #tpu.memory_space<vmem>>
      %dma_start3A_67 = arith.constant 0 : i32
      %dma_start3A_68 = arith.constant 0 : i32
      %dma_start3A_69 = tpu.memref_slice %arg6[%dma_start3A_67, %dma_start3A_68] : memref<10240x128xf32, #tpu.memory_space<vmem_shared>> -> memref<10240x128xf32, #tpu.memory_space<vmem_shared>>
      tpu.enqueue_indirect_dma source(%arg5 : memref<100x128xf32, #tpu.memory_space<vmem>>) target(%dma_start3A_69 : memref<10240x128xf32, #tpu.memory_space<vmem_shared>>) offsets(%dma_start3A_66 : memref<100xi32, #tpu.memory_space<vmem>>) semaphore(%arg7 : memref<!tpu.dma_semaphore, #tpu.memory_space<semaphore_mem>>) {add = true}
    }
    %scan3A_40 = arith.constant 50 : i32
    %scan3A_41 = arith.constant 0 : i32
    %scan3A_42 = arith.constant 0 : i32
    %scan3A_43 = arith.constant 50 : i32
    %scan3A_44 = arith.addi %scan3A_42, %scan3A_43 : i32
    %scan3A_45 = arith.constant 1 : i32
    scf.for %scan3A_64 = %scan3A_42 to %scan3A_44 step %scan3A_45  : i32 {
      %dma_wait3A = arith.constant 0 : i32
      %dma_wait3A_65 = arith.constant 0 : i32
      %dma_wait3A_66 = tpu.memref_slice %arg4[%dma_wait3A, %dma_wait3A_65] : memref<50x100xi32, #tpu.memory_space<vmem>> -> memref<1x100xi32, #tpu.memory_space<vmem>>
      %dma_wait3A_67 = tpu.memref_squeeze %dma_wait3A_66 : memref<1x100xi32, #tpu.memory_space<vmem>> -> memref<100xi32, #tpu.memory_space<vmem>>
      %dma_wait3A_68 = arith.constant 0 : i32
      %dma_wait3A_69 = arith.constant 0 : i32
      %dma_wait3A_70 = tpu.memref_slice %arg6[%dma_wait3A_68, %dma_wait3A_69] : memref<10240x128xf32, #tpu.memory_space<vmem_shared>> -> memref<10240x128xf32, #tpu.memory_space<vmem_shared>>
      tpu.wait_indirect_dma semaphore(%arg7 : memref<!tpu.dma_semaphore, #tpu.memory_space<semaphore_mem>>) src(%arg5 : memref<100x128xf32, #tpu.memory_space<vmem>>) dst(%dma_wait3A_70 : memref<10240x128xf32, #tpu.memory_space<vmem_shared>>)
    }
    %scan3A_46 = arith.constant 50 : i32
    %mul3A_47 = arith.constant 2 : i32
    %mul3A_48 = arith.muli %add3A, %mul3A_47 : i32
    %add3A_49 = arith.constant 1 : i32
    %add3A_50 = arith.addi %mul3A_48, %add3A_49 : i32
    "tpu.region"() ({
      %run_scoped3A = tpu.sem_alloc : memref<!tpu.dma_semaphore, #tpu.memory_space<semaphore_mem>>
      %dma_start3A = arith.constant 0 : i32
      %dma_start3A_64 = arith.constant 0 : i32
      %dma_start3A_65 = tpu.memref_slice %arg2[%add3A_50, %dma_start3A, %dma_start3A_64] : memref<64x50x100xi32, #tpu.memory_space<hbm>> -> memref<1x50x100xi32, #tpu.memory_space<hbm>>
      %dma_start3A_66 = tpu.memref_squeeze %dma_start3A_65 : memref<1x50x100xi32, #tpu.memory_space<hbm>> -> memref<50x100xi32, #tpu.memory_space<hbm>>
      %dma_start3A_67 = arith.constant 0 : i32
      %dma_start3A_68 = arith.constant 0 : i32
      %dma_start3A_69 = tpu.memref_slice %arg2[%add3A_50, %dma_start3A_67, %dma_start3A_68] : memref<64x50x100xi32, #tpu.memory_space<hbm>> -> memref<1x50x100xi32, #tpu.memory_space<hbm>>
      %dma_start3A_70 = tpu.memref_squeeze %dma_start3A_69 : memref<1x50x100xi32, #tpu.memory_space<hbm>> -> memref<50x100xi32, #tpu.memory_space<hbm>>
      tpu.enqueue_dma source(%dma_start3A_70 : memref<50x100xi32, #tpu.memory_space<hbm>>) target(%arg4 : memref<50x100xi32, #tpu.memory_space<vmem>>) target_semaphore(%run_scoped3A : memref<!tpu.dma_semaphore, #tpu.memory_space<semaphore_mem>>)
      %dma_wait3A = arith.constant 0 : i32
      %dma_wait3A_71 = arith.constant 0 : i32
      %dma_wait3A_72 = tpu.memref_slice %arg2[%add3A_50, %dma_wait3A, %dma_wait3A_71] : memref<64x50x100xi32, #tpu.memory_space<hbm>> -> memref<1x50x100xi32, #tpu.memory_space<hbm>>
      %dma_wait3A_73 = tpu.memref_squeeze %dma_wait3A_72 : memref<1x50x100xi32, #tpu.memory_space<hbm>> -> memref<50x100xi32, #tpu.memory_space<hbm>>
      %dma_wait3A_74 = arith.constant 0 : i32
      %dma_wait3A_75 = arith.constant 0 : i32
      %dma_wait3A_76 = tpu.memref_slice %arg2[%add3A_50, %dma_wait3A_74, %dma_wait3A_75] : memref<64x50x100xi32, #tpu.memory_space<hbm>> -> memref<1x50x100xi32, #tpu.memory_space<hbm>>
      %dma_wait3A_77 = tpu.memref_squeeze %dma_wait3A_76 : memref<1x50x100xi32, #tpu.memory_space<hbm>> -> memref<50x100xi32, #tpu.memory_space<hbm>>
      tpu.wait_dma2 semaphore(%run_scoped3A : memref<!tpu.dma_semaphore, #tpu.memory_space<semaphore_mem>>) src(%dma_wait3A_77 : memref<50x100xi32, #tpu.memory_space<hbm>>) dst(%arg4 : memref<50x100xi32, #tpu.memory_space<vmem>>)
      tpu.yield
    }) : () -> ()
    %scan3A_51 = arith.constant 0 : i32
    %scan3A_52 = arith.constant 0 : i32
    %scan3A_53 = arith.constant 50 : i32
    %scan3A_54 = arith.addi %scan3A_52, %scan3A_53 : i32
    %scan3A_55 = arith.constant 1 : i32
    scf.for %scan3A_64 = %scan3A_52 to %scan3A_54 step %scan3A_55  : i32 {
      %dma_start3A = arith.constant 0 : i32
      %dma_start3A_65 = tpu.memref_slice %arg4[%scan3A_64, %dma_start3A] : memref<50x100xi32, #tpu.memory_space<vmem>> -> memref<1x100xi32, #tpu.memory_space<vmem>>
      %dma_start3A_66 = tpu.memref_squeeze %dma_start3A_65 : memref<1x100xi32, #tpu.memory_space<vmem>> -> memref<100xi32, #tpu.memory_space<vmem>>
      %dma_start3A_67 = arith.constant 0 : i32
      %dma_start3A_68 = arith.constant 0 : i32
      %dma_start3A_69 = tpu.memref_slice %arg6[%dma_start3A_67, %dma_start3A_68] : memref<10240x128xf32, #tpu.memory_space<vmem_shared>> -> memref<10240x128xf32, #tpu.memory_space<vmem_shared>>
      tpu.enqueue_indirect_dma source(%arg5 : memref<100x128xf32, #tpu.memory_space<vmem>>) target(%dma_start3A_69 : memref<10240x128xf32, #tpu.memory_space<vmem_shared>>) offsets(%dma_start3A_66 : memref<100xi32, #tpu.memory_space<vmem>>) semaphore(%arg7 : memref<!tpu.dma_semaphore, #tpu.memory_space<semaphore_mem>>) {add = true}
    }
    %scan3A_56 = arith.constant 50 : i32
    %scan3A_57 = arith.constant 0 : i32
    %scan3A_58 = arith.constant 0 : i32
    %scan3A_59 = arith.constant 50 : i32
    %scan3A_60 = arith.addi %scan3A_58, %scan3A_59 : i32
    %scan3A_61 = arith.constant 1 : i32
    scf.for %scan3A_64 = %scan3A_58 to %scan3A_60 step %scan3A_61  : i32 {
      %dma_wait3A = arith.constant 0 : i32
      %dma_wait3A_65 = arith.constant 0 : i32
      %dma_wait3A_66 = tpu.memref_slice %arg4[%dma_wait3A, %dma_wait3A_65] : memref<50x100xi32, #tpu.memory_space<vmem>> -> memref<1x100xi32, #tpu.memory_space<vmem>>
      %dma_wait3A_67 = tpu.memref_squeeze %dma_wait3A_66 : memref<1x100xi32, #tpu.memory_space<vmem>> -> memref<100xi32, #tpu.memory_space<vmem>>
      %dma_wait3A_68 = arith.constant 0 : i32
      %dma_wait3A_69 = arith.constant 0 : i32
      %dma_wait3A_70 = tpu.memref_slice %arg6[%dma_wait3A_68, %dma_wait3A_69] : memref<10240x128xf32, #tpu.memory_space<vmem_shared>> -> memref<10240x128xf32, #tpu.memory_space<vmem_shared>>
      tpu.wait_indirect_dma semaphore(%arg7 : memref<!tpu.dma_semaphore, #tpu.memory_space<semaphore_mem>>) src(%arg5 : memref<100x128xf32, #tpu.memory_space<vmem>>) dst(%dma_wait3A_70 : memref<10240x128xf32, #tpu.memory_space<vmem_shared>>)
    }
    %scan3A_62 = arith.constant 50 : i32
    %barrier3A_63 = arith.constant 0 : index
    tpu.barrier barrier_id(%barrier3A_63)
    "tpu.region"() ({
      %run_scoped3A = tpu.sem_alloc : memref<!tpu.dma_semaphore, #tpu.memory_space<semaphore_mem>>
      %dma_start3A = arith.constant 0 : i32
      %dma_start3A_64 = tpu.memref_slice %arg3[%arg0, %mul3A_8, %dma_start3A] : memref<2x10240x128xf32, #tpu.memory_space<hbm>> -> memref<1x640x128xf32, #tpu.memory_space<hbm>>
      %dma_start3A_65 = tpu.memref_squeeze %dma_start3A_64 : memref<1x640x128xf32, #tpu.memory_space<hbm>> -> memref<640x128xf32, #tpu.memory_space<hbm>>
      %dma_start3A_66 = arith.constant 0 : i32
      %dma_start3A_67 = tpu.memref_slice %arg6[%mul3A_8, %dma_start3A_66] : memref<10240x128xf32, #tpu.memory_space<vmem_shared>> -> memref<640x128xf32, #tpu.memory_space<vmem_shared>>
      tpu.enqueue_dma source(%dma_start3A_67 : memref<640x128xf32, #tpu.memory_space<vmem_shared>>) target(%dma_start3A_65 : memref<640x128xf32, #tpu.memory_space<hbm>>) target_semaphore(%run_scoped3A : memref<!tpu.dma_semaphore, #tpu.memory_space<semaphore_mem>>)
      %dma_wait3A = arith.constant 0 : i32
      %dma_wait3A_68 = tpu.memref_slice %arg3[%arg0, %mul3A_8, %dma_wait3A] : memref<2x10240x128xf32, #tpu.memory_space<hbm>> -> memref<1x640x128xf32, #tpu.memory_space<hbm>>
      %dma_wait3A_69 = tpu.memref_squeeze %dma_wait3A_68 : memref<1x640x128xf32, #tpu.memory_space<hbm>> -> memref<640x128xf32, #tpu.memory_space<hbm>>
      %dma_wait3A_70 = arith.constant 0 : i32
      %dma_wait3A_71 = tpu.memref_slice %arg6[%mul3A_8, %dma_wait3A_70] : memref<10240x128xf32, #tpu.memory_space<vmem_shared>> -> memref<640x128xf32, #tpu.memory_space<vmem_shared>>
      tpu.wait_dma2 semaphore(%run_scoped3A : memref<!tpu.dma_semaphore, #tpu.memory_space<semaphore_mem>>) src(%dma_wait3A_71 : memref<640x128xf32, #tpu.memory_space<vmem_shared>>) dst(%dma_wait3A_69 : memref<640x128xf32, #tpu.memory_space<hbm>>)
      tpu.yield
    }) : () -> ()
    return
  }
}

#map = affine_map<(d0, d1) -> (0, 0)>
#map1 = affine_map<(d0, d1) -> (0, 0, 0)>
module attributes {stable_mosaic.version = 14 : i64} {
  func.func @_conv_body(%arg0: i32, %arg1: i32, %arg2: memref<10000x128xf32, #tpu.memory_space<hbm>>, %arg3: memref<64x50x100xi32, #tpu.memory_space<hbm>>, %arg4: memref<64x50x100xi32, #tpu.memory_space<hbm>>, %arg5: memref<2x10240x128xf32, #tpu.memory_space<hbm>>, %arg6: memref<50x100xi32, #tpu.memory_space<vmem>>, %arg7: memref<50x100xi32, #tpu.memory_space<vmem>>, %arg8: memref<2x100x128xf32, #tpu.memory_space<vmem>>, %arg9: memref<10240x128xf32, #tpu.memory_space<vmem_shared>>, %arg10: memref<!tpu.dma_semaphore, #tpu.memory_space<semaphore_mem>>, %arg11: memref<!tpu.dma_semaphore, #tpu.memory_space<semaphore_mem>>, %arg12: memref<!tpu.dma_semaphore, #tpu.memory_space<semaphore_mem>>) attributes {dimension_semantics = [#tpu.dimension_semantics<core_parallel>, #tpu.dimension_semantics<subcore_parallel>], iteration_bounds = array<i64: 2, 16>, scalar_prefetch = 0 : i64, scratch_operands = 7 : i64, tpu.core_type = #tpu.core_type<sc_vector_subcore>, window_params = [{transform_indices = #map}, {transform_indices = #map1}, {transform_indices = #map1}, {transform_indices = #map1}]} {
    %mul3A = arith.constant 2 : i32
    %mul3A_0 = arith.muli %arg1, %mul3A : i32
    %add3A = arith.addi %mul3A_0, %arg0 : i32
    %broadcast_in_dim3A = arith.constant 0.000000e+00 : f32
    %broadcast_in_dim3A_1 = vector.broadcast %broadcast_in_dim3A : f32 to vector<16xf32>
    %scan3A = arith.constant 0 : i32
    %scan3A_2 = arith.constant 0 : i32
    %scan3A_3 = arith.constant 100 : i32
    %scan3A_4 = arith.addi %scan3A_2, %scan3A_3 : i32
    %scan3A_5 = arith.constant 1 : i32
    scf.for %scan3A_81 = %scan3A_2 to %scan3A_4 step %scan3A_5  : i32 {
      %swap3A = arith.constant 0 : i32
      %swap3A_82 = arith.index_cast %swap3A : i32 to index
      %swap3A_83 = arith.index_cast %scan3A_81 : i32 to index
      %swap3A_84 = arith.constant 0 : index
      %swap3A_85 = tpu.vector_load %arg8[%swap3A_82, %swap3A_83, %swap3A_84] {strides = array<i32>} : memref<2x100x128xf32, #tpu.memory_space<vmem>>, vector<1x1x16xf32>,
      %swap3A_86 = vector.shape_cast %swap3A_85 : vector<1x1x16xf32> to vector<16xf32>
      %swap3A_87 = vector.shape_cast %broadcast_in_dim3A_1 : vector<16xf32> to vector<1x1x16xf32>
      tpu.vector_store %arg8[%swap3A_82, %swap3A_83, %swap3A_84], %swap3A_87 {strides = array<i32>} : memref<2x100x128xf32, #tpu.memory_space<vmem>>, vector<1x1x16xf32>,
      %swap3A_88 = arith.constant 0 : i32
      %swap3A_89 = arith.index_cast %swap3A_88 : i32 to index
      %swap3A_90 = arith.index_cast %scan3A_81 : i32 to index
      %swap3A_91 = arith.constant 16 : index
      %swap3A_92 = tpu.vector_load %arg8[%swap3A_89, %swap3A_90, %swap3A_91] {strides = array<i32>} : memref<2x100x128xf32, #tpu.memory_space<vmem>>, vector<1x1x16xf32>,
      %swap3A_93 = vector.shape_cast %swap3A_92 : vector<1x1x16xf32> to vector<16xf32>
      %swap3A_94 = vector.shape_cast %broadcast_in_dim3A_1 : vector<16xf32> to vector<1x1x16xf32>
      tpu.vector_store %arg8[%swap3A_89, %swap3A_90, %swap3A_91], %swap3A_94 {strides = array<i32>} : memref<2x100x128xf32, #tpu.memory_space<vmem>>, vector<1x1x16xf32>,
      %swap3A_95 = arith.constant 0 : i32
      %swap3A_96 = arith.index_cast %swap3A_95 : i32 to index
      %swap3A_97 = arith.index_cast %scan3A_81 : i32 to index
      %swap3A_98 = arith.constant 32 : index
      %swap3A_99 = tpu.vector_load %arg8[%swap3A_96, %swap3A_97, %swap3A_98] {strides = array<i32>} : memref<2x100x128xf32, #tpu.memory_space<vmem>>, vector<1x1x16xf32>,
      %swap3A_100 = vector.shape_cast %swap3A_99 : vector<1x1x16xf32> to vector<16xf32>
      %swap3A_101 = vector.shape_cast %broadcast_in_dim3A_1 : vector<16xf32> to vector<1x1x16xf32>
      tpu.vector_store %arg8[%swap3A_96, %swap3A_97, %swap3A_98], %swap3A_101 {strides = array<i32>} : memref<2x100x128xf32, #tpu.memory_space<vmem>>, vector<1x1x16xf32>,
      %swap3A_102 = arith.constant 0 : i32
      %swap3A_103 = arith.index_cast %swap3A_102 : i32 to index
      %swap3A_104 = arith.index_cast %scan3A_81 : i32 to index
      %swap3A_105 = arith.constant 48 : index
      %swap3A_106 = tpu.vector_load %arg8[%swap3A_103, %swap3A_104, %swap3A_105] {strides = array<i32>} : memref<2x100x128xf32, #tpu.memory_space<vmem>>, vector<1x1x16xf32>,
      %swap3A_107 = vector.shape_cast %swap3A_106 : vector<1x1x16xf32> to vector<16xf32>
      %swap3A_108 = vector.shape_cast %broadcast_in_dim3A_1 : vector<16xf32> to vector<1x1x16xf32>
      tpu.vector_store %arg8[%swap3A_103, %swap3A_104, %swap3A_105], %swap3A_108 {strides = array<i32>} : memref<2x100x128xf32, #tpu.memory_space<vmem>>, vector<1x1x16xf32>,
      %swap3A_109 = arith.constant 0 : i32
      %swap3A_110 = arith.index_cast %swap3A_109 : i32 to index
      %swap3A_111 = arith.index_cast %scan3A_81 : i32 to index
      %swap3A_112 = arith.constant 64 : index
      %swap3A_113 = tpu.vector_load %arg8[%swap3A_110, %swap3A_111, %swap3A_112] {strides = array<i32>} : memref<2x100x128xf32, #tpu.memory_space<vmem>>, vector<1x1x16xf32>,
      %swap3A_114 = vector.shape_cast %swap3A_113 : vector<1x1x16xf32> to vector<16xf32>
      %swap3A_115 = vector.shape_cast %broadcast_in_dim3A_1 : vector<16xf32> to vector<1x1x16xf32>
      tpu.vector_store %arg8[%swap3A_110, %swap3A_111, %swap3A_112], %swap3A_115 {strides = array<i32>} : memref<2x100x128xf32, #tpu.memory_space<vmem>>, vector<1x1x16xf32>,
      %swap3A_116 = arith.constant 0 : i32
      %swap3A_117 = arith.index_cast %swap3A_116 : i32 to index
      %swap3A_118 = arith.index_cast %scan3A_81 : i32 to index
      %swap3A_119 = arith.constant 80 : index
      %swap3A_120 = tpu.vector_load %arg8[%swap3A_117, %swap3A_118, %swap3A_119] {strides = array<i32>} : memref<2x100x128xf32, #tpu.memory_space<vmem>>, vector<1x1x16xf32>,
      %swap3A_121 = vector.shape_cast %swap3A_120 : vector<1x1x16xf32> to vector<16xf32>
      %swap3A_122 = vector.shape_cast %broadcast_in_dim3A_1 : vector<16xf32> to vector<1x1x16xf32>
      tpu.vector_store %arg8[%swap3A_117, %swap3A_118, %swap3A_119], %swap3A_122 {strides = array<i32>} : memref<2x100x128xf32, #tpu.memory_space<vmem>>, vector<1x1x16xf32>,
      %swap3A_123 = arith.constant 0 : i32
      %swap3A_124 = arith.index_cast %swap3A_123 : i32 to index
      %swap3A_125 = arith.index_cast %scan3A_81 : i32 to index
      %swap3A_126 = arith.constant 96 : index
      %swap3A_127 = tpu.vector_load %arg8[%swap3A_124, %swap3A_125, %swap3A_126] {strides = array<i32>} : memref<2x100x128xf32, #tpu.memory_space<vmem>>, vector<1x1x16xf32>,
      %swap3A_128 = vector.shape_cast %swap3A_127 : vector<1x1x16xf32> to vector<16xf32>
      %swap3A_129 = vector.shape_cast %broadcast_in_dim3A_1 : vector<16xf32> to vector<1x1x16xf32>
      tpu.vector_store %arg8[%swap3A_124, %swap3A_125, %swap3A_126], %swap3A_129 {strides = array<i32>} : memref<2x100x128xf32, #tpu.memory_space<vmem>>, vector<1x1x16xf32>,
      %swap3A_130 = arith.constant 0 : i32
      %swap3A_131 = arith.index_cast %swap3A_130 : i32 to index
      %swap3A_132 = arith.index_cast %scan3A_81 : i32 to index
      %swap3A_133 = arith.constant 112 : index
      %swap3A_134 = tpu.vector_load %arg8[%swap3A_131, %swap3A_132, %swap3A_133] {strides = array<i32>} : memref<2x100x128xf32, #tpu.memory_space<vmem>>, vector<1x1x16xf32>,
      %swap3A_135 = vector.shape_cast %swap3A_134 : vector<1x1x16xf32> to vector<16xf32>
      %swap3A_136 = vector.shape_cast %broadcast_in_dim3A_1 : vector<16xf32> to vector<1x1x16xf32>
      tpu.vector_store %arg8[%swap3A_131, %swap3A_132, %swap3A_133], %swap3A_136 {strides = array<i32>} : memref<2x100x128xf32, #tpu.memory_space<vmem>>, vector<1x1x16xf32>,
    }
    %scan3A_6 = arith.constant 100 : i32
    %mul3A_7 = arith.constant 640 : i32
    %mul3A_8 = arith.muli %arg1, %mul3A_7 : i32
    %add3A_9 = arith.constant 0 : i32
    %add3A_10 = arith.addi %mul3A_8, %add3A_9 : i32
    %run_scoped3A = arith.constant 0 : i32
    "tpu.region"() ({
      %run_scoped3A_81 = tpu.sem_alloc : memref<!tpu.dma_semaphore, #tpu.memory_space<semaphore_mem>>
      %dma_start3A_82 = arith.constant 0 : i32
      %dma_start3A_83 = arith.constant 0 : i32
      %dma_start3A_84 = tpu.memref_slice %arg8[%run_scoped3A, %dma_start3A_82, %dma_start3A_83] : memref<2x100x128xf32, #tpu.memory_space<vmem>> -> memref<1x100x128xf32, #tpu.memory_space<vmem>>
      %dma_start3A_85 = tpu.memref_squeeze %dma_start3A_84 : memref<1x100x128xf32, #tpu.memory_space<vmem>> -> memref<100x128xf32, #tpu.memory_space<vmem>>
      %dma_start3A_86 = arith.constant 0 : i32
      %dma_start3A_87 = tpu.memref_slice %arg9[%add3A_10, %dma_start3A_86] : memref<10240x128xf32, #tpu.memory_space<vmem_shared>> -> memref<100x128xf32, #tpu.memory_space<vmem_shared>>
      %dma_start3A_88 = arith.constant 0 : i32
      %dma_start3A_89 = tpu.memref_slice %arg9[%add3A_10, %dma_start3A_88] : memref<10240x128xf32, #tpu.memory_space<vmem_shared>> -> memref<100x128xf32, #tpu.memory_space<vmem_shared>>
      %dma_start3A_90 = arith.constant 0 : i32
      %dma_start3A_91 = arith.constant 0 : i32
      %dma_start3A_92 = tpu.memref_slice %arg8[%run_scoped3A, %dma_start3A_90, %dma_start3A_91] : memref<2x100x128xf32, #tpu.memory_space<vmem>> -> memref<1x100x128xf32, #tpu.memory_space<vmem>>
      %dma_start3A_93 = tpu.memref_squeeze %dma_start3A_92 : memref<1x100x128xf32, #tpu.memory_space<vmem>> -> memref<100x128xf32, #tpu.memory_space<vmem>>
      tpu.enqueue_dma source(%dma_start3A_93 : memref<100x128xf32, #tpu.memory_space<vmem>>) target(%dma_start3A_89 : memref<100x128xf32, #tpu.memory_space<vmem_shared>>) target_semaphore(%run_scoped3A_81 : memref<!tpu.dma_semaphore, #tpu.memory_space<semaphore_mem>>)
      %dma_wait3A = arith.constant 0 : i32
      %dma_wait3A_94 = arith.constant 0 : i32
      %dma_wait3A_95 = tpu.memref_slice %arg8[%run_scoped3A, %dma_wait3A, %dma_wait3A_94] : memref<2x100x128xf32, #tpu.memory_space<vmem>> -> memref<1x100x128xf32, #tpu.memory_space<vmem>>
      %dma_wait3A_96 = tpu.memref_squeeze %dma_wait3A_95 : memref<1x100x128xf32, #tpu.memory_space<vmem>> -> memref<100x128xf32, #tpu.memory_space<vmem>>
      %dma_wait3A_97 = arith.constant 0 : i32
      %dma_wait3A_98 = tpu.memref_slice %arg9[%add3A_10, %dma_wait3A_97] : memref<10240x128xf32, #tpu.memory_space<vmem_shared>> -> memref<100x128xf32, #tpu.memory_space<vmem_shared>>
      %dma_wait3A_99 = arith.constant 0 : i32
      %dma_wait3A_100 = tpu.memref_slice %arg9[%add3A_10, %dma_wait3A_99] : memref<10240x128xf32, #tpu.memory_space<vmem_shared>> -> memref<100x128xf32, #tpu.memory_space<vmem_shared>>
      %dma_wait3A_101 = arith.constant 0 : i32
      %dma_wait3A_102 = arith.constant 0 : i32
      %dma_wait3A_103 = tpu.memref_slice %arg8[%run_scoped3A, %dma_wait3A_101, %dma_wait3A_102] : memref<2x100x128xf32, #tpu.memory_space<vmem>> -> memref<1x100x128xf32, #tpu.memory_space<vmem>>
      %dma_wait3A_104 = tpu.memref_squeeze %dma_wait3A_103 : memref<1x100x128xf32, #tpu.memory_space<vmem>> -> memref<100x128xf32, #tpu.memory_space<vmem>>
      tpu.wait_dma2 semaphore(%run_scoped3A_81 : memref<!tpu.dma_semaphore, #tpu.memory_space<semaphore_mem>>) src(%dma_wait3A_104 : memref<100x128xf32, #tpu.memory_space<vmem>>) dst(%dma_wait3A_100 : memref<100x128xf32, #tpu.memory_space<vmem_shared>>)
      tpu.yield
    }) : () -> ()
    %add3A_11 = arith.constant 100 : i32
    %add3A_12 = arith.addi %mul3A_8, %add3A_11 : i32
    %run_scoped3A_13 = arith.constant 0 : i32
    "tpu.region"() ({
      %run_scoped3A_81 = tpu.sem_alloc : memref<!tpu.dma_semaphore, #tpu.memory_space<semaphore_mem>>
      %dma_start3A_82 = arith.constant 0 : i32
      %dma_start3A_83 = arith.constant 0 : i32
      %dma_start3A_84 = tpu.memref_slice %arg8[%run_scoped3A_13, %dma_start3A_82, %dma_start3A_83] : memref<2x100x128xf32, #tpu.memory_space<vmem>> -> memref<1x100x128xf32, #tpu.memory_space<vmem>>
      %dma_start3A_85 = tpu.memref_squeeze %dma_start3A_84 : memref<1x100x128xf32, #tpu.memory_space<vmem>> -> memref<100x128xf32, #tpu.memory_space<vmem>>
      %dma_start3A_86 = arith.constant 0 : i32
      %dma_start3A_87 = tpu.memref_slice %arg9[%add3A_12, %dma_start3A_86] : memref<10240x128xf32, #tpu.memory_space<vmem_shared>> -> memref<100x128xf32, #tpu.memory_space<vmem_shared>>
      %dma_start3A_88 = arith.constant 0 : i32
      %dma_start3A_89 = tpu.memref_slice %arg9[%add3A_12, %dma_start3A_88] : memref<10240x128xf32, #tpu.memory_space<vmem_shared>> -> memref<100x128xf32, #tpu.memory_space<vmem_shared>>
      %dma_start3A_90 = arith.constant 0 : i32
      %dma_start3A_91 = arith.constant 0 : i32
      %dma_start3A_92 = tpu.memref_slice %arg8[%run_scoped3A_13, %dma_start3A_90, %dma_start3A_91] : memref<2x100x128xf32, #tpu.memory_space<vmem>> -> memref<1x100x128xf32, #tpu.memory_space<vmem>>
      %dma_start3A_93 = tpu.memref_squeeze %dma_start3A_92 : memref<1x100x128xf32, #tpu.memory_space<vmem>> -> memref<100x128xf32, #tpu.memory_space<vmem>>
      tpu.enqueue_dma source(%dma_start3A_93 : memref<100x128xf32, #tpu.memory_space<vmem>>) target(%dma_start3A_89 : memref<100x128xf32, #tpu.memory_space<vmem_shared>>) target_semaphore(%run_scoped3A_81 : memref<!tpu.dma_semaphore, #tpu.memory_space<semaphore_mem>>)
      %dma_wait3A = arith.constant 0 : i32
      %dma_wait3A_94 = arith.constant 0 : i32
      %dma_wait3A_95 = tpu.memref_slice %arg8[%run_scoped3A_13, %dma_wait3A, %dma_wait3A_94] : memref<2x100x128xf32, #tpu.memory_space<vmem>> -> memref<1x100x128xf32, #tpu.memory_space<vmem>>
      %dma_wait3A_96 = tpu.memref_squeeze %dma_wait3A_95 : memref<1x100x128xf32, #tpu.memory_space<vmem>> -> memref<100x128xf32, #tpu.memory_space<vmem>>
      %dma_wait3A_97 = arith.constant 0 : i32
      %dma_wait3A_98 = tpu.memref_slice %arg9[%add3A_12, %dma_wait3A_97] : memref<10240x128xf32, #tpu.memory_space<vmem_shared>> -> memref<100x128xf32, #tpu.memory_space<vmem_shared>>
      %dma_wait3A_99 = arith.constant 0 : i32
      %dma_wait3A_100 = tpu.memref_slice %arg9[%add3A_12, %dma_wait3A_99] : memref<10240x128xf32, #tpu.memory_space<vmem_shared>> -> memref<100x128xf32, #tpu.memory_space<vmem_shared>>
      %dma_wait3A_101 = arith.constant 0 : i32
      %dma_wait3A_102 = arith.constant 0 : i32
      %dma_wait3A_103 = tpu.memref_slice %arg8[%run_scoped3A_13, %dma_wait3A_101, %dma_wait3A_102] : memref<2x100x128xf32, #tpu.memory_space<vmem>> -> memref<1x100x128xf32, #tpu.memory_space<vmem>>
      %dma_wait3A_104 = tpu.memref_squeeze %dma_wait3A_103 : memref<1x100x128xf32, #tpu.memory_space<vmem>> -> memref<100x128xf32, #tpu.memory_space<vmem>>
      tpu.wait_dma2 semaphore(%run_scoped3A_81 : memref<!tpu.dma_semaphore, #tpu.memory_space<semaphore_mem>>) src(%dma_wait3A_104 : memref<100x128xf32, #tpu.memory_space<vmem>>) dst(%dma_wait3A_100 : memref<100x128xf32, #tpu.memory_space<vmem_shared>>)
      tpu.yield
    }) : () -> ()
    %add3A_14 = arith.constant 200 : i32
    %add3A_15 = arith.addi %mul3A_8, %add3A_14 : i32
    %run_scoped3A_16 = arith.constant 0 : i32
    "tpu.region"() ({
      %run_scoped3A_81 = tpu.sem_alloc : memref<!tpu.dma_semaphore, #tpu.memory_space<semaphore_mem>>
      %dma_start3A_82 = arith.constant 0 : i32
      %dma_start3A_83 = arith.constant 0 : i32
      %dma_start3A_84 = tpu.memref_slice %arg8[%run_scoped3A_16, %dma_start3A_82, %dma_start3A_83] : memref<2x100x128xf32, #tpu.memory_space<vmem>> -> memref<1x100x128xf32, #tpu.memory_space<vmem>>
      %dma_start3A_85 = tpu.memref_squeeze %dma_start3A_84 : memref<1x100x128xf32, #tpu.memory_space<vmem>> -> memref<100x128xf32, #tpu.memory_space<vmem>>
      %dma_start3A_86 = arith.constant 0 : i32
      %dma_start3A_87 = tpu.memref_slice %arg9[%add3A_15, %dma_start3A_86] : memref<10240x128xf32, #tpu.memory_space<vmem_shared>> -> memref<100x128xf32, #tpu.memory_space<vmem_shared>>
      %dma_start3A_88 = arith.constant 0 : i32
      %dma_start3A_89 = tpu.memref_slice %arg9[%add3A_15, %dma_start3A_88] : memref<10240x128xf32, #tpu.memory_space<vmem_shared>> -> memref<100x128xf32, #tpu.memory_space<vmem_shared>>
      %dma_start3A_90 = arith.constant 0 : i32
      %dma_start3A_91 = arith.constant 0 : i32
      %dma_start3A_92 = tpu.memref_slice %arg8[%run_scoped3A_16, %dma_start3A_90, %dma_start3A_91] : memref<2x100x128xf32, #tpu.memory_space<vmem>> -> memref<1x100x128xf32, #tpu.memory_space<vmem>>
      %dma_start3A_93 = tpu.memref_squeeze %dma_start3A_92 : memref<1x100x128xf32, #tpu.memory_space<vmem>> -> memref<100x128xf32, #tpu.memory_space<vmem>>
      tpu.enqueue_dma source(%dma_start3A_93 : memref<100x128xf32, #tpu.memory_space<vmem>>) target(%dma_start3A_89 : memref<100x128xf32, #tpu.memory_space<vmem_shared>>) target_semaphore(%run_scoped3A_81 : memref<!tpu.dma_semaphore, #tpu.memory_space<semaphore_mem>>)
      %dma_wait3A = arith.constant 0 : i32
      %dma_wait3A_94 = arith.constant 0 : i32
      %dma_wait3A_95 = tpu.memref_slice %arg8[%run_scoped3A_16, %dma_wait3A, %dma_wait3A_94] : memref<2x100x128xf32, #tpu.memory_space<vmem>> -> memref<1x100x128xf32, #tpu.memory_space<vmem>>
      %dma_wait3A_96 = tpu.memref_squeeze %dma_wait3A_95 : memref<1x100x128xf32, #tpu.memory_space<vmem>> -> memref<100x128xf32, #tpu.memory_space<vmem>>
      %dma_wait3A_97 = arith.constant 0 : i32
      %dma_wait3A_98 = tpu.memref_slice %arg9[%add3A_15, %dma_wait3A_97] : memref<10240x128xf32, #tpu.memory_space<vmem_shared>> -> memref<100x128xf32, #tpu.memory_space<vmem_shared>>
      %dma_wait3A_99 = arith.constant 0 : i32
      %dma_wait3A_100 = tpu.memref_slice %arg9[%add3A_15, %dma_wait3A_99] : memref<10240x128xf32, #tpu.memory_space<vmem_shared>> -> memref<100x128xf32, #tpu.memory_space<vmem_shared>>
      %dma_wait3A_101 = arith.constant 0 : i32
      %dma_wait3A_102 = arith.constant 0 : i32
      %dma_wait3A_103 = tpu.memref_slice %arg8[%run_scoped3A_16, %dma_wait3A_101, %dma_wait3A_102] : memref<2x100x128xf32, #tpu.memory_space<vmem>> -> memref<1x100x128xf32, #tpu.memory_space<vmem>>
      %dma_wait3A_104 = tpu.memref_squeeze %dma_wait3A_103 : memref<1x100x128xf32, #tpu.memory_space<vmem>> -> memref<100x128xf32, #tpu.memory_space<vmem>>
      tpu.wait_dma2 semaphore(%run_scoped3A_81 : memref<!tpu.dma_semaphore, #tpu.memory_space<semaphore_mem>>) src(%dma_wait3A_104 : memref<100x128xf32, #tpu.memory_space<vmem>>) dst(%dma_wait3A_100 : memref<100x128xf32, #tpu.memory_space<vmem_shared>>)
      tpu.yield
    }) : () -> ()
    %add3A_17 = arith.constant 300 : i32
    %add3A_18 = arith.addi %mul3A_8, %add3A_17 : i32
    %run_scoped3A_19 = arith.constant 0 : i32
    "tpu.region"() ({
      %run_scoped3A_81 = tpu.sem_alloc : memref<!tpu.dma_semaphore, #tpu.memory_space<semaphore_mem>>
      %dma_start3A_82 = arith.constant 0 : i32
      %dma_start3A_83 = arith.constant 0 : i32
      %dma_start3A_84 = tpu.memref_slice %arg8[%run_scoped3A_19, %dma_start3A_82, %dma_start3A_83] : memref<2x100x128xf32, #tpu.memory_space<vmem>> -> memref<1x100x128xf32, #tpu.memory_space<vmem>>
      %dma_start3A_85 = tpu.memref_squeeze %dma_start3A_84 : memref<1x100x128xf32, #tpu.memory_space<vmem>> -> memref<100x128xf32, #tpu.memory_space<vmem>>
      %dma_start3A_86 = arith.constant 0 : i32
      %dma_start3A_87 = tpu.memref_slice %arg9[%add3A_18, %dma_start3A_86] : memref<10240x128xf32, #tpu.memory_space<vmem_shared>> -> memref<100x128xf32, #tpu.memory_space<vmem_shared>>
      %dma_start3A_88 = arith.constant 0 : i32
      %dma_start3A_89 = tpu.memref_slice %arg9[%add3A_18, %dma_start3A_88] : memref<10240x128xf32, #tpu.memory_space<vmem_shared>> -> memref<100x128xf32, #tpu.memory_space<vmem_shared>>
      %dma_start3A_90 = arith.constant 0 : i32
      %dma_start3A_91 = arith.constant 0 : i32
      %dma_start3A_92 = tpu.memref_slice %arg8[%run_scoped3A_19, %dma_start3A_90, %dma_start3A_91] : memref<2x100x128xf32, #tpu.memory_space<vmem>> -> memref<1x100x128xf32, #tpu.memory_space<vmem>>
      %dma_start3A_93 = tpu.memref_squeeze %dma_start3A_92 : memref<1x100x128xf32, #tpu.memory_space<vmem>> -> memref<100x128xf32, #tpu.memory_space<vmem>>
      tpu.enqueue_dma source(%dma_start3A_93 : memref<100x128xf32, #tpu.memory_space<vmem>>) target(%dma_start3A_89 : memref<100x128xf32, #tpu.memory_space<vmem_shared>>) target_semaphore(%run_scoped3A_81 : memref<!tpu.dma_semaphore, #tpu.memory_space<semaphore_mem>>)
      %dma_wait3A = arith.constant 0 : i32
      %dma_wait3A_94 = arith.constant 0 : i32
      %dma_wait3A_95 = tpu.memref_slice %arg8[%run_scoped3A_19, %dma_wait3A, %dma_wait3A_94] : memref<2x100x128xf32, #tpu.memory_space<vmem>> -> memref<1x100x128xf32, #tpu.memory_space<vmem>>
      %dma_wait3A_96 = tpu.memref_squeeze %dma_wait3A_95 : memref<1x100x128xf32, #tpu.memory_space<vmem>> -> memref<100x128xf32, #tpu.memory_space<vmem>>
      %dma_wait3A_97 = arith.constant 0 : i32
      %dma_wait3A_98 = tpu.memref_slice %arg9[%add3A_18, %dma_wait3A_97] : memref<10240x128xf32, #tpu.memory_space<vmem_shared>> -> memref<100x128xf32, #tpu.memory_space<vmem_shared>>
      %dma_wait3A_99 = arith.constant 0 : i32
      %dma_wait3A_100 = tpu.memref_slice %arg9[%add3A_18, %dma_wait3A_99] : memref<10240x128xf32, #tpu.memory_space<vmem_shared>> -> memref<100x128xf32, #tpu.memory_space<vmem_shared>>
      %dma_wait3A_101 = arith.constant 0 : i32
      %dma_wait3A_102 = arith.constant 0 : i32
      %dma_wait3A_103 = tpu.memref_slice %arg8[%run_scoped3A_19, %dma_wait3A_101, %dma_wait3A_102] : memref<2x100x128xf32, #tpu.memory_space<vmem>> -> memref<1x100x128xf32, #tpu.memory_space<vmem>>
      %dma_wait3A_104 = tpu.memref_squeeze %dma_wait3A_103 : memref<1x100x128xf32, #tpu.memory_space<vmem>> -> memref<100x128xf32, #tpu.memory_space<vmem>>
      tpu.wait_dma2 semaphore(%run_scoped3A_81 : memref<!tpu.dma_semaphore, #tpu.memory_space<semaphore_mem>>) src(%dma_wait3A_104 : memref<100x128xf32, #tpu.memory_space<vmem>>) dst(%dma_wait3A_100 : memref<100x128xf32, #tpu.memory_space<vmem_shared>>)
      tpu.yield
    }) : () -> ()
    %add3A_20 = arith.constant 400 : i32
    %add3A_21 = arith.addi %mul3A_8, %add3A_20 : i32
    %run_scoped3A_22 = arith.constant 0 : i32
    "tpu.region"() ({
      %run_scoped3A_81 = tpu.sem_alloc : memref<!tpu.dma_semaphore, #tpu.memory_space<semaphore_mem>>
      %dma_start3A_82 = arith.constant 0 : i32
      %dma_start3A_83 = arith.constant 0 : i32
      %dma_start3A_84 = tpu.memref_slice %arg8[%run_scoped3A_22, %dma_start3A_82, %dma_start3A_83] : memref<2x100x128xf32, #tpu.memory_space<vmem>> -> memref<1x100x128xf32, #tpu.memory_space<vmem>>
      %dma_start3A_85 = tpu.memref_squeeze %dma_start3A_84 : memref<1x100x128xf32, #tpu.memory_space<vmem>> -> memref<100x128xf32, #tpu.memory_space<vmem>>
      %dma_start3A_86 = arith.constant 0 : i32
      %dma_start3A_87 = tpu.memref_slice %arg9[%add3A_21, %dma_start3A_86] : memref<10240x128xf32, #tpu.memory_space<vmem_shared>> -> memref<100x128xf32, #tpu.memory_space<vmem_shared>>
      %dma_start3A_88 = arith.constant 0 : i32
      %dma_start3A_89 = tpu.memref_slice %arg9[%add3A_21, %dma_start3A_88] : memref<10240x128xf32, #tpu.memory_space<vmem_shared>> -> memref<100x128xf32, #tpu.memory_space<vmem_shared>>
      %dma_start3A_90 = arith.constant 0 : i32
      %dma_start3A_91 = arith.constant 0 : i32
      %dma_start3A_92 = tpu.memref_slice %arg8[%run_scoped3A_22, %dma_start3A_90, %dma_start3A_91] : memref<2x100x128xf32, #tpu.memory_space<vmem>> -> memref<1x100x128xf32, #tpu.memory_space<vmem>>
      %dma_start3A_93 = tpu.memref_squeeze %dma_start3A_92 : memref<1x100x128xf32, #tpu.memory_space<vmem>> -> memref<100x128xf32, #tpu.memory_space<vmem>>
      tpu.enqueue_dma source(%dma_start3A_93 : memref<100x128xf32, #tpu.memory_space<vmem>>) target(%dma_start3A_89 : memref<100x128xf32, #tpu.memory_space<vmem_shared>>) target_semaphore(%run_scoped3A_81 : memref<!tpu.dma_semaphore, #tpu.memory_space<semaphore_mem>>)
      %dma_wait3A = arith.constant 0 : i32
      %dma_wait3A_94 = arith.constant 0 : i32
      %dma_wait3A_95 = tpu.memref_slice %arg8[%run_scoped3A_22, %dma_wait3A, %dma_wait3A_94] : memref<2x100x128xf32, #tpu.memory_space<vmem>> -> memref<1x100x128xf32, #tpu.memory_space<vmem>>
      %dma_wait3A_96 = tpu.memref_squeeze %dma_wait3A_95 : memref<1x100x128xf32, #tpu.memory_space<vmem>> -> memref<100x128xf32, #tpu.memory_space<vmem>>
      %dma_wait3A_97 = arith.constant 0 : i32
      %dma_wait3A_98 = tpu.memref_slice %arg9[%add3A_21, %dma_wait3A_97] : memref<10240x128xf32, #tpu.memory_space<vmem_shared>> -> memref<100x128xf32, #tpu.memory_space<vmem_shared>>
      %dma_wait3A_99 = arith.constant 0 : i32
      %dma_wait3A_100 = tpu.memref_slice %arg9[%add3A_21, %dma_wait3A_99] : memref<10240x128xf32, #tpu.memory_space<vmem_shared>> -> memref<100x128xf32, #tpu.memory_space<vmem_shared>>
      %dma_wait3A_101 = arith.constant 0 : i32
      %dma_wait3A_102 = arith.constant 0 : i32
      %dma_wait3A_103 = tpu.memref_slice %arg8[%run_scoped3A_22, %dma_wait3A_101, %dma_wait3A_102] : memref<2x100x128xf32, #tpu.memory_space<vmem>> -> memref<1x100x128xf32, #tpu.memory_space<vmem>>
      %dma_wait3A_104 = tpu.memref_squeeze %dma_wait3A_103 : memref<1x100x128xf32, #tpu.memory_space<vmem>> -> memref<100x128xf32, #tpu.memory_space<vmem>>
      tpu.wait_dma2 semaphore(%run_scoped3A_81 : memref<!tpu.dma_semaphore, #tpu.memory_space<semaphore_mem>>) src(%dma_wait3A_104 : memref<100x128xf32, #tpu.memory_space<vmem>>) dst(%dma_wait3A_100 : memref<100x128xf32, #tpu.memory_space<vmem_shared>>)
      tpu.yield
    }) : () -> ()
    %add3A_23 = arith.constant 500 : i32
    %add3A_24 = arith.addi %mul3A_8, %add3A_23 : i32
    %run_scoped3A_25 = arith.constant 0 : i32
    "tpu.region"() ({
      %run_scoped3A_81 = tpu.sem_alloc : memref<!tpu.dma_semaphore, #tpu.memory_space<semaphore_mem>>
      %dma_start3A_82 = arith.constant 0 : i32
      %dma_start3A_83 = arith.constant 0 : i32
      %dma_start3A_84 = tpu.memref_slice %arg8[%run_scoped3A_25, %dma_start3A_82, %dma_start3A_83] : memref<2x100x128xf32, #tpu.memory_space<vmem>> -> memref<1x100x128xf32, #tpu.memory_space<vmem>>
      %dma_start3A_85 = tpu.memref_squeeze %dma_start3A_84 : memref<1x100x128xf32, #tpu.memory_space<vmem>> -> memref<100x128xf32, #tpu.memory_space<vmem>>
      %dma_start3A_86 = arith.constant 0 : i32
      %dma_start3A_87 = tpu.memref_slice %arg9[%add3A_24, %dma_start3A_86] : memref<10240x128xf32, #tpu.memory_space<vmem_shared>> -> memref<100x128xf32, #tpu.memory_space<vmem_shared>>
      %dma_start3A_88 = arith.constant 0 : i32
      %dma_start3A_89 = tpu.memref_slice %arg9[%add3A_24, %dma_start3A_88] : memref<10240x128xf32, #tpu.memory_space<vmem_shared>> -> memref<100x128xf32, #tpu.memory_space<vmem_shared>>
      %dma_start3A_90 = arith.constant 0 : i32
      %dma_start3A_91 = arith.constant 0 : i32
      %dma_start3A_92 = tpu.memref_slice %arg8[%run_scoped3A_25, %dma_start3A_90, %dma_start3A_91] : memref<2x100x128xf32, #tpu.memory_space<vmem>> -> memref<1x100x128xf32, #tpu.memory_space<vmem>>
      %dma_start3A_93 = tpu.memref_squeeze %dma_start3A_92 : memref<1x100x128xf32, #tpu.memory_space<vmem>> -> memref<100x128xf32, #tpu.memory_space<vmem>>
      tpu.enqueue_dma source(%dma_start3A_93 : memref<100x128xf32, #tpu.memory_space<vmem>>) target(%dma_start3A_89 : memref<100x128xf32, #tpu.memory_space<vmem_shared>>) target_semaphore(%run_scoped3A_81 : memref<!tpu.dma_semaphore, #tpu.memory_space<semaphore_mem>>)
      %dma_wait3A = arith.constant 0 : i32
      %dma_wait3A_94 = arith.constant 0 : i32
      %dma_wait3A_95 = tpu.memref_slice %arg8[%run_scoped3A_25, %dma_wait3A, %dma_wait3A_94] : memref<2x100x128xf32, #tpu.memory_space<vmem>> -> memref<1x100x128xf32, #tpu.memory_space<vmem>>
      %dma_wait3A_96 = tpu.memref_squeeze %dma_wait3A_95 : memref<1x100x128xf32, #tpu.memory_space<vmem>> -> memref<100x128xf32, #tpu.memory_space<vmem>>
      %dma_wait3A_97 = arith.constant 0 : i32
      %dma_wait3A_98 = tpu.memref_slice %arg9[%add3A_24, %dma_wait3A_97] : memref<10240x128xf32, #tpu.memory_space<vmem_shared>> -> memref<100x128xf32, #tpu.memory_space<vmem_shared>>
      %dma_wait3A_99 = arith.constant 0 : i32
      %dma_wait3A_100 = tpu.memref_slice %arg9[%add3A_24, %dma_wait3A_99] : memref<10240x128xf32, #tpu.memory_space<vmem_shared>> -> memref<100x128xf32, #tpu.memory_space<vmem_shared>>
      %dma_wait3A_101 = arith.constant 0 : i32
      %dma_wait3A_102 = arith.constant 0 : i32
      %dma_wait3A_103 = tpu.memref_slice %arg8[%run_scoped3A_25, %dma_wait3A_101, %dma_wait3A_102] : memref<2x100x128xf32, #tpu.memory_space<vmem>> -> memref<1x100x128xf32, #tpu.memory_space<vmem>>
      %dma_wait3A_104 = tpu.memref_squeeze %dma_wait3A_103 : memref<1x100x128xf32, #tpu.memory_space<vmem>> -> memref<100x128xf32, #tpu.memory_space<vmem>>
      tpu.wait_dma2 semaphore(%run_scoped3A_81 : memref<!tpu.dma_semaphore, #tpu.memory_space<semaphore_mem>>) src(%dma_wait3A_104 : memref<100x128xf32, #tpu.memory_space<vmem>>) dst(%dma_wait3A_100 : memref<100x128xf32, #tpu.memory_space<vmem_shared>>)
      tpu.yield
    }) : () -> ()
    %add3A_26 = arith.constant 600 : i32
    %add3A_27 = arith.addi %mul3A_8, %add3A_26 : i32
    %run_scoped3A_28 = arith.constant 0 : i32
    "tpu.region"() ({
      %run_scoped3A_81 = tpu.sem_alloc : memref<!tpu.dma_semaphore, #tpu.memory_space<semaphore_mem>>
      %dma_start3A_82 = arith.constant 0 : i32
      %dma_start3A_83 = arith.constant 0 : i32
      %dma_start3A_84 = tpu.memref_slice %arg8[%run_scoped3A_28, %dma_start3A_82, %dma_start3A_83] : memref<2x100x128xf32, #tpu.memory_space<vmem>> -> memref<1x100x128xf32, #tpu.memory_space<vmem>>
      %dma_start3A_85 = tpu.memref_squeeze %dma_start3A_84 : memref<1x100x128xf32, #tpu.memory_space<vmem>> -> memref<100x128xf32, #tpu.memory_space<vmem>>
      %dma_start3A_86 = arith.constant 0 : i32
      %dma_start3A_87 = arith.constant 0 : i32
      %dma_start3A_88 = tpu.memref_slice %dma_start3A_85[%dma_start3A_86, %dma_start3A_87] : memref<100x128xf32, #tpu.memory_space<vmem>> -> memref<40x128xf32, #tpu.memory_space<vmem>>
      %dma_start3A_89 = arith.constant 0 : i32
      %dma_start3A_90 = tpu.memref_slice %arg9[%add3A_27, %dma_start3A_89] : memref<10240x128xf32, #tpu.memory_space<vmem_shared>> -> memref<40x128xf32, #tpu.memory_space<vmem_shared>>
      %dma_start3A_91 = arith.constant 0 : i32
      %dma_start3A_92 = tpu.memref_slice %arg9[%add3A_27, %dma_start3A_91] : memref<10240x128xf32, #tpu.memory_space<vmem_shared>> -> memref<40x128xf32, #tpu.memory_space<vmem_shared>>
      %dma_start3A_93 = arith.constant 0 : i32
      %dma_start3A_94 = arith.constant 0 : i32
      %dma_start3A_95 = tpu.memref_slice %arg8[%run_scoped3A_28, %dma_start3A_93, %dma_start3A_94] : memref<2x100x128xf32, #tpu.memory_space<vmem>> -> memref<1x100x128xf32, #tpu.memory_space<vmem>>
      %dma_start3A_96 = tpu.memref_squeeze %dma_start3A_95 : memref<1x100x128xf32, #tpu.memory_space<vmem>> -> memref<100x128xf32, #tpu.memory_space<vmem>>
      %dma_start3A_97 = arith.constant 0 : i32
      %dma_start3A_98 = arith.constant 0 : i32
      %dma_start3A_99 = tpu.memref_slice %dma_start3A_96[%dma_start3A_97, %dma_start3A_98] : memref<100x128xf32, #tpu.memory_space<vmem>> -> memref<40x128xf32, #tpu.memory_space<vmem>>
      tpu.enqueue_dma source(%dma_start3A_99 : memref<40x128xf32, #tpu.memory_space<vmem>>) target(%dma_start3A_92 : memref<40x128xf32, #tpu.memory_space<vmem_shared>>) target_semaphore(%run_scoped3A_81 : memref<!tpu.dma_semaphore, #tpu.memory_space<semaphore_mem>>)
      %dma_wait3A = arith.constant 0 : i32
      %dma_wait3A_100 = arith.constant 0 : i32
      %dma_wait3A_101 = tpu.memref_slice %arg8[%run_scoped3A_28, %dma_wait3A, %dma_wait3A_100] : memref<2x100x128xf32, #tpu.memory_space<vmem>> -> memref<1x100x128xf32, #tpu.memory_space<vmem>>
      %dma_wait3A_102 = tpu.memref_squeeze %dma_wait3A_101 : memref<1x100x128xf32, #tpu.memory_space<vmem>> -> memref<100x128xf32, #tpu.memory_space<vmem>>
      %dma_wait3A_103 = arith.constant 0 : i32
      %dma_wait3A_104 = arith.constant 0 : i32
      %dma_wait3A_105 = tpu.memref_slice %dma_wait3A_102[%dma_wait3A_103, %dma_wait3A_104] : memref<100x128xf32, #tpu.memory_space<vmem>> -> memref<40x128xf32, #tpu.memory_space<vmem>>
      %dma_wait3A_106 = arith.constant 0 : i32
      %dma_wait3A_107 = tpu.memref_slice %arg9[%add3A_27, %dma_wait3A_106] : memref<10240x128xf32, #tpu.memory_space<vmem_shared>> -> memref<40x128xf32, #tpu.memory_space<vmem_shared>>
      %dma_wait3A_108 = arith.constant 0 : i32
      %dma_wait3A_109 = tpu.memref_slice %arg9[%add3A_27, %dma_wait3A_108] : memref<10240x128xf32, #tpu.memory_space<vmem_shared>> -> memref<40x128xf32, #tpu.memory_space<vmem_shared>>
      %dma_wait3A_110 = arith.constant 0 : i32
      %dma_wait3A_111 = arith.constant 0 : i32
      %dma_wait3A_112 = tpu.memref_slice %arg8[%run_scoped3A_28, %dma_wait3A_110, %dma_wait3A_111] : memref<2x100x128xf32, #tpu.memory_space<vmem>> -> memref<1x100x128xf32, #tpu.memory_space<vmem>>
      %dma_wait3A_113 = tpu.memref_squeeze %dma_wait3A_112 : memref<1x100x128xf32, #tpu.memory_space<vmem>> -> memref<100x128xf32, #tpu.memory_space<vmem>>
      %dma_wait3A_114 = arith.constant 0 : i32
      %dma_wait3A_115 = arith.constant 0 : i32
      %dma_wait3A_116 = tpu.memref_slice %dma_wait3A_113[%dma_wait3A_114, %dma_wait3A_115] : memref<100x128xf32, #tpu.memory_space<vmem>> -> memref<40x128xf32, #tpu.memory_space<vmem>>
      tpu.wait_dma2 semaphore(%run_scoped3A_81 : memref<!tpu.dma_semaphore, #tpu.memory_space<semaphore_mem>>) src(%dma_wait3A_116 : memref<40x128xf32, #tpu.memory_space<vmem>>) dst(%dma_wait3A_109 : memref<40x128xf32, #tpu.memory_space<vmem_shared>>)
      tpu.yield
    }) : () -> ()
    %barrier3A = arith.constant 0 : index
    tpu.barrier barrier_id(%barrier3A)
    %mul3A_29 = arith.constant 2 : i32
    %mul3A_30 = arith.muli %add3A, %mul3A_29 : i32
    %add3A_31 = arith.constant 0 : i32
    %add3A_32 = arith.addi %mul3A_30, %add3A_31 : i32
    "tpu.region"() ({
      %run_scoped3A_81 = tpu.sem_alloc : memref<!tpu.dma_semaphore, #tpu.memory_space<semaphore_mem>>
      %dma_start3A_82 = arith.constant 0 : i32
      %dma_start3A_83 = arith.constant 0 : i32
      %dma_start3A_84 = tpu.memref_slice %arg3[%add3A_32, %dma_start3A_82, %dma_start3A_83] : memref<64x50x100xi32, #tpu.memory_space<hbm>> -> memref<1x50x100xi32, #tpu.memory_space<hbm>>
      %dma_start3A_85 = tpu.memref_squeeze %dma_start3A_84 : memref<1x50x100xi32, #tpu.memory_space<hbm>> -> memref<50x100xi32, #tpu.memory_space<hbm>>
      %dma_start3A_86 = arith.constant 0 : i32
      %dma_start3A_87 = arith.constant 0 : i32
      %dma_start3A_88 = tpu.memref_slice %arg3[%add3A_32, %dma_start3A_86, %dma_start3A_87] : memref<64x50x100xi32, #tpu.memory_space<hbm>> -> memref<1x50x100xi32, #tpu.memory_space<hbm>>
      %dma_start3A_89 = tpu.memref_squeeze %dma_start3A_88 : memref<1x50x100xi32, #tpu.memory_space<hbm>> -> memref<50x100xi32, #tpu.memory_space<hbm>>
      tpu.enqueue_dma source(%dma_start3A_89 : memref<50x100xi32, #tpu.memory_space<hbm>>) target(%arg6 : memref<50x100xi32, #tpu.memory_space<vmem>>) target_semaphore(%run_scoped3A_81 : memref<!tpu.dma_semaphore, #tpu.memory_space<semaphore_mem>>)
      %dma_wait3A = arith.constant 0 : i32
      %dma_wait3A_90 = arith.constant 0 : i32
      %dma_wait3A_91 = tpu.memref_slice %arg3[%add3A_32, %dma_wait3A, %dma_wait3A_90] : memref<64x50x100xi32, #tpu.memory_space<hbm>> -> memref<1x50x100xi32, #tpu.memory_space<hbm>>
      %dma_wait3A_92 = tpu.memref_squeeze %dma_wait3A_91 : memref<1x50x100xi32, #tpu.memory_space<hbm>> -> memref<50x100xi32, #tpu.memory_space<hbm>>
      %dma_wait3A_93 = arith.constant 0 : i32
      %dma_wait3A_94 = arith.constant 0 : i32
      %dma_wait3A_95 = tpu.memref_slice %arg3[%add3A_32, %dma_wait3A_93, %dma_wait3A_94] : memref<64x50x100xi32, #tpu.memory_space<hbm>> -> memref<1x50x100xi32, #tpu.memory_space<hbm>>
      %dma_wait3A_96 = tpu.memref_squeeze %dma_wait3A_95 : memref<1x50x100xi32, #tpu.memory_space<hbm>> -> memref<50x100xi32, #tpu.memory_space<hbm>>
      tpu.wait_dma2 semaphore(%run_scoped3A_81 : memref<!tpu.dma_semaphore, #tpu.memory_space<semaphore_mem>>) src(%dma_wait3A_96 : memref<50x100xi32, #tpu.memory_space<hbm>>) dst(%arg6 : memref<50x100xi32, #tpu.memory_space<vmem>>)
      tpu.yield
    }) : () -> ()
    %mul3A_33 = arith.constant 2 : i32
    %mul3A_34 = arith.muli %add3A, %mul3A_33 : i32
    %add3A_35 = arith.constant 0 : i32
    %add3A_36 = arith.addi %mul3A_34, %add3A_35 : i32
    "tpu.region"() ({
      %run_scoped3A_81 = tpu.sem_alloc : memref<!tpu.dma_semaphore, #tpu.memory_space<semaphore_mem>>
      %dma_start3A_82 = arith.constant 0 : i32
      %dma_start3A_83 = arith.constant 0 : i32
      %dma_start3A_84 = tpu.memref_slice %arg4[%add3A_36, %dma_start3A_82, %dma_start3A_83] : memref<64x50x100xi32, #tpu.memory_space<hbm>> -> memref<1x50x100xi32, #tpu.memory_space<hbm>>
      %dma_start3A_85 = tpu.memref_squeeze %dma_start3A_84 : memref<1x50x100xi32, #tpu.memory_space<hbm>> -> memref<50x100xi32, #tpu.memory_space<hbm>>
      %dma_start3A_86 = arith.constant 0 : i32
      %dma_start3A_87 = arith.constant 0 : i32
      %dma_start3A_88 = tpu.memref_slice %arg4[%add3A_36, %dma_start3A_86, %dma_start3A_87] : memref<64x50x100xi32, #tpu.memory_space<hbm>> -> memref<1x50x100xi32, #tpu.memory_space<hbm>>
      %dma_start3A_89 = tpu.memref_squeeze %dma_start3A_88 : memref<1x50x100xi32, #tpu.memory_space<hbm>> -> memref<50x100xi32, #tpu.memory_space<hbm>>
      tpu.enqueue_dma source(%dma_start3A_89 : memref<50x100xi32, #tpu.memory_space<hbm>>) target(%arg7 : memref<50x100xi32, #tpu.memory_space<vmem>>) target_semaphore(%run_scoped3A_81 : memref<!tpu.dma_semaphore, #tpu.memory_space<semaphore_mem>>)
      %dma_wait3A = arith.constant 0 : i32
      %dma_wait3A_90 = arith.constant 0 : i32
      %dma_wait3A_91 = tpu.memref_slice %arg4[%add3A_36, %dma_wait3A, %dma_wait3A_90] : memref<64x50x100xi32, #tpu.memory_space<hbm>> -> memref<1x50x100xi32, #tpu.memory_space<hbm>>
      %dma_wait3A_92 = tpu.memref_squeeze %dma_wait3A_91 : memref<1x50x100xi32, #tpu.memory_space<hbm>> -> memref<50x100xi32, #tpu.memory_space<hbm>>
      %dma_wait3A_93 = arith.constant 0 : i32
      %dma_wait3A_94 = arith.constant 0 : i32
      %dma_wait3A_95 = tpu.memref_slice %arg4[%add3A_36, %dma_wait3A_93, %dma_wait3A_94] : memref<64x50x100xi32, #tpu.memory_space<hbm>> -> memref<1x50x100xi32, #tpu.memory_space<hbm>>
      %dma_wait3A_96 = tpu.memref_squeeze %dma_wait3A_95 : memref<1x50x100xi32, #tpu.memory_space<hbm>> -> memref<50x100xi32, #tpu.memory_space<hbm>>
      tpu.wait_dma2 semaphore(%run_scoped3A_81 : memref<!tpu.dma_semaphore, #tpu.memory_space<semaphore_mem>>) src(%dma_wait3A_96 : memref<50x100xi32, #tpu.memory_space<hbm>>) dst(%arg7 : memref<50x100xi32, #tpu.memory_space<vmem>>)
      tpu.yield
    }) : () -> ()
    %dma_start3A = arith.constant 0 : i32
    %dma_start3A_37 = arith.constant 0 : i32
    %dma_start3A_38 = arith.constant 0 : i32
    %dma_start3A_39 = arith.constant 0 : i32
    %dma_start3A_40 = tpu.memref_slice %arg8[%dma_start3A_37, %dma_start3A_38, %dma_start3A_39] : memref<2x100x128xf32, #tpu.memory_space<vmem>> -> memref<1x100x128xf32, #tpu.memory_space<vmem>>
    %dma_start3A_41 = tpu.memref_squeeze %dma_start3A_40 : memref<1x100x128xf32, #tpu.memory_space<vmem>> -> memref<100x128xf32, #tpu.memory_space<vmem>>
    %dma_start3A_42 = arith.constant 0 : i32
    %dma_start3A_43 = tpu.memref_slice %arg6[%dma_start3A, %dma_start3A_42] : memref<50x100xi32, #tpu.memory_space<vmem>> -> memref<1x100xi32, #tpu.memory_space<vmem>>
    %dma_start3A_44 = tpu.memref_squeeze %dma_start3A_43 : memref<1x100xi32, #tpu.memory_space<vmem>> -> memref<100xi32, #tpu.memory_space<vmem>>
    %dma_start3A_45 = arith.constant 0 : i32
    %dma_start3A_46 = arith.constant 0 : i32
    %dma_start3A_47 = tpu.memref_slice %arg2[%dma_start3A_45, %dma_start3A_46] : memref<10000x128xf32, #tpu.memory_space<hbm>> -> memref<10000x128xf32, #tpu.memory_space<hbm>>
    tpu.enqueue_indirect_dma source(%dma_start3A_47 : memref<10000x128xf32, #tpu.memory_space<hbm>>) target(%dma_start3A_41 : memref<100x128xf32, #tpu.memory_space<vmem>>) offsets(%dma_start3A_44 : memref<100xi32, #tpu.memory_space<vmem>>) semaphore(%arg10 : memref<!tpu.dma_semaphore, #tpu.memory_space<semaphore_mem>>)
    %scan3A_48 = arith.constant 0 : i32
    %scan3A_49 = arith.constant 0 : i32
    %scan3A_50 = arith.constant 25 : i32
    %scan3A_51 = arith.addi %scan3A_49, %scan3A_50 : i32
    %scan3A_52 = arith.constant 1 : i32
    scf.for %scan3A_81 = %scan3A_49 to %scan3A_51 step %scan3A_52  : i32 {
      %mul3A_82 = arith.constant 2 : i32
      %mul3A_83 = arith.muli %scan3A_81, %mul3A_82 : i32
      %add3A_84 = arith.constant 1 : i32
      %add3A_85 = arith.addi %mul3A_83, %add3A_84 : i32
      %dma_start3A_86 = arith.constant 1 : i32
      %dma_start3A_87 = arith.constant 0 : i32
      %dma_start3A_88 = arith.constant 0 : i32
      %dma_start3A_89 = tpu.memref_slice %arg8[%dma_start3A_86, %dma_start3A_87, %dma_start3A_88] : memref<2x100x128xf32, #tpu.memory_space<vmem>> -> memref<1x100x128xf32, #tpu.memory_space<vmem>>
      %dma_start3A_90 = tpu.memref_squeeze %dma_start3A_89 : memref<1x100x128xf32, #tpu.memory_space<vmem>> -> memref<100x128xf32, #tpu.memory_space<vmem>>
      %dma_start3A_91 = arith.constant 0 : i32
      %dma_start3A_92 = tpu.memref_slice %arg6[%add3A_85, %dma_start3A_91] : memref<50x100xi32, #tpu.memory_space<vmem>> -> memref<1x100xi32, #tpu.memory_space<vmem>>
      %dma_start3A_93 = tpu.memref_squeeze %dma_start3A_92 : memref<1x100xi32, #tpu.memory_space<vmem>> -> memref<100xi32, #tpu.memory_space<vmem>>
      %dma_start3A_94 = arith.constant 0 : i32
      %dma_start3A_95 = arith.constant 0 : i32
      %dma_start3A_96 = tpu.memref_slice %arg2[%dma_start3A_94, %dma_start3A_95] : memref<10000x128xf32, #tpu.memory_space<hbm>> -> memref<10000x128xf32, #tpu.memory_space<hbm>>
      tpu.enqueue_indirect_dma source(%dma_start3A_96 : memref<10000x128xf32, #tpu.memory_space<hbm>>) target(%dma_start3A_90 : memref<100x128xf32, #tpu.memory_space<vmem>>) offsets(%dma_start3A_93 : memref<100xi32, #tpu.memory_space<vmem>>) semaphore(%arg11 : memref<!tpu.dma_semaphore, #tpu.memory_space<semaphore_mem>>)
      %dma_wait3A = arith.constant 0 : i32
      %dma_wait3A_97 = arith.constant 0 : i32
      %dma_wait3A_98 = arith.constant 0 : i32
      %dma_wait3A_99 = tpu.memref_slice %arg8[%dma_wait3A, %dma_wait3A_97, %dma_wait3A_98] : memref<2x100x128xf32, #tpu.memory_space<vmem>> -> memref<1x100x128xf32, #tpu.memory_space<vmem>>
      %dma_wait3A_100 = tpu.memref_squeeze %dma_wait3A_99 : memref<1x100x128xf32, #tpu.memory_space<vmem>> -> memref<100x128xf32, #tpu.memory_space<vmem>>
      %dma_wait3A_101 = arith.constant 0 : i32
      %dma_wait3A_102 = tpu.memref_slice %arg6[%mul3A_83, %dma_wait3A_101] : memref<50x100xi32, #tpu.memory_space<vmem>> -> memref<1x100xi32, #tpu.memory_space<vmem>>
      %dma_wait3A_103 = tpu.memref_squeeze %dma_wait3A_102 : memref<1x100xi32, #tpu.memory_space<vmem>> -> memref<100xi32, #tpu.memory_space<vmem>>
      %dma_wait3A_104 = arith.constant 0 : i32
      %dma_wait3A_105 = arith.constant 0 : i32
      %dma_wait3A_106 = tpu.memref_slice %arg2[%dma_wait3A_104, %dma_wait3A_105] : memref<10000x128xf32, #tpu.memory_space<hbm>> -> memref<10000x128xf32, #tpu.memory_space<hbm>>
      tpu.wait_indirect_dma semaphore(%arg10 : memref<!tpu.dma_semaphore, #tpu.memory_space<semaphore_mem>>) src(%dma_wait3A_106 : memref<10000x128xf32, #tpu.memory_space<hbm>>) dst(%dma_wait3A_100 : memref<100x128xf32, #tpu.memory_space<vmem>>)
      %dma_start3A_107 = arith.constant 0 : i32
      %dma_start3A_108 = arith.constant 0 : i32
      %dma_start3A_109 = arith.constant 0 : i32
      %dma_start3A_110 = tpu.memref_slice %arg8[%dma_start3A_107, %dma_start3A_108, %dma_start3A_109] : memref<2x100x128xf32, #tpu.memory_space<vmem>> -> memref<1x100x128xf32, #tpu.memory_space<vmem>>
      %dma_start3A_111 = tpu.memref_squeeze %dma_start3A_110 : memref<1x100x128xf32, #tpu.memory_space<vmem>> -> memref<100x128xf32, #tpu.memory_space<vmem>>
      %dma_start3A_112 = arith.constant 0 : i32
      %dma_start3A_113 = tpu.memref_slice %arg7[%mul3A_83, %dma_start3A_112] : memref<50x100xi32, #tpu.memory_space<vmem>> -> memref<1x100xi32, #tpu.memory_space<vmem>>
      %dma_start3A_114 = tpu.memref_squeeze %dma_start3A_113 : memref<1x100xi32, #tpu.memory_space<vmem>> -> memref<100xi32, #tpu.memory_space<vmem>>
      %dma_start3A_115 = arith.constant 0 : i32
      %dma_start3A_116 = arith.constant 0 : i32
      %dma_start3A_117 = tpu.memref_slice %arg9[%dma_start3A_115, %dma_start3A_116] : memref<10240x128xf32, #tpu.memory_space<vmem_shared>> -> memref<10240x128xf32, #tpu.memory_space<vmem_shared>>
      tpu.enqueue_indirect_dma source(%dma_start3A_111 : memref<100x128xf32, #tpu.memory_space<vmem>>) target(%dma_start3A_117 : memref<10240x128xf32, #tpu.memory_space<vmem_shared>>) offsets(%dma_start3A_114 : memref<100xi32, #tpu.memory_space<vmem>>) semaphore(%arg12 : memref<!tpu.dma_semaphore, #tpu.memory_space<semaphore_mem>>) {add = true}
      %dma_wait3A_118 = arith.constant 0 : i32
      %dma_wait3A_119 = arith.constant 0 : i32
      %dma_wait3A_120 = arith.constant 0 : i32
      %dma_wait3A_121 = tpu.memref_slice %arg8[%dma_wait3A_118, %dma_wait3A_119, %dma_wait3A_120] : memref<2x100x128xf32, #tpu.memory_space<vmem>> -> memref<1x100x128xf32, #tpu.memory_space<vmem>>
      %dma_wait3A_122 = tpu.memref_squeeze %dma_wait3A_121 : memref<1x100x128xf32, #tpu.memory_space<vmem>> -> memref<100x128xf32, #tpu.memory_space<vmem>>
      %dma_wait3A_123 = arith.constant 0 : i32
      %dma_wait3A_124 = tpu.memref_slice %arg7[%mul3A_83, %dma_wait3A_123] : memref<50x100xi32, #tpu.memory_space<vmem>> -> memref<1x100xi32, #tpu.memory_space<vmem>>
      %dma_wait3A_125 = tpu.memref_squeeze %dma_wait3A_124 : memref<1x100xi32, #tpu.memory_space<vmem>> -> memref<100xi32, #tpu.memory_space<vmem>>
      %dma_wait3A_126 = arith.constant 0 : i32
      %dma_wait3A_127 = arith.constant 0 : i32
      %dma_wait3A_128 = tpu.memref_slice %arg9[%dma_wait3A_126, %dma_wait3A_127] : memref<10240x128xf32, #tpu.memory_space<vmem_shared>> -> memref<10240x128xf32, #tpu.memory_space<vmem_shared>>
      tpu.wait_indirect_dma semaphore(%arg12 : memref<!tpu.dma_semaphore, #tpu.memory_space<semaphore_mem>>) src(%dma_wait3A_122 : memref<100x128xf32, #tpu.memory_space<vmem>>) dst(%dma_wait3A_128 : memref<10240x128xf32, #tpu.memory_space<vmem_shared>>)
      %lt3A = arith.constant 24 : i32
      %lt3A_129 = arith.cmpi slt, %scan3A_81, %lt3A : i32
      %convert_element_type3A = arith.extui %lt3A_129 : i1 to i32
      %cond3A = arith.constant 0 : i32
      %cond3A_130 = arith.cmpi ne, %convert_element_type3A, %cond3A : i32
      scf.if %cond3A_130 {
        %add3A_166 = arith.constant 2 : i32
        %add3A_167 = arith.addi %mul3A_83, %add3A_166 : i32
        %dma_start3A_168 = arith.constant 0 : i32
        %dma_start3A_169 = arith.constant 0 : i32
        %dma_start3A_170 = arith.constant 0 : i32
        %dma_start3A_171 = tpu.memref_slice %arg8[%dma_start3A_168, %dma_start3A_169, %dma_start3A_170] : memref<2x100x128xf32, #tpu.memory_space<vmem>> -> memref<1x100x128xf32, #tpu.memory_space<vmem>>
        %dma_start3A_172 = tpu.memref_squeeze %dma_start3A_171 : memref<1x100x128xf32, #tpu.memory_space<vmem>> -> memref<100x128xf32, #tpu.memory_space<vmem>>
        %dma_start3A_173 = arith.constant 0 : i32
        %dma_start3A_174 = tpu.memref_slice %arg6[%add3A_167, %dma_start3A_173] : memref<50x100xi32, #tpu.memory_space<vmem>> -> memref<1x100xi32, #tpu.memory_space<vmem>>
        %dma_start3A_175 = tpu.memref_squeeze %dma_start3A_174 : memref<1x100xi32, #tpu.memory_space<vmem>> -> memref<100xi32, #tpu.memory_space<vmem>>
        %dma_start3A_176 = arith.constant 0 : i32
        %dma_start3A_177 = arith.constant 0 : i32
        %dma_start3A_178 = tpu.memref_slice %arg2[%dma_start3A_176, %dma_start3A_177] : memref<10000x128xf32, #tpu.memory_space<hbm>> -> memref<10000x128xf32, #tpu.memory_space<hbm>>
        tpu.enqueue_indirect_dma source(%dma_start3A_178 : memref<10000x128xf32, #tpu.memory_space<hbm>>) target(%dma_start3A_172 : memref<100x128xf32, #tpu.memory_space<vmem>>) offsets(%dma_start3A_175 : memref<100xi32, #tpu.memory_space<vmem>>) semaphore(%arg10 : memref<!tpu.dma_semaphore, #tpu.memory_space<semaphore_mem>>)
      } else {
      }
      %dma_wait3A_131 = arith.constant 1 : i32
      %dma_wait3A_132 = arith.constant 0 : i32
      %dma_wait3A_133 = arith.constant 0 : i32
      %dma_wait3A_134 = tpu.memref_slice %arg8[%dma_wait3A_131, %dma_wait3A_132, %dma_wait3A_133] : memref<2x100x128xf32, #tpu.memory_space<vmem>> -> memref<1x100x128xf32, #tpu.memory_space<vmem>>
      %dma_wait3A_135 = tpu.memref_squeeze %dma_wait3A_134 : memref<1x100x128xf32, #tpu.memory_space<vmem>> -> memref<100x128xf32, #tpu.memory_space<vmem>>
      %dma_wait3A_136 = arith.constant 0 : i32
      %dma_wait3A_137 = tpu.memref_slice %arg6[%add3A_85, %dma_wait3A_136] : memref<50x100xi32, #tpu.memory_space<vmem>> -> memref<1x100xi32, #tpu.memory_space<vmem>>
      %dma_wait3A_138 = tpu.memref_squeeze %dma_wait3A_137 : memref<1x100xi32, #tpu.memory_space<vmem>> -> memref<100xi32, #tpu.memory_space<vmem>>
      %dma_wait3A_139 = arith.constant 0 : i32
      %dma_wait3A_140 = arith.constant 0 : i32
      %dma_wait3A_141 = tpu.memref_slice %arg2[%dma_wait3A_139, %dma_wait3A_140] : memref<10000x128xf32, #tpu.memory_space<hbm>> -> memref<10000x128xf32, #tpu.memory_space<hbm>>
      tpu.wait_indirect_dma semaphore(%arg11 : memref<!tpu.dma_semaphore, #tpu.memory_space<semaphore_mem>>) src(%dma_wait3A_141 : memref<10000x128xf32, #tpu.memory_space<hbm>>) dst(%dma_wait3A_135 : memref<100x128xf32, #tpu.memory_space<vmem>>)
      %add3A_142 = arith.constant 1 : i32
      %add3A_143 = arith.addi %mul3A_83, %add3A_142 : i32
      %dma_start3A_144 = arith.constant 1 : i32
      %dma_start3A_145 = arith.constant 0 : i32
      %dma_start3A_146 = arith.constant 0 : i32
      %dma_start3A_147 = tpu.memref_slice %arg8[%dma_start3A_144, %dma_start3A_145, %dma_start3A_146] : memref<2x100x128xf32, #tpu.memory_space<vmem>> -> memref<1x100x128xf32, #tpu.memory_space<vmem>>
      %dma_start3A_148 = tpu.memref_squeeze %dma_start3A_147 : memref<1x100x128xf32, #tpu.memory_space<vmem>> -> memref<100x128xf32, #tpu.memory_space<vmem>>
      %dma_start3A_149 = arith.constant 0 : i32
      %dma_start3A_150 = tpu.memref_slice %arg7[%add3A_143, %dma_start3A_149] : memref<50x100xi32, #tpu.memory_space<vmem>> -> memref<1x100xi32, #tpu.memory_space<vmem>>
      %dma_start3A_151 = tpu.memref_squeeze %dma_start3A_150 : memref<1x100xi32, #tpu.memory_space<vmem>> -> memref<100xi32, #tpu.memory_space<vmem>>
      %dma_start3A_152 = arith.constant 0 : i32
      %dma_start3A_153 = arith.constant 0 : i32
      %dma_start3A_154 = tpu.memref_slice %arg9[%dma_start3A_152, %dma_start3A_153] : memref<10240x128xf32, #tpu.memory_space<vmem_shared>> -> memref<10240x128xf32, #tpu.memory_space<vmem_shared>>
      tpu.enqueue_indirect_dma source(%dma_start3A_148 : memref<100x128xf32, #tpu.memory_space<vmem>>) target(%dma_start3A_154 : memref<10240x128xf32, #tpu.memory_space<vmem_shared>>) offsets(%dma_start3A_151 : memref<100xi32, #tpu.memory_space<vmem>>) semaphore(%arg12 : memref<!tpu.dma_semaphore, #tpu.memory_space<semaphore_mem>>) {add = true}
      %dma_wait3A_155 = arith.constant 1 : i32
      %dma_wait3A_156 = arith.constant 0 : i32
      %dma_wait3A_157 = arith.constant 0 : i32
      %dma_wait3A_158 = tpu.memref_slice %arg8[%dma_wait3A_155, %dma_wait3A_156, %dma_wait3A_157] : memref<2x100x128xf32, #tpu.memory_space<vmem>> -> memref<1x100x128xf32, #tpu.memory_space<vmem>>
      %dma_wait3A_159 = tpu.memref_squeeze %dma_wait3A_158 : memref<1x100x128xf32, #tpu.memory_space<vmem>> -> memref<100x128xf32, #tpu.memory_space<vmem>>
      %dma_wait3A_160 = arith.constant 0 : i32
      %dma_wait3A_161 = tpu.memref_slice %arg7[%add3A_143, %dma_wait3A_160] : memref<50x100xi32, #tpu.memory_space<vmem>> -> memref<1x100xi32, #tpu.memory_space<vmem>>
      %dma_wait3A_162 = tpu.memref_squeeze %dma_wait3A_161 : memref<1x100xi32, #tpu.memory_space<vmem>> -> memref<100xi32, #tpu.memory_space<vmem>>
      %dma_wait3A_163 = arith.constant 0 : i32
      %dma_wait3A_164 = arith.constant 0 : i32
      %dma_wait3A_165 = tpu.memref_slice %arg9[%dma_wait3A_163, %dma_wait3A_164] : memref<10240x128xf32, #tpu.memory_space<vmem_shared>> -> memref<10240x128xf32, #tpu.memory_space<vmem_shared>>
      tpu.wait_indirect_dma semaphore(%arg12 : memref<!tpu.dma_semaphore, #tpu.memory_space<semaphore_mem>>) src(%dma_wait3A_159 : memref<100x128xf32, #tpu.memory_space<vmem>>) dst(%dma_wait3A_165 : memref<10240x128xf32, #tpu.memory_space<vmem_shared>>)
    }
    %scan3A_53 = arith.constant 25 : i32
    %mul3A_54 = arith.constant 2 : i32
    %mul3A_55 = arith.muli %add3A, %mul3A_54 : i32
    %add3A_56 = arith.constant 1 : i32
    %add3A_57 = arith.addi %mul3A_55, %add3A_56 : i32
    "tpu.region"() ({
      %run_scoped3A_81 = tpu.sem_alloc : memref<!tpu.dma_semaphore, #tpu.memory_space<semaphore_mem>>
      %dma_start3A_82 = arith.constant 0 : i32
      %dma_start3A_83 = arith.constant 0 : i32
      %dma_start3A_84 = tpu.memref_slice %arg3[%add3A_57, %dma_start3A_82, %dma_start3A_83] : memref<64x50x100xi32, #tpu.memory_space<hbm>> -> memref<1x50x100xi32, #tpu.memory_space<hbm>>
      %dma_start3A_85 = tpu.memref_squeeze %dma_start3A_84 : memref<1x50x100xi32, #tpu.memory_space<hbm>> -> memref<50x100xi32, #tpu.memory_space<hbm>>
      %dma_start3A_86 = arith.constant 0 : i32
      %dma_start3A_87 = arith.constant 0 : i32
      %dma_start3A_88 = tpu.memref_slice %arg3[%add3A_57, %dma_start3A_86, %dma_start3A_87] : memref<64x50x100xi32, #tpu.memory_space<hbm>> -> memref<1x50x100xi32, #tpu.memory_space<hbm>>
      %dma_start3A_89 = tpu.memref_squeeze %dma_start3A_88 : memref<1x50x100xi32, #tpu.memory_space<hbm>> -> memref<50x100xi32, #tpu.memory_space<hbm>>
      tpu.enqueue_dma source(%dma_start3A_89 : memref<50x100xi32, #tpu.memory_space<hbm>>) target(%arg6 : memref<50x100xi32, #tpu.memory_space<vmem>>) target_semaphore(%run_scoped3A_81 : memref<!tpu.dma_semaphore, #tpu.memory_space<semaphore_mem>>)
      %dma_wait3A = arith.constant 0 : i32
      %dma_wait3A_90 = arith.constant 0 : i32
      %dma_wait3A_91 = tpu.memref_slice %arg3[%add3A_57, %dma_wait3A, %dma_wait3A_90] : memref<64x50x100xi32, #tpu.memory_space<hbm>> -> memref<1x50x100xi32, #tpu.memory_space<hbm>>
      %dma_wait3A_92 = tpu.memref_squeeze %dma_wait3A_91 : memref<1x50x100xi32, #tpu.memory_space<hbm>> -> memref<50x100xi32, #tpu.memory_space<hbm>>
      %dma_wait3A_93 = arith.constant 0 : i32
      %dma_wait3A_94 = arith.constant 0 : i32
      %dma_wait3A_95 = tpu.memref_slice %arg3[%add3A_57, %dma_wait3A_93, %dma_wait3A_94] : memref<64x50x100xi32, #tpu.memory_space<hbm>> -> memref<1x50x100xi32, #tpu.memory_space<hbm>>
      %dma_wait3A_96 = tpu.memref_squeeze %dma_wait3A_95 : memref<1x50x100xi32, #tpu.memory_space<hbm>> -> memref<50x100xi32, #tpu.memory_space<hbm>>
      tpu.wait_dma2 semaphore(%run_scoped3A_81 : memref<!tpu.dma_semaphore, #tpu.memory_space<semaphore_mem>>) src(%dma_wait3A_96 : memref<50x100xi32, #tpu.memory_space<hbm>>) dst(%arg6 : memref<50x100xi32, #tpu.memory_space<vmem>>)
      tpu.yield
    }) : () -> ()
    %mul3A_58 = arith.constant 2 : i32
    %mul3A_59 = arith.muli %add3A, %mul3A_58 : i32
    %add3A_60 = arith.constant 1 : i32
    %add3A_61 = arith.addi %mul3A_59, %add3A_60 : i32
    "tpu.region"() ({
      %run_scoped3A_81 = tpu.sem_alloc : memref<!tpu.dma_semaphore, #tpu.memory_space<semaphore_mem>>
      %dma_start3A_82 = arith.constant 0 : i32
      %dma_start3A_83 = arith.constant 0 : i32
      %dma_start3A_84 = tpu.memref_slice %arg4[%add3A_61, %dma_start3A_82, %dma_start3A_83] : memref<64x50x100xi32, #tpu.memory_space<hbm>> -> memref<1x50x100xi32, #tpu.memory_space<hbm>>
      %dma_start3A_85 = tpu.memref_squeeze %dma_start3A_84 : memref<1x50x100xi32, #tpu.memory_space<hbm>> -> memref<50x100xi32, #tpu.memory_space<hbm>>
      %dma_start3A_86 = arith.constant 0 : i32
      %dma_start3A_87 = arith.constant 0 : i32
      %dma_start3A_88 = tpu.memref_slice %arg4[%add3A_61, %dma_start3A_86, %dma_start3A_87] : memref<64x50x100xi32, #tpu.memory_space<hbm>> -> memref<1x50x100xi32, #tpu.memory_space<hbm>>
      %dma_start3A_89 = tpu.memref_squeeze %dma_start3A_88 : memref<1x50x100xi32, #tpu.memory_space<hbm>> -> memref<50x100xi32, #tpu.memory_space<hbm>>
      tpu.enqueue_dma source(%dma_start3A_89 : memref<50x100xi32, #tpu.memory_space<hbm>>) target(%arg7 : memref<50x100xi32, #tpu.memory_space<vmem>>) target_semaphore(%run_scoped3A_81 : memref<!tpu.dma_semaphore, #tpu.memory_space<semaphore_mem>>)
      %dma_wait3A = arith.constant 0 : i32
      %dma_wait3A_90 = arith.constant 0 : i32
      %dma_wait3A_91 = tpu.memref_slice %arg4[%add3A_61, %dma_wait3A, %dma_wait3A_90] : memref<64x50x100xi32, #tpu.memory_space<hbm>> -> memref<1x50x100xi32, #tpu.memory_space<hbm>>
      %dma_wait3A_92 = tpu.memref_squeeze %dma_wait3A_91 : memref<1x50x100xi32, #tpu.memory_space<hbm>> -> memref<50x100xi32, #tpu.memory_space<hbm>>
      %dma_wait3A_93 = arith.constant 0 : i32
      %dma_wait3A_94 = arith.constant 0 : i32
      %dma_wait3A_95 = tpu.memref_slice %arg4[%add3A_61, %dma_wait3A_93, %dma_wait3A_94] : memref<64x50x100xi32, #tpu.memory_space<hbm>> -> memref<1x50x100xi32, #tpu.memory_space<hbm>>
      %dma_wait3A_96 = tpu.memref_squeeze %dma_wait3A_95 : memref<1x50x100xi32, #tpu.memory_space<hbm>> -> memref<50x100xi32, #tpu.memory_space<hbm>>
      tpu.wait_dma2 semaphore(%run_scoped3A_81 : memref<!tpu.dma_semaphore, #tpu.memory_space<semaphore_mem>>) src(%dma_wait3A_96 : memref<50x100xi32, #tpu.memory_space<hbm>>) dst(%arg7 : memref<50x100xi32, #tpu.memory_space<vmem>>)
      tpu.yield
    }) : () -> ()
    %dma_start3A_62 = arith.constant 0 : i32
    %dma_start3A_63 = arith.constant 0 : i32
    %dma_start3A_64 = arith.constant 0 : i32
    %dma_start3A_65 = arith.constant 0 : i32
    %dma_start3A_66 = tpu.memref_slice %arg8[%dma_start3A_63, %dma_start3A_64, %dma_start3A_65] : memref<2x100x128xf32, #tpu.memory_space<vmem>> -> memref<1x100x128xf32, #tpu.memory_space<vmem>>
    %dma_start3A_67 = tpu.memref_squeeze %dma_start3A_66 : memref<1x100x128xf32, #tpu.memory_space<vmem>> -> memref<100x128xf32, #tpu.memory_space<vmem>>
    %dma_start3A_68 = arith.constant 0 : i32
    %dma_start3A_69 = tpu.memref_slice %arg6[%dma_start3A_62, %dma_start3A_68] : memref<50x100xi32, #tpu.memory_space<vmem>> -> memref<1x100xi32, #tpu.memory_space<vmem>>
    %dma_start3A_70 = tpu.memref_squeeze %dma_start3A_69 : memref<1x100xi32, #tpu.memory_space<vmem>> -> memref<100xi32, #tpu.memory_space<vmem>>
    %dma_start3A_71 = arith.constant 0 : i32
    %dma_start3A_72 = arith.constant 0 : i32
    %dma_start3A_73 = tpu.memref_slice %arg2[%dma_start3A_71, %dma_start3A_72] : memref<10000x128xf32, #tpu.memory_space<hbm>> -> memref<10000x128xf32, #tpu.memory_space<hbm>>
    tpu.enqueue_indirect_dma source(%dma_start3A_73 : memref<10000x128xf32, #tpu.memory_space<hbm>>) target(%dma_start3A_67 : memref<100x128xf32, #tpu.memory_space<vmem>>) offsets(%dma_start3A_70 : memref<100xi32, #tpu.memory_space<vmem>>) semaphore(%arg10 : memref<!tpu.dma_semaphore, #tpu.memory_space<semaphore_mem>>)
    %scan3A_74 = arith.constant 0 : i32
    %scan3A_75 = arith.constant 0 : i32
    %scan3A_76 = arith.constant 25 : i32
    %scan3A_77 = arith.addi %scan3A_75, %scan3A_76 : i32
    %scan3A_78 = arith.constant 1 : i32
    scf.for %scan3A_81 = %scan3A_75 to %scan3A_77 step %scan3A_78  : i32 {
      %mul3A_82 = arith.constant 2 : i32
      %mul3A_83 = arith.muli %scan3A_81, %mul3A_82 : i32
      %add3A_84 = arith.constant 1 : i32
      %add3A_85 = arith.addi %mul3A_83, %add3A_84 : i32
      %dma_start3A_86 = arith.constant 1 : i32
      %dma_start3A_87 = arith.constant 0 : i32
      %dma_start3A_88 = arith.constant 0 : i32
      %dma_start3A_89 = tpu.memref_slice %arg8[%dma_start3A_86, %dma_start3A_87, %dma_start3A_88] : memref<2x100x128xf32, #tpu.memory_space<vmem>> -> memref<1x100x128xf32, #tpu.memory_space<vmem>>
      %dma_start3A_90 = tpu.memref_squeeze %dma_start3A_89 : memref<1x100x128xf32, #tpu.memory_space<vmem>> -> memref<100x128xf32, #tpu.memory_space<vmem>>
      %dma_start3A_91 = arith.constant 0 : i32
      %dma_start3A_92 = tpu.memref_slice %arg6[%add3A_85, %dma_start3A_91] : memref<50x100xi32, #tpu.memory_space<vmem>> -> memref<1x100xi32, #tpu.memory_space<vmem>>
      %dma_start3A_93 = tpu.memref_squeeze %dma_start3A_92 : memref<1x100xi32, #tpu.memory_space<vmem>> -> memref<100xi32, #tpu.memory_space<vmem>>
      %dma_start3A_94 = arith.constant 0 : i32
      %dma_start3A_95 = arith.constant 0 : i32
      %dma_start3A_96 = tpu.memref_slice %arg2[%dma_start3A_94, %dma_start3A_95] : memref<10000x128xf32, #tpu.memory_space<hbm>> -> memref<10000x128xf32, #tpu.memory_space<hbm>>
      tpu.enqueue_indirect_dma source(%dma_start3A_96 : memref<10000x128xf32, #tpu.memory_space<hbm>>) target(%dma_start3A_90 : memref<100x128xf32, #tpu.memory_space<vmem>>) offsets(%dma_start3A_93 : memref<100xi32, #tpu.memory_space<vmem>>) semaphore(%arg11 : memref<!tpu.dma_semaphore, #tpu.memory_space<semaphore_mem>>)
      %dma_wait3A = arith.constant 0 : i32
      %dma_wait3A_97 = arith.constant 0 : i32
      %dma_wait3A_98 = arith.constant 0 : i32
      %dma_wait3A_99 = tpu.memref_slice %arg8[%dma_wait3A, %dma_wait3A_97, %dma_wait3A_98] : memref<2x100x128xf32, #tpu.memory_space<vmem>> -> memref<1x100x128xf32, #tpu.memory_space<vmem>>
      %dma_wait3A_100 = tpu.memref_squeeze %dma_wait3A_99 : memref<1x100x128xf32, #tpu.memory_space<vmem>> -> memref<100x128xf32, #tpu.memory_space<vmem>>
      %dma_wait3A_101 = arith.constant 0 : i32
      %dma_wait3A_102 = tpu.memref_slice %arg6[%mul3A_83, %dma_wait3A_101] : memref<50x100xi32, #tpu.memory_space<vmem>> -> memref<1x100xi32, #tpu.memory_space<vmem>>
      %dma_wait3A_103 = tpu.memref_squeeze %dma_wait3A_102 : memref<1x100xi32, #tpu.memory_space<vmem>> -> memref<100xi32, #tpu.memory_space<vmem>>
      %dma_wait3A_104 = arith.constant 0 : i32
      %dma_wait3A_105 = arith.constant 0 : i32
      %dma_wait3A_106 = tpu.memref_slice %arg2[%dma_wait3A_104, %dma_wait3A_105] : memref<10000x128xf32, #tpu.memory_space<hbm>> -> memref<10000x128xf32, #tpu.memory_space<hbm>>
      tpu.wait_indirect_dma semaphore(%arg10 : memref<!tpu.dma_semaphore, #tpu.memory_space<semaphore_mem>>) src(%dma_wait3A_106 : memref<10000x128xf32, #tpu.memory_space<hbm>>) dst(%dma_wait3A_100 : memref<100x128xf32, #tpu.memory_space<vmem>>)
      %dma_start3A_107 = arith.constant 0 : i32
      %dma_start3A_108 = arith.constant 0 : i32
      %dma_start3A_109 = arith.constant 0 : i32
      %dma_start3A_110 = tpu.memref_slice %arg8[%dma_start3A_107, %dma_start3A_108, %dma_start3A_109] : memref<2x100x128xf32, #tpu.memory_space<vmem>> -> memref<1x100x128xf32, #tpu.memory_space<vmem>>
      %dma_start3A_111 = tpu.memref_squeeze %dma_start3A_110 : memref<1x100x128xf32, #tpu.memory_space<vmem>> -> memref<100x128xf32, #tpu.memory_space<vmem>>
      %dma_start3A_112 = arith.constant 0 : i32
      %dma_start3A_113 = tpu.memref_slice %arg7[%mul3A_83, %dma_start3A_112] : memref<50x100xi32, #tpu.memory_space<vmem>> -> memref<1x100xi32, #tpu.memory_space<vmem>>
      %dma_start3A_114 = tpu.memref_squeeze %dma_start3A_113 : memref<1x100xi32, #tpu.memory_space<vmem>> -> memref<100xi32, #tpu.memory_space<vmem>>
      %dma_start3A_115 = arith.constant 0 : i32
      %dma_start3A_116 = arith.constant 0 : i32
      %dma_start3A_117 = tpu.memref_slice %arg9[%dma_start3A_115, %dma_start3A_116] : memref<10240x128xf32, #tpu.memory_space<vmem_shared>> -> memref<10240x128xf32, #tpu.memory_space<vmem_shared>>
      tpu.enqueue_indirect_dma source(%dma_start3A_111 : memref<100x128xf32, #tpu.memory_space<vmem>>) target(%dma_start3A_117 : memref<10240x128xf32, #tpu.memory_space<vmem_shared>>) offsets(%dma_start3A_114 : memref<100xi32, #tpu.memory_space<vmem>>) semaphore(%arg12 : memref<!tpu.dma_semaphore, #tpu.memory_space<semaphore_mem>>) {add = true}
      %dma_wait3A_118 = arith.constant 0 : i32
      %dma_wait3A_119 = arith.constant 0 : i32
      %dma_wait3A_120 = arith.constant 0 : i32
      %dma_wait3A_121 = tpu.memref_slice %arg8[%dma_wait3A_118, %dma_wait3A_119, %dma_wait3A_120] : memref<2x100x128xf32, #tpu.memory_space<vmem>> -> memref<1x100x128xf32, #tpu.memory_space<vmem>>
      %dma_wait3A_122 = tpu.memref_squeeze %dma_wait3A_121 : memref<1x100x128xf32, #tpu.memory_space<vmem>> -> memref<100x128xf32, #tpu.memory_space<vmem>>
      %dma_wait3A_123 = arith.constant 0 : i32
      %dma_wait3A_124 = tpu.memref_slice %arg7[%mul3A_83, %dma_wait3A_123] : memref<50x100xi32, #tpu.memory_space<vmem>> -> memref<1x100xi32, #tpu.memory_space<vmem>>
      %dma_wait3A_125 = tpu.memref_squeeze %dma_wait3A_124 : memref<1x100xi32, #tpu.memory_space<vmem>> -> memref<100xi32, #tpu.memory_space<vmem>>
      %dma_wait3A_126 = arith.constant 0 : i32
      %dma_wait3A_127 = arith.constant 0 : i32
      %dma_wait3A_128 = tpu.memref_slice %arg9[%dma_wait3A_126, %dma_wait3A_127] : memref<10240x128xf32, #tpu.memory_space<vmem_shared>> -> memref<10240x128xf32, #tpu.memory_space<vmem_shared>>
      tpu.wait_indirect_dma semaphore(%arg12 : memref<!tpu.dma_semaphore, #tpu.memory_space<semaphore_mem>>) src(%dma_wait3A_122 : memref<100x128xf32, #tpu.memory_space<vmem>>) dst(%dma_wait3A_128 : memref<10240x128xf32, #tpu.memory_space<vmem_shared>>)
      %lt3A = arith.constant 24 : i32
      %lt3A_129 = arith.cmpi slt, %scan3A_81, %lt3A : i32
      %convert_element_type3A = arith.extui %lt3A_129 : i1 to i32
      %cond3A = arith.constant 0 : i32
      %cond3A_130 = arith.cmpi ne, %convert_element_type3A, %cond3A : i32
      scf.if %cond3A_130 {
        %add3A_166 = arith.constant 2 : i32
        %add3A_167 = arith.addi %mul3A_83, %add3A_166 : i32
        %dma_start3A_168 = arith.constant 0 : i32
        %dma_start3A_169 = arith.constant 0 : i32
        %dma_start3A_170 = arith.constant 0 : i32
        %dma_start3A_171 = tpu.memref_slice %arg8[%dma_start3A_168, %dma_start3A_169, %dma_start3A_170] : memref<2x100x128xf32, #tpu.memory_space<vmem>> -> memref<1x100x128xf32, #tpu.memory_space<vmem>>
        %dma_start3A_172 = tpu.memref_squeeze %dma_start3A_171 : memref<1x100x128xf32, #tpu.memory_space<vmem>> -> memref<100x128xf32, #tpu.memory_space<vmem>>
        %dma_start3A_173 = arith.constant 0 : i32
        %dma_start3A_174 = tpu.memref_slice %arg6[%add3A_167, %dma_start3A_173] : memref<50x100xi32, #tpu.memory_space<vmem>> -> memref<1x100xi32, #tpu.memory_space<vmem>>
        %dma_start3A_175 = tpu.memref_squeeze %dma_start3A_174 : memref<1x100xi32, #tpu.memory_space<vmem>> -> memref<100xi32, #tpu.memory_space<vmem>>
        %dma_start3A_176 = arith.constant 0 : i32
        %dma_start3A_177 = arith.constant 0 : i32
        %dma_start3A_178 = tpu.memref_slice %arg2[%dma_start3A_176, %dma_start3A_177] : memref<10000x128xf32, #tpu.memory_space<hbm>> -> memref<10000x128xf32, #tpu.memory_space<hbm>>
        tpu.enqueue_indirect_dma source(%dma_start3A_178 : memref<10000x128xf32, #tpu.memory_space<hbm>>) target(%dma_start3A_172 : memref<100x128xf32, #tpu.memory_space<vmem>>) offsets(%dma_start3A_175 : memref<100xi32, #tpu.memory_space<vmem>>) semaphore(%arg10 : memref<!tpu.dma_semaphore, #tpu.memory_space<semaphore_mem>>)
      } else {
      }
      %dma_wait3A_131 = arith.constant 1 : i32
      %dma_wait3A_132 = arith.constant 0 : i32
      %dma_wait3A_133 = arith.constant 0 : i32
      %dma_wait3A_134 = tpu.memref_slice %arg8[%dma_wait3A_131, %dma_wait3A_132, %dma_wait3A_133] : memref<2x100x128xf32, #tpu.memory_space<vmem>> -> memref<1x100x128xf32, #tpu.memory_space<vmem>>
      %dma_wait3A_135 = tpu.memref_squeeze %dma_wait3A_134 : memref<1x100x128xf32, #tpu.memory_space<vmem>> -> memref<100x128xf32, #tpu.memory_space<vmem>>
      %dma_wait3A_136 = arith.constant 0 : i32
      %dma_wait3A_137 = tpu.memref_slice %arg6[%add3A_85, %dma_wait3A_136] : memref<50x100xi32, #tpu.memory_space<vmem>> -> memref<1x100xi32, #tpu.memory_space<vmem>>
      %dma_wait3A_138 = tpu.memref_squeeze %dma_wait3A_137 : memref<1x100xi32, #tpu.memory_space<vmem>> -> memref<100xi32, #tpu.memory_space<vmem>>
      %dma_wait3A_139 = arith.constant 0 : i32
      %dma_wait3A_140 = arith.constant 0 : i32
      %dma_wait3A_141 = tpu.memref_slice %arg2[%dma_wait3A_139, %dma_wait3A_140] : memref<10000x128xf32, #tpu.memory_space<hbm>> -> memref<10000x128xf32, #tpu.memory_space<hbm>>
      tpu.wait_indirect_dma semaphore(%arg11 : memref<!tpu.dma_semaphore, #tpu.memory_space<semaphore_mem>>) src(%dma_wait3A_141 : memref<10000x128xf32, #tpu.memory_space<hbm>>) dst(%dma_wait3A_135 : memref<100x128xf32, #tpu.memory_space<vmem>>)
      %add3A_142 = arith.constant 1 : i32
      %add3A_143 = arith.addi %mul3A_83, %add3A_142 : i32
      %dma_start3A_144 = arith.constant 1 : i32
      %dma_start3A_145 = arith.constant 0 : i32
      %dma_start3A_146 = arith.constant 0 : i32
      %dma_start3A_147 = tpu.memref_slice %arg8[%dma_start3A_144, %dma_start3A_145, %dma_start3A_146] : memref<2x100x128xf32, #tpu.memory_space<vmem>> -> memref<1x100x128xf32, #tpu.memory_space<vmem>>
      %dma_start3A_148 = tpu.memref_squeeze %dma_start3A_147 : memref<1x100x128xf32, #tpu.memory_space<vmem>> -> memref<100x128xf32, #tpu.memory_space<vmem>>
      %dma_start3A_149 = arith.constant 0 : i32
      %dma_start3A_150 = tpu.memref_slice %arg7[%add3A_143, %dma_start3A_149] : memref<50x100xi32, #tpu.memory_space<vmem>> -> memref<1x100xi32, #tpu.memory_space<vmem>>
      %dma_start3A_151 = tpu.memref_squeeze %dma_start3A_150 : memref<1x100xi32, #tpu.memory_space<vmem>> -> memref<100xi32, #tpu.memory_space<vmem>>
      %dma_start3A_152 = arith.constant 0 : i32
      %dma_start3A_153 = arith.constant 0 : i32
      %dma_start3A_154 = tpu.memref_slice %arg9[%dma_start3A_152, %dma_start3A_153] : memref<10240x128xf32, #tpu.memory_space<vmem_shared>> -> memref<10240x128xf32, #tpu.memory_space<vmem_shared>>
      tpu.enqueue_indirect_dma source(%dma_start3A_148 : memref<100x128xf32, #tpu.memory_space<vmem>>) target(%dma_start3A_154 : memref<10240x128xf32, #tpu.memory_space<vmem_shared>>) offsets(%dma_start3A_151 : memref<100xi32, #tpu.memory_space<vmem>>) semaphore(%arg12 : memref<!tpu.dma_semaphore, #tpu.memory_space<semaphore_mem>>) {add = true}
      %dma_wait3A_155 = arith.constant 1 : i32
      %dma_wait3A_156 = arith.constant 0 : i32
      %dma_wait3A_157 = arith.constant 0 : i32
      %dma_wait3A_158 = tpu.memref_slice %arg8[%dma_wait3A_155, %dma_wait3A_156, %dma_wait3A_157] : memref<2x100x128xf32, #tpu.memory_space<vmem>> -> memref<1x100x128xf32, #tpu.memory_space<vmem>>
      %dma_wait3A_159 = tpu.memref_squeeze %dma_wait3A_158 : memref<1x100x128xf32, #tpu.memory_space<vmem>> -> memref<100x128xf32, #tpu.memory_space<vmem>>
      %dma_wait3A_160 = arith.constant 0 : i32
      %dma_wait3A_161 = tpu.memref_slice %arg7[%add3A_143, %dma_wait3A_160] : memref<50x100xi32, #tpu.memory_space<vmem>> -> memref<1x100xi32, #tpu.memory_space<vmem>>
      %dma_wait3A_162 = tpu.memref_squeeze %dma_wait3A_161 : memref<1x100xi32, #tpu.memory_space<vmem>> -> memref<100xi32, #tpu.memory_space<vmem>>
      %dma_wait3A_163 = arith.constant 0 : i32
      %dma_wait3A_164 = arith.constant 0 : i32
      %dma_wait3A_165 = tpu.memref_slice %arg9[%dma_wait3A_163, %dma_wait3A_164] : memref<10240x128xf32, #tpu.memory_space<vmem_shared>> -> memref<10240x128xf32, #tpu.memory_space<vmem_shared>>
      tpu.wait_indirect_dma semaphore(%arg12 : memref<!tpu.dma_semaphore, #tpu.memory_space<semaphore_mem>>) src(%dma_wait3A_159 : memref<100x128xf32, #tpu.memory_space<vmem>>) dst(%dma_wait3A_165 : memref<10240x128xf32, #tpu.memory_space<vmem_shared>>)
    }
    %scan3A_79 = arith.constant 25 : i32
    %barrier3A_80 = arith.constant 0 : index
    tpu.barrier barrier_id(%barrier3A_80)
    "tpu.region"() ({
      %run_scoped3A_81 = tpu.sem_alloc : memref<!tpu.dma_semaphore, #tpu.memory_space<semaphore_mem>>
      %dma_start3A_82 = arith.constant 0 : i32
      %dma_start3A_83 = tpu.memref_slice %arg5[%arg0, %mul3A_8, %dma_start3A_82] : memref<2x10240x128xf32, #tpu.memory_space<hbm>> -> memref<1x640x128xf32, #tpu.memory_space<hbm>>
      %dma_start3A_84 = tpu.memref_squeeze %dma_start3A_83 : memref<1x640x128xf32, #tpu.memory_space<hbm>> -> memref<640x128xf32, #tpu.memory_space<hbm>>
      %dma_start3A_85 = arith.constant 0 : i32
      %dma_start3A_86 = tpu.memref_slice %arg9[%mul3A_8, %dma_start3A_85] : memref<10240x128xf32, #tpu.memory_space<vmem_shared>> -> memref<640x128xf32, #tpu.memory_space<vmem_shared>>
      tpu.enqueue_dma source(%dma_start3A_86 : memref<640x128xf32, #tpu.memory_space<vmem_shared>>) target(%dma_start3A_84 : memref<640x128xf32, #tpu.memory_space<hbm>>) target_semaphore(%run_scoped3A_81 : memref<!tpu.dma_semaphore, #tpu.memory_space<semaphore_mem>>)
      %dma_wait3A = arith.constant 0 : i32
      %dma_wait3A_87 = tpu.memref_slice %arg5[%arg0, %mul3A_8, %dma_wait3A] : memref<2x10240x128xf32, #tpu.memory_space<hbm>> -> memref<1x640x128xf32, #tpu.memory_space<hbm>>
      %dma_wait3A_88 = tpu.memref_squeeze %dma_wait3A_87 : memref<1x640x128xf32, #tpu.memory_space<hbm>> -> memref<640x128xf32, #tpu.memory_space<hbm>>
      %dma_wait3A_89 = arith.constant 0 : i32
      %dma_wait3A_90 = tpu.memref_slice %arg9[%mul3A_8, %dma_wait3A_89] : memref<10240x128xf32, #tpu.memory_space<vmem_shared>> -> memref<640x128xf32, #tpu.memory_space<vmem_shared>>
      tpu.wait_dma2 semaphore(%run_scoped3A_81 : memref<!tpu.dma_semaphore, #tpu.memory_space<semaphore_mem>>) src(%dma_wait3A_90 : memref<640x128xf32, #tpu.memory_space<vmem_shared>>) dst(%dma_wait3A_88 : memref<640x128xf32, #tpu.memory_space<hbm>>)
      tpu.yield
    }) : () -> ()
    return
  }
}

#map = affine_map<(d0, d1) -> (0, 0)>
#map1 = affine_map<(d0, d1) -> (0, 0, 0)>
module attributes {stable_mosaic.version = 14 : i64} {
  func.func @_conv_body(%arg0: i32, %arg1: i32, %arg2: memref<10000x128xf32, #tpu.memory_space<hbm>>, %arg3: memref<64x50x100xi32, #tpu.memory_space<hbm>>, %arg4: memref<64x50x100xi32, #tpu.memory_space<hbm>>, %arg5: memref<2x10240x128xf32, #tpu.memory_space<hbm>>, %arg6: memref<50x100xi32, #tpu.memory_space<vmem>>, %arg7: memref<50x100xi32, #tpu.memory_space<vmem>>, %arg8: memref<2x100x128xf32, #tpu.memory_space<vmem>>, %arg9: memref<10240x128xf32, #tpu.memory_space<vmem_shared>>, %arg10: memref<!tpu.dma_semaphore, #tpu.memory_space<semaphore_mem>>, %arg11: memref<!tpu.dma_semaphore, #tpu.memory_space<semaphore_mem>>, %arg12: memref<!tpu.dma_semaphore, #tpu.memory_space<semaphore_mem>>) attributes {dimension_semantics = [#tpu.dimension_semantics<core_parallel>, #tpu.dimension_semantics<subcore_parallel>], iteration_bounds = array<i64: 2, 16>, scalar_prefetch = 0 : i64, scratch_operands = 7 : i64, tpu.core_type = #tpu.core_type<sc_vector_subcore>, window_params = [{transform_indices = #map}, {transform_indices = #map1}, {transform_indices = #map1}, {transform_indices = #map1}]} {
    %mul3A = arith.constant 2 : i32
    %mul3A_0 = arith.muli %arg1, %mul3A : i32
    %add3A = arith.addi %mul3A_0, %arg0 : i32
    %broadcast_in_dim3A = arith.constant 0.000000e+00 : f32
    %broadcast_in_dim3A_1 = vector.broadcast %broadcast_in_dim3A : f32 to vector<16xf32>
    %scan3A = arith.constant 0 : i32
    %scan3A_2 = arith.constant 0 : i32
    %scan3A_3 = arith.constant 100 : i32
    %scan3A_4 = arith.addi %scan3A_2, %scan3A_3 : i32
    %scan3A_5 = arith.constant 1 : i32
    scf.for %scan3A_81 = %scan3A_2 to %scan3A_4 step %scan3A_5  : i32 {
      %swap3A = arith.constant 0 : i32
      %swap3A_82 = arith.index_cast %swap3A : i32 to index
      %swap3A_83 = arith.index_cast %scan3A_81 : i32 to index
      %swap3A_84 = arith.constant 0 : index
      %swap3A_85 = tpu.vector_load %arg8[%swap3A_82, %swap3A_83, %swap3A_84] {strides = array<i32>} : memref<2x100x128xf32, #tpu.memory_space<vmem>>, vector<1x1x16xf32>,
      %swap3A_86 = vector.shape_cast %swap3A_85 : vector<1x1x16xf32> to vector<16xf32>
      %swap3A_87 = vector.shape_cast %broadcast_in_dim3A_1 : vector<16xf32> to vector<1x1x16xf32>
      tpu.vector_store %arg8[%swap3A_82, %swap3A_83, %swap3A_84], %swap3A_87 {strides = array<i32>} : memref<2x100x128xf32, #tpu.memory_space<vmem>>, vector<1x1x16xf32>,
      %swap3A_88 = arith.constant 0 : i32
      %swap3A_89 = arith.index_cast %swap3A_88 : i32 to index
      %swap3A_90 = arith.index_cast %scan3A_81 : i32 to index
      %swap3A_91 = arith.constant 16 : index
      %swap3A_92 = tpu.vector_load %arg8[%swap3A_89, %swap3A_90, %swap3A_91] {strides = array<i32>} : memref<2x100x128xf32, #tpu.memory_space<vmem>>, vector<1x1x16xf32>,
      %swap3A_93 = vector.shape_cast %swap3A_92 : vector<1x1x16xf32> to vector<16xf32>
      %swap3A_94 = vector.shape_cast %broadcast_in_dim3A_1 : vector<16xf32> to vector<1x1x16xf32>
      tpu.vector_store %arg8[%swap3A_89, %swap3A_90, %swap3A_91], %swap3A_94 {strides = array<i32>} : memref<2x100x128xf32, #tpu.memory_space<vmem>>, vector<1x1x16xf32>,
      %swap3A_95 = arith.constant 0 : i32
      %swap3A_96 = arith.index_cast %swap3A_95 : i32 to index
      %swap3A_97 = arith.index_cast %scan3A_81 : i32 to index
      %swap3A_98 = arith.constant 32 : index
      %swap3A_99 = tpu.vector_load %arg8[%swap3A_96, %swap3A_97, %swap3A_98] {strides = array<i32>} : memref<2x100x128xf32, #tpu.memory_space<vmem>>, vector<1x1x16xf32>,
      %swap3A_100 = vector.shape_cast %swap3A_99 : vector<1x1x16xf32> to vector<16xf32>
      %swap3A_101 = vector.shape_cast %broadcast_in_dim3A_1 : vector<16xf32> to vector<1x1x16xf32>
      tpu.vector_store %arg8[%swap3A_96, %swap3A_97, %swap3A_98], %swap3A_101 {strides = array<i32>} : memref<2x100x128xf32, #tpu.memory_space<vmem>>, vector<1x1x16xf32>,
      %swap3A_102 = arith.constant 0 : i32
      %swap3A_103 = arith.index_cast %swap3A_102 : i32 to index
      %swap3A_104 = arith.index_cast %scan3A_81 : i32 to index
      %swap3A_105 = arith.constant 48 : index
      %swap3A_106 = tpu.vector_load %arg8[%swap3A_103, %swap3A_104, %swap3A_105] {strides = array<i32>} : memref<2x100x128xf32, #tpu.memory_space<vmem>>, vector<1x1x16xf32>,
      %swap3A_107 = vector.shape_cast %swap3A_106 : vector<1x1x16xf32> to vector<16xf32>
      %swap3A_108 = vector.shape_cast %broadcast_in_dim3A_1 : vector<16xf32> to vector<1x1x16xf32>
      tpu.vector_store %arg8[%swap3A_103, %swap3A_104, %swap3A_105], %swap3A_108 {strides = array<i32>} : memref<2x100x128xf32, #tpu.memory_space<vmem>>, vector<1x1x16xf32>,
      %swap3A_109 = arith.constant 0 : i32
      %swap3A_110 = arith.index_cast %swap3A_109 : i32 to index
      %swap3A_111 = arith.index_cast %scan3A_81 : i32 to index
      %swap3A_112 = arith.constant 64 : index
      %swap3A_113 = tpu.vector_load %arg8[%swap3A_110, %swap3A_111, %swap3A_112] {strides = array<i32>} : memref<2x100x128xf32, #tpu.memory_space<vmem>>, vector<1x1x16xf32>,
      %swap3A_114 = vector.shape_cast %swap3A_113 : vector<1x1x16xf32> to vector<16xf32>
      %swap3A_115 = vector.shape_cast %broadcast_in_dim3A_1 : vector<16xf32> to vector<1x1x16xf32>
      tpu.vector_store %arg8[%swap3A_110, %swap3A_111, %swap3A_112], %swap3A_115 {strides = array<i32>} : memref<2x100x128xf32, #tpu.memory_space<vmem>>, vector<1x1x16xf32>,
      %swap3A_116 = arith.constant 0 : i32
      %swap3A_117 = arith.index_cast %swap3A_116 : i32 to index
      %swap3A_118 = arith.index_cast %scan3A_81 : i32 to index
      %swap3A_119 = arith.constant 80 : index
      %swap3A_120 = tpu.vector_load %arg8[%swap3A_117, %swap3A_118, %swap3A_119] {strides = array<i32>} : memref<2x100x128xf32, #tpu.memory_space<vmem>>, vector<1x1x16xf32>,
      %swap3A_121 = vector.shape_cast %swap3A_120 : vector<1x1x16xf32> to vector<16xf32>
      %swap3A_122 = vector.shape_cast %broadcast_in_dim3A_1 : vector<16xf32> to vector<1x1x16xf32>
      tpu.vector_store %arg8[%swap3A_117, %swap3A_118, %swap3A_119], %swap3A_122 {strides = array<i32>} : memref<2x100x128xf32, #tpu.memory_space<vmem>>, vector<1x1x16xf32>,
      %swap3A_123 = arith.constant 0 : i32
      %swap3A_124 = arith.index_cast %swap3A_123 : i32 to index
      %swap3A_125 = arith.index_cast %scan3A_81 : i32 to index
      %swap3A_126 = arith.constant 96 : index
      %swap3A_127 = tpu.vector_load %arg8[%swap3A_124, %swap3A_125, %swap3A_126] {strides = array<i32>} : memref<2x100x128xf32, #tpu.memory_space<vmem>>, vector<1x1x16xf32>,
      %swap3A_128 = vector.shape_cast %swap3A_127 : vector<1x1x16xf32> to vector<16xf32>
      %swap3A_129 = vector.shape_cast %broadcast_in_dim3A_1 : vector<16xf32> to vector<1x1x16xf32>
      tpu.vector_store %arg8[%swap3A_124, %swap3A_125, %swap3A_126], %swap3A_129 {strides = array<i32>} : memref<2x100x128xf32, #tpu.memory_space<vmem>>, vector<1x1x16xf32>,
      %swap3A_130 = arith.constant 0 : i32
      %swap3A_131 = arith.index_cast %swap3A_130 : i32 to index
      %swap3A_132 = arith.index_cast %scan3A_81 : i32 to index
      %swap3A_133 = arith.constant 112 : index
      %swap3A_134 = tpu.vector_load %arg8[%swap3A_131, %swap3A_132, %swap3A_133] {strides = array<i32>} : memref<2x100x128xf32, #tpu.memory_space<vmem>>, vector<1x1x16xf32>,
      %swap3A_135 = vector.shape_cast %swap3A_134 : vector<1x1x16xf32> to vector<16xf32>
      %swap3A_136 = vector.shape_cast %broadcast_in_dim3A_1 : vector<16xf32> to vector<1x1x16xf32>
      tpu.vector_store %arg8[%swap3A_131, %swap3A_132, %swap3A_133], %swap3A_136 {strides = array<i32>} : memref<2x100x128xf32, #tpu.memory_space<vmem>>, vector<1x1x16xf32>,
    }
    %scan3A_6 = arith.constant 100 : i32
    %mul3A_7 = arith.constant 640 : i32
    %mul3A_8 = arith.muli %arg1, %mul3A_7 : i32
    %add3A_9 = arith.constant 0 : i32
    %add3A_10 = arith.addi %mul3A_8, %add3A_9 : i32
    %run_scoped3A = arith.constant 0 : i32
    "tpu.region"() ({
      %run_scoped3A_81 = tpu.sem_alloc : memref<!tpu.dma_semaphore, #tpu.memory_space<semaphore_mem>>
      %dma_start3A_82 = arith.constant 0 : i32
      %dma_start3A_83 = arith.constant 0 : i32
      %dma_start3A_84 = tpu.memref_slice %arg8[%run_scoped3A, %dma_start3A_82, %dma_start3A_83] : memref<2x100x128xf32, #tpu.memory_space<vmem>> -> memref<1x100x128xf32, #tpu.memory_space<vmem>>
      %dma_start3A_85 = tpu.memref_squeeze %dma_start3A_84 : memref<1x100x128xf32, #tpu.memory_space<vmem>> -> memref<100x128xf32, #tpu.memory_space<vmem>>
      %dma_start3A_86 = arith.constant 0 : i32
      %dma_start3A_87 = tpu.memref_slice %arg9[%add3A_10, %dma_start3A_86] : memref<10240x128xf32, #tpu.memory_space<vmem_shared>> -> memref<100x128xf32, #tpu.memory_space<vmem_shared>>
      %dma_start3A_88 = arith.constant 0 : i32
      %dma_start3A_89 = tpu.memref_slice %arg9[%add3A_10, %dma_start3A_88] : memref<10240x128xf32, #tpu.memory_space<vmem_shared>> -> memref<100x128xf32, #tpu.memory_space<vmem_shared>>
      %dma_start3A_90 = arith.constant 0 : i32
      %dma_start3A_91 = arith.constant 0 : i32
      %dma_start3A_92 = tpu.memref_slice %arg8[%run_scoped3A, %dma_start3A_90, %dma_start3A_91] : memref<2x100x128xf32, #tpu.memory_space<vmem>> -> memref<1x100x128xf32, #tpu.memory_space<vmem>>
      %dma_start3A_93 = tpu.memref_squeeze %dma_start3A_92 : memref<1x100x128xf32, #tpu.memory_space<vmem>> -> memref<100x128xf32, #tpu.memory_space<vmem>>
      tpu.enqueue_dma source(%dma_start3A_93 : memref<100x128xf32, #tpu.memory_space<vmem>>) target(%dma_start3A_89 : memref<100x128xf32, #tpu.memory_space<vmem_shared>>) target_semaphore(%run_scoped3A_81 : memref<!tpu.dma_semaphore, #tpu.memory_space<semaphore_mem>>)
      %dma_wait3A = arith.constant 0 : i32
      %dma_wait3A_94 = arith.constant 0 : i32
      %dma_wait3A_95 = tpu.memref_slice %arg8[%run_scoped3A, %dma_wait3A, %dma_wait3A_94] : memref<2x100x128xf32, #tpu.memory_space<vmem>> -> memref<1x100x128xf32, #tpu.memory_space<vmem>>
      %dma_wait3A_96 = tpu.memref_squeeze %dma_wait3A_95 : memref<1x100x128xf32, #tpu.memory_space<vmem>> -> memref<100x128xf32, #tpu.memory_space<vmem>>
      %dma_wait3A_97 = arith.constant 0 : i32
      %dma_wait3A_98 = tpu.memref_slice %arg9[%add3A_10, %dma_wait3A_97] : memref<10240x128xf32, #tpu.memory_space<vmem_shared>> -> memref<100x128xf32, #tpu.memory_space<vmem_shared>>
      %dma_wait3A_99 = arith.constant 0 : i32
      %dma_wait3A_100 = tpu.memref_slice %arg9[%add3A_10, %dma_wait3A_99] : memref<10240x128xf32, #tpu.memory_space<vmem_shared>> -> memref<100x128xf32, #tpu.memory_space<vmem_shared>>
      %dma_wait3A_101 = arith.constant 0 : i32
      %dma_wait3A_102 = arith.constant 0 : i32
      %dma_wait3A_103 = tpu.memref_slice %arg8[%run_scoped3A, %dma_wait3A_101, %dma_wait3A_102] : memref<2x100x128xf32, #tpu.memory_space<vmem>> -> memref<1x100x128xf32, #tpu.memory_space<vmem>>
      %dma_wait3A_104 = tpu.memref_squeeze %dma_wait3A_103 : memref<1x100x128xf32, #tpu.memory_space<vmem>> -> memref<100x128xf32, #tpu.memory_space<vmem>>
      tpu.wait_dma2 semaphore(%run_scoped3A_81 : memref<!tpu.dma_semaphore, #tpu.memory_space<semaphore_mem>>) src(%dma_wait3A_104 : memref<100x128xf32, #tpu.memory_space<vmem>>) dst(%dma_wait3A_100 : memref<100x128xf32, #tpu.memory_space<vmem_shared>>)
      tpu.yield
    }) : () -> ()
    %add3A_11 = arith.constant 100 : i32
    %add3A_12 = arith.addi %mul3A_8, %add3A_11 : i32
    %run_scoped3A_13 = arith.constant 0 : i32
    "tpu.region"() ({
      %run_scoped3A_81 = tpu.sem_alloc : memref<!tpu.dma_semaphore, #tpu.memory_space<semaphore_mem>>
      %dma_start3A_82 = arith.constant 0 : i32
      %dma_start3A_83 = arith.constant 0 : i32
      %dma_start3A_84 = tpu.memref_slice %arg8[%run_scoped3A_13, %dma_start3A_82, %dma_start3A_83] : memref<2x100x128xf32, #tpu.memory_space<vmem>> -> memref<1x100x128xf32, #tpu.memory_space<vmem>>
      %dma_start3A_85 = tpu.memref_squeeze %dma_start3A_84 : memref<1x100x128xf32, #tpu.memory_space<vmem>> -> memref<100x128xf32, #tpu.memory_space<vmem>>
      %dma_start3A_86 = arith.constant 0 : i32
      %dma_start3A_87 = tpu.memref_slice %arg9[%add3A_12, %dma_start3A_86] : memref<10240x128xf32, #tpu.memory_space<vmem_shared>> -> memref<100x128xf32, #tpu.memory_space<vmem_shared>>
      %dma_start3A_88 = arith.constant 0 : i32
      %dma_start3A_89 = tpu.memref_slice %arg9[%add3A_12, %dma_start3A_88] : memref<10240x128xf32, #tpu.memory_space<vmem_shared>> -> memref<100x128xf32, #tpu.memory_space<vmem_shared>>
      %dma_start3A_90 = arith.constant 0 : i32
      %dma_start3A_91 = arith.constant 0 : i32
      %dma_start3A_92 = tpu.memref_slice %arg8[%run_scoped3A_13, %dma_start3A_90, %dma_start3A_91] : memref<2x100x128xf32, #tpu.memory_space<vmem>> -> memref<1x100x128xf32, #tpu.memory_space<vmem>>
      %dma_start3A_93 = tpu.memref_squeeze %dma_start3A_92 : memref<1x100x128xf32, #tpu.memory_space<vmem>> -> memref<100x128xf32, #tpu.memory_space<vmem>>
      tpu.enqueue_dma source(%dma_start3A_93 : memref<100x128xf32, #tpu.memory_space<vmem>>) target(%dma_start3A_89 : memref<100x128xf32, #tpu.memory_space<vmem_shared>>) target_semaphore(%run_scoped3A_81 : memref<!tpu.dma_semaphore, #tpu.memory_space<semaphore_mem>>)
      %dma_wait3A = arith.constant 0 : i32
      %dma_wait3A_94 = arith.constant 0 : i32
      %dma_wait3A_95 = tpu.memref_slice %arg8[%run_scoped3A_13, %dma_wait3A, %dma_wait3A_94] : memref<2x100x128xf32, #tpu.memory_space<vmem>> -> memref<1x100x128xf32, #tpu.memory_space<vmem>>
      %dma_wait3A_96 = tpu.memref_squeeze %dma_wait3A_95 : memref<1x100x128xf32, #tpu.memory_space<vmem>> -> memref<100x128xf32, #tpu.memory_space<vmem>>
      %dma_wait3A_97 = arith.constant 0 : i32
      %dma_wait3A_98 = tpu.memref_slice %arg9[%add3A_12, %dma_wait3A_97] : memref<10240x128xf32, #tpu.memory_space<vmem_shared>> -> memref<100x128xf32, #tpu.memory_space<vmem_shared>>
      %dma_wait3A_99 = arith.constant 0 : i32
      %dma_wait3A_100 = tpu.memref_slice %arg9[%add3A_12, %dma_wait3A_99] : memref<10240x128xf32, #tpu.memory_space<vmem_shared>> -> memref<100x128xf32, #tpu.memory_space<vmem_shared>>
      %dma_wait3A_101 = arith.constant 0 : i32
      %dma_wait3A_102 = arith.constant 0 : i32
      %dma_wait3A_103 = tpu.memref_slice %arg8[%run_scoped3A_13, %dma_wait3A_101, %dma_wait3A_102] : memref<2x100x128xf32, #tpu.memory_space<vmem>> -> memref<1x100x128xf32, #tpu.memory_space<vmem>>
      %dma_wait3A_104 = tpu.memref_squeeze %dma_wait3A_103 : memref<1x100x128xf32, #tpu.memory_space<vmem>> -> memref<100x128xf32, #tpu.memory_space<vmem>>
      tpu.wait_dma2 semaphore(%run_scoped3A_81 : memref<!tpu.dma_semaphore, #tpu.memory_space<semaphore_mem>>) src(%dma_wait3A_104 : memref<100x128xf32, #tpu.memory_space<vmem>>) dst(%dma_wait3A_100 : memref<100x128xf32, #tpu.memory_space<vmem_shared>>)
      tpu.yield
    }) : () -> ()
    %add3A_14 = arith.constant 200 : i32
    %add3A_15 = arith.addi %mul3A_8, %add3A_14 : i32
    %run_scoped3A_16 = arith.constant 0 : i32
    "tpu.region"() ({
      %run_scoped3A_81 = tpu.sem_alloc : memref<!tpu.dma_semaphore, #tpu.memory_space<semaphore_mem>>
      %dma_start3A_82 = arith.constant 0 : i32
      %dma_start3A_83 = arith.constant 0 : i32
      %dma_start3A_84 = tpu.memref_slice %arg8[%run_scoped3A_16, %dma_start3A_82, %dma_start3A_83] : memref<2x100x128xf32, #tpu.memory_space<vmem>> -> memref<1x100x128xf32, #tpu.memory_space<vmem>>
      %dma_start3A_85 = tpu.memref_squeeze %dma_start3A_84 : memref<1x100x128xf32, #tpu.memory_space<vmem>> -> memref<100x128xf32, #tpu.memory_space<vmem>>
      %dma_start3A_86 = arith.constant 0 : i32
      %dma_start3A_87 = tpu.memref_slice %arg9[%add3A_15, %dma_start3A_86] : memref<10240x128xf32, #tpu.memory_space<vmem_shared>> -> memref<100x128xf32, #tpu.memory_space<vmem_shared>>
      %dma_start3A_88 = arith.constant 0 : i32
      %dma_start3A_89 = tpu.memref_slice %arg9[%add3A_15, %dma_start3A_88] : memref<10240x128xf32, #tpu.memory_space<vmem_shared>> -> memref<100x128xf32, #tpu.memory_space<vmem_shared>>
      %dma_start3A_90 = arith.constant 0 : i32
      %dma_start3A_91 = arith.constant 0 : i32
      %dma_start3A_92 = tpu.memref_slice %arg8[%run_scoped3A_16, %dma_start3A_90, %dma_start3A_91] : memref<2x100x128xf32, #tpu.memory_space<vmem>> -> memref<1x100x128xf32, #tpu.memory_space<vmem>>
      %dma_start3A_93 = tpu.memref_squeeze %dma_start3A_92 : memref<1x100x128xf32, #tpu.memory_space<vmem>> -> memref<100x128xf32, #tpu.memory_space<vmem>>
      tpu.enqueue_dma source(%dma_start3A_93 : memref<100x128xf32, #tpu.memory_space<vmem>>) target(%dma_start3A_89 : memref<100x128xf32, #tpu.memory_space<vmem_shared>>) target_semaphore(%run_scoped3A_81 : memref<!tpu.dma_semaphore, #tpu.memory_space<semaphore_mem>>)
      %dma_wait3A = arith.constant 0 : i32
      %dma_wait3A_94 = arith.constant 0 : i32
      %dma_wait3A_95 = tpu.memref_slice %arg8[%run_scoped3A_16, %dma_wait3A, %dma_wait3A_94] : memref<2x100x128xf32, #tpu.memory_space<vmem>> -> memref<1x100x128xf32, #tpu.memory_space<vmem>>
      %dma_wait3A_96 = tpu.memref_squeeze %dma_wait3A_95 : memref<1x100x128xf32, #tpu.memory_space<vmem>> -> memref<100x128xf32, #tpu.memory_space<vmem>>
      %dma_wait3A_97 = arith.constant 0 : i32
      %dma_wait3A_98 = tpu.memref_slice %arg9[%add3A_15, %dma_wait3A_97] : memref<10240x128xf32, #tpu.memory_space<vmem_shared>> -> memref<100x128xf32, #tpu.memory_space<vmem_shared>>
      %dma_wait3A_99 = arith.constant 0 : i32
      %dma_wait3A_100 = tpu.memref_slice %arg9[%add3A_15, %dma_wait3A_99] : memref<10240x128xf32, #tpu.memory_space<vmem_shared>> -> memref<100x128xf32, #tpu.memory_space<vmem_shared>>
      %dma_wait3A_101 = arith.constant 0 : i32
      %dma_wait3A_102 = arith.constant 0 : i32
      %dma_wait3A_103 = tpu.memref_slice %arg8[%run_scoped3A_16, %dma_wait3A_101, %dma_wait3A_102] : memref<2x100x128xf32, #tpu.memory_space<vmem>> -> memref<1x100x128xf32, #tpu.memory_space<vmem>>
      %dma_wait3A_104 = tpu.memref_squeeze %dma_wait3A_103 : memref<1x100x128xf32, #tpu.memory_space<vmem>> -> memref<100x128xf32, #tpu.memory_space<vmem>>
      tpu.wait_dma2 semaphore(%run_scoped3A_81 : memref<!tpu.dma_semaphore, #tpu.memory_space<semaphore_mem>>) src(%dma_wait3A_104 : memref<100x128xf32, #tpu.memory_space<vmem>>) dst(%dma_wait3A_100 : memref<100x128xf32, #tpu.memory_space<vmem_shared>>)
      tpu.yield
    }) : () -> ()
    %add3A_17 = arith.constant 300 : i32
    %add3A_18 = arith.addi %mul3A_8, %add3A_17 : i32
    %run_scoped3A_19 = arith.constant 0 : i32
    "tpu.region"() ({
      %run_scoped3A_81 = tpu.sem_alloc : memref<!tpu.dma_semaphore, #tpu.memory_space<semaphore_mem>>
      %dma_start3A_82 = arith.constant 0 : i32
      %dma_start3A_83 = arith.constant 0 : i32
      %dma_start3A_84 = tpu.memref_slice %arg8[%run_scoped3A_19, %dma_start3A_82, %dma_start3A_83] : memref<2x100x128xf32, #tpu.memory_space<vmem>> -> memref<1x100x128xf32, #tpu.memory_space<vmem>>
      %dma_start3A_85 = tpu.memref_squeeze %dma_start3A_84 : memref<1x100x128xf32, #tpu.memory_space<vmem>> -> memref<100x128xf32, #tpu.memory_space<vmem>>
      %dma_start3A_86 = arith.constant 0 : i32
      %dma_start3A_87 = tpu.memref_slice %arg9[%add3A_18, %dma_start3A_86] : memref<10240x128xf32, #tpu.memory_space<vmem_shared>> -> memref<100x128xf32, #tpu.memory_space<vmem_shared>>
      %dma_start3A_88 = arith.constant 0 : i32
      %dma_start3A_89 = tpu.memref_slice %arg9[%add3A_18, %dma_start3A_88] : memref<10240x128xf32, #tpu.memory_space<vmem_shared>> -> memref<100x128xf32, #tpu.memory_space<vmem_shared>>
      %dma_start3A_90 = arith.constant 0 : i32
      %dma_start3A_91 = arith.constant 0 : i32
      %dma_start3A_92 = tpu.memref_slice %arg8[%run_scoped3A_19, %dma_start3A_90, %dma_start3A_91] : memref<2x100x128xf32, #tpu.memory_space<vmem>> -> memref<1x100x128xf32, #tpu.memory_space<vmem>>
      %dma_start3A_93 = tpu.memref_squeeze %dma_start3A_92 : memref<1x100x128xf32, #tpu.memory_space<vmem>> -> memref<100x128xf32, #tpu.memory_space<vmem>>
      tpu.enqueue_dma source(%dma_start3A_93 : memref<100x128xf32, #tpu.memory_space<vmem>>) target(%dma_start3A_89 : memref<100x128xf32, #tpu.memory_space<vmem_shared>>) target_semaphore(%run_scoped3A_81 : memref<!tpu.dma_semaphore, #tpu.memory_space<semaphore_mem>>)
      %dma_wait3A = arith.constant 0 : i32
      %dma_wait3A_94 = arith.constant 0 : i32
      %dma_wait3A_95 = tpu.memref_slice %arg8[%run_scoped3A_19, %dma_wait3A, %dma_wait3A_94] : memref<2x100x128xf32, #tpu.memory_space<vmem>> -> memref<1x100x128xf32, #tpu.memory_space<vmem>>
      %dma_wait3A_96 = tpu.memref_squeeze %dma_wait3A_95 : memref<1x100x128xf32, #tpu.memory_space<vmem>> -> memref<100x128xf32, #tpu.memory_space<vmem>>
      %dma_wait3A_97 = arith.constant 0 : i32
      %dma_wait3A_98 = tpu.memref_slice %arg9[%add3A_18, %dma_wait3A_97] : memref<10240x128xf32, #tpu.memory_space<vmem_shared>> -> memref<100x128xf32, #tpu.memory_space<vmem_shared>>
      %dma_wait3A_99 = arith.constant 0 : i32
      %dma_wait3A_100 = tpu.memref_slice %arg9[%add3A_18, %dma_wait3A_99] : memref<10240x128xf32, #tpu.memory_space<vmem_shared>> -> memref<100x128xf32, #tpu.memory_space<vmem_shared>>
      %dma_wait3A_101 = arith.constant 0 : i32
      %dma_wait3A_102 = arith.constant 0 : i32
      %dma_wait3A_103 = tpu.memref_slice %arg8[%run_scoped3A_19, %dma_wait3A_101, %dma_wait3A_102] : memref<2x100x128xf32, #tpu.memory_space<vmem>> -> memref<1x100x128xf32, #tpu.memory_space<vmem>>
      %dma_wait3A_104 = tpu.memref_squeeze %dma_wait3A_103 : memref<1x100x128xf32, #tpu.memory_space<vmem>> -> memref<100x128xf32, #tpu.memory_space<vmem>>
      tpu.wait_dma2 semaphore(%run_scoped3A_81 : memref<!tpu.dma_semaphore, #tpu.memory_space<semaphore_mem>>) src(%dma_wait3A_104 : memref<100x128xf32, #tpu.memory_space<vmem>>) dst(%dma_wait3A_100 : memref<100x128xf32, #tpu.memory_space<vmem_shared>>)
      tpu.yield
    }) : () -> ()
    %add3A_20 = arith.constant 400 : i32
    %add3A_21 = arith.addi %mul3A_8, %add3A_20 : i32
    %run_scoped3A_22 = arith.constant 0 : i32
    "tpu.region"() ({
      %run_scoped3A_81 = tpu.sem_alloc : memref<!tpu.dma_semaphore, #tpu.memory_space<semaphore_mem>>
      %dma_start3A_82 = arith.constant 0 : i32
      %dma_start3A_83 = arith.constant 0 : i32
      %dma_start3A_84 = tpu.memref_slice %arg8[%run_scoped3A_22, %dma_start3A_82, %dma_start3A_83] : memref<2x100x128xf32, #tpu.memory_space<vmem>> -> memref<1x100x128xf32, #tpu.memory_space<vmem>>
      %dma_start3A_85 = tpu.memref_squeeze %dma_start3A_84 : memref<1x100x128xf32, #tpu.memory_space<vmem>> -> memref<100x128xf32, #tpu.memory_space<vmem>>
      %dma_start3A_86 = arith.constant 0 : i32
      %dma_start3A_87 = tpu.memref_slice %arg9[%add3A_21, %dma_start3A_86] : memref<10240x128xf32, #tpu.memory_space<vmem_shared>> -> memref<100x128xf32, #tpu.memory_space<vmem_shared>>
      %dma_start3A_88 = arith.constant 0 : i32
      %dma_start3A_89 = tpu.memref_slice %arg9[%add3A_21, %dma_start3A_88] : memref<10240x128xf32, #tpu.memory_space<vmem_shared>> -> memref<100x128xf32, #tpu.memory_space<vmem_shared>>
      %dma_start3A_90 = arith.constant 0 : i32
      %dma_start3A_91 = arith.constant 0 : i32
      %dma_start3A_92 = tpu.memref_slice %arg8[%run_scoped3A_22, %dma_start3A_90, %dma_start3A_91] : memref<2x100x128xf32, #tpu.memory_space<vmem>> -> memref<1x100x128xf32, #tpu.memory_space<vmem>>
      %dma_start3A_93 = tpu.memref_squeeze %dma_start3A_92 : memref<1x100x128xf32, #tpu.memory_space<vmem>> -> memref<100x128xf32, #tpu.memory_space<vmem>>
      tpu.enqueue_dma source(%dma_start3A_93 : memref<100x128xf32, #tpu.memory_space<vmem>>) target(%dma_start3A_89 : memref<100x128xf32, #tpu.memory_space<vmem_shared>>) target_semaphore(%run_scoped3A_81 : memref<!tpu.dma_semaphore, #tpu.memory_space<semaphore_mem>>)
      %dma_wait3A = arith.constant 0 : i32
      %dma_wait3A_94 = arith.constant 0 : i32
      %dma_wait3A_95 = tpu.memref_slice %arg8[%run_scoped3A_22, %dma_wait3A, %dma_wait3A_94] : memref<2x100x128xf32, #tpu.memory_space<vmem>> -> memref<1x100x128xf32, #tpu.memory_space<vmem>>
      %dma_wait3A_96 = tpu.memref_squeeze %dma_wait3A_95 : memref<1x100x128xf32, #tpu.memory_space<vmem>> -> memref<100x128xf32, #tpu.memory_space<vmem>>
      %dma_wait3A_97 = arith.constant 0 : i32
      %dma_wait3A_98 = tpu.memref_slice %arg9[%add3A_21, %dma_wait3A_97] : memref<10240x128xf32, #tpu.memory_space<vmem_shared>> -> memref<100x128xf32, #tpu.memory_space<vmem_shared>>
      %dma_wait3A_99 = arith.constant 0 : i32
      %dma_wait3A_100 = tpu.memref_slice %arg9[%add3A_21, %dma_wait3A_99] : memref<10240x128xf32, #tpu.memory_space<vmem_shared>> -> memref<100x128xf32, #tpu.memory_space<vmem_shared>>
      %dma_wait3A_101 = arith.constant 0 : i32
      %dma_wait3A_102 = arith.constant 0 : i32
      %dma_wait3A_103 = tpu.memref_slice %arg8[%run_scoped3A_22, %dma_wait3A_101, %dma_wait3A_102] : memref<2x100x128xf32, #tpu.memory_space<vmem>> -> memref<1x100x128xf32, #tpu.memory_space<vmem>>
      %dma_wait3A_104 = tpu.memref_squeeze %dma_wait3A_103 : memref<1x100x128xf32, #tpu.memory_space<vmem>> -> memref<100x128xf32, #tpu.memory_space<vmem>>
      tpu.wait_dma2 semaphore(%run_scoped3A_81 : memref<!tpu.dma_semaphore, #tpu.memory_space<semaphore_mem>>) src(%dma_wait3A_104 : memref<100x128xf32, #tpu.memory_space<vmem>>) dst(%dma_wait3A_100 : memref<100x128xf32, #tpu.memory_space<vmem_shared>>)
      tpu.yield
    }) : () -> ()
    %add3A_23 = arith.constant 500 : i32
    %add3A_24 = arith.addi %mul3A_8, %add3A_23 : i32
    %run_scoped3A_25 = arith.constant 0 : i32
    "tpu.region"() ({
      %run_scoped3A_81 = tpu.sem_alloc : memref<!tpu.dma_semaphore, #tpu.memory_space<semaphore_mem>>
      %dma_start3A_82 = arith.constant 0 : i32
      %dma_start3A_83 = arith.constant 0 : i32
      %dma_start3A_84 = tpu.memref_slice %arg8[%run_scoped3A_25, %dma_start3A_82, %dma_start3A_83] : memref<2x100x128xf32, #tpu.memory_space<vmem>> -> memref<1x100x128xf32, #tpu.memory_space<vmem>>
      %dma_start3A_85 = tpu.memref_squeeze %dma_start3A_84 : memref<1x100x128xf32, #tpu.memory_space<vmem>> -> memref<100x128xf32, #tpu.memory_space<vmem>>
      %dma_start3A_86 = arith.constant 0 : i32
      %dma_start3A_87 = tpu.memref_slice %arg9[%add3A_24, %dma_start3A_86] : memref<10240x128xf32, #tpu.memory_space<vmem_shared>> -> memref<100x128xf32, #tpu.memory_space<vmem_shared>>
      %dma_start3A_88 = arith.constant 0 : i32
      %dma_start3A_89 = tpu.memref_slice %arg9[%add3A_24, %dma_start3A_88] : memref<10240x128xf32, #tpu.memory_space<vmem_shared>> -> memref<100x128xf32, #tpu.memory_space<vmem_shared>>
      %dma_start3A_90 = arith.constant 0 : i32
      %dma_start3A_91 = arith.constant 0 : i32
      %dma_start3A_92 = tpu.memref_slice %arg8[%run_scoped3A_25, %dma_start3A_90, %dma_start3A_91] : memref<2x100x128xf32, #tpu.memory_space<vmem>> -> memref<1x100x128xf32, #tpu.memory_space<vmem>>
      %dma_start3A_93 = tpu.memref_squeeze %dma_start3A_92 : memref<1x100x128xf32, #tpu.memory_space<vmem>> -> memref<100x128xf32, #tpu.memory_space<vmem>>
      tpu.enqueue_dma source(%dma_start3A_93 : memref<100x128xf32, #tpu.memory_space<vmem>>) target(%dma_start3A_89 : memref<100x128xf32, #tpu.memory_space<vmem_shared>>) target_semaphore(%run_scoped3A_81 : memref<!tpu.dma_semaphore, #tpu.memory_space<semaphore_mem>>)
      %dma_wait3A = arith.constant 0 : i32
      %dma_wait3A_94 = arith.constant 0 : i32
      %dma_wait3A_95 = tpu.memref_slice %arg8[%run_scoped3A_25, %dma_wait3A, %dma_wait3A_94] : memref<2x100x128xf32, #tpu.memory_space<vmem>> -> memref<1x100x128xf32, #tpu.memory_space<vmem>>
      %dma_wait3A_96 = tpu.memref_squeeze %dma_wait3A_95 : memref<1x100x128xf32, #tpu.memory_space<vmem>> -> memref<100x128xf32, #tpu.memory_space<vmem>>
      %dma_wait3A_97 = arith.constant 0 : i32
      %dma_wait3A_98 = tpu.memref_slice %arg9[%add3A_24, %dma_wait3A_97] : memref<10240x128xf32, #tpu.memory_space<vmem_shared>> -> memref<100x128xf32, #tpu.memory_space<vmem_shared>>
      %dma_wait3A_99 = arith.constant 0 : i32
      %dma_wait3A_100 = tpu.memref_slice %arg9[%add3A_24, %dma_wait3A_99] : memref<10240x128xf32, #tpu.memory_space<vmem_shared>> -> memref<100x128xf32, #tpu.memory_space<vmem_shared>>
      %dma_wait3A_101 = arith.constant 0 : i32
      %dma_wait3A_102 = arith.constant 0 : i32
      %dma_wait3A_103 = tpu.memref_slice %arg8[%run_scoped3A_25, %dma_wait3A_101, %dma_wait3A_102] : memref<2x100x128xf32, #tpu.memory_space<vmem>> -> memref<1x100x128xf32, #tpu.memory_space<vmem>>
      %dma_wait3A_104 = tpu.memref_squeeze %dma_wait3A_103 : memref<1x100x128xf32, #tpu.memory_space<vmem>> -> memref<100x128xf32, #tpu.memory_space<vmem>>
      tpu.wait_dma2 semaphore(%run_scoped3A_81 : memref<!tpu.dma_semaphore, #tpu.memory_space<semaphore_mem>>) src(%dma_wait3A_104 : memref<100x128xf32, #tpu.memory_space<vmem>>) dst(%dma_wait3A_100 : memref<100x128xf32, #tpu.memory_space<vmem_shared>>)
      tpu.yield
    }) : () -> ()
    %add3A_26 = arith.constant 600 : i32
    %add3A_27 = arith.addi %mul3A_8, %add3A_26 : i32
    %run_scoped3A_28 = arith.constant 0 : i32
    "tpu.region"() ({
      %run_scoped3A_81 = tpu.sem_alloc : memref<!tpu.dma_semaphore, #tpu.memory_space<semaphore_mem>>
      %dma_start3A_82 = arith.constant 0 : i32
      %dma_start3A_83 = arith.constant 0 : i32
      %dma_start3A_84 = tpu.memref_slice %arg8[%run_scoped3A_28, %dma_start3A_82, %dma_start3A_83] : memref<2x100x128xf32, #tpu.memory_space<vmem>> -> memref<1x100x128xf32, #tpu.memory_space<vmem>>
      %dma_start3A_85 = tpu.memref_squeeze %dma_start3A_84 : memref<1x100x128xf32, #tpu.memory_space<vmem>> -> memref<100x128xf32, #tpu.memory_space<vmem>>
      %dma_start3A_86 = arith.constant 0 : i32
      %dma_start3A_87 = arith.constant 0 : i32
      %dma_start3A_88 = tpu.memref_slice %dma_start3A_85[%dma_start3A_86, %dma_start3A_87] : memref<100x128xf32, #tpu.memory_space<vmem>> -> memref<40x128xf32, #tpu.memory_space<vmem>>
      %dma_start3A_89 = arith.constant 0 : i32
      %dma_start3A_90 = tpu.memref_slice %arg9[%add3A_27, %dma_start3A_89] : memref<10240x128xf32, #tpu.memory_space<vmem_shared>> -> memref<40x128xf32, #tpu.memory_space<vmem_shared>>
      %dma_start3A_91 = arith.constant 0 : i32
      %dma_start3A_92 = tpu.memref_slice %arg9[%add3A_27, %dma_start3A_91] : memref<10240x128xf32, #tpu.memory_space<vmem_shared>> -> memref<40x128xf32, #tpu.memory_space<vmem_shared>>
      %dma_start3A_93 = arith.constant 0 : i32
      %dma_start3A_94 = arith.constant 0 : i32
      %dma_start3A_95 = tpu.memref_slice %arg8[%run_scoped3A_28, %dma_start3A_93, %dma_start3A_94] : memref<2x100x128xf32, #tpu.memory_space<vmem>> -> memref<1x100x128xf32, #tpu.memory_space<vmem>>
      %dma_start3A_96 = tpu.memref_squeeze %dma_start3A_95 : memref<1x100x128xf32, #tpu.memory_space<vmem>> -> memref<100x128xf32, #tpu.memory_space<vmem>>
      %dma_start3A_97 = arith.constant 0 : i32
      %dma_start3A_98 = arith.constant 0 : i32
      %dma_start3A_99 = tpu.memref_slice %dma_start3A_96[%dma_start3A_97, %dma_start3A_98] : memref<100x128xf32, #tpu.memory_space<vmem>> -> memref<40x128xf32, #tpu.memory_space<vmem>>
      tpu.enqueue_dma source(%dma_start3A_99 : memref<40x128xf32, #tpu.memory_space<vmem>>) target(%dma_start3A_92 : memref<40x128xf32, #tpu.memory_space<vmem_shared>>) target_semaphore(%run_scoped3A_81 : memref<!tpu.dma_semaphore, #tpu.memory_space<semaphore_mem>>)
      %dma_wait3A = arith.constant 0 : i32
      %dma_wait3A_100 = arith.constant 0 : i32
      %dma_wait3A_101 = tpu.memref_slice %arg8[%run_scoped3A_28, %dma_wait3A, %dma_wait3A_100] : memref<2x100x128xf32, #tpu.memory_space<vmem>> -> memref<1x100x128xf32, #tpu.memory_space<vmem>>
      %dma_wait3A_102 = tpu.memref_squeeze %dma_wait3A_101 : memref<1x100x128xf32, #tpu.memory_space<vmem>> -> memref<100x128xf32, #tpu.memory_space<vmem>>
      %dma_wait3A_103 = arith.constant 0 : i32
      %dma_wait3A_104 = arith.constant 0 : i32
      %dma_wait3A_105 = tpu.memref_slice %dma_wait3A_102[%dma_wait3A_103, %dma_wait3A_104] : memref<100x128xf32, #tpu.memory_space<vmem>> -> memref<40x128xf32, #tpu.memory_space<vmem>>
      %dma_wait3A_106 = arith.constant 0 : i32
      %dma_wait3A_107 = tpu.memref_slice %arg9[%add3A_27, %dma_wait3A_106] : memref<10240x128xf32, #tpu.memory_space<vmem_shared>> -> memref<40x128xf32, #tpu.memory_space<vmem_shared>>
      %dma_wait3A_108 = arith.constant 0 : i32
      %dma_wait3A_109 = tpu.memref_slice %arg9[%add3A_27, %dma_wait3A_108] : memref<10240x128xf32, #tpu.memory_space<vmem_shared>> -> memref<40x128xf32, #tpu.memory_space<vmem_shared>>
      %dma_wait3A_110 = arith.constant 0 : i32
      %dma_wait3A_111 = arith.constant 0 : i32
      %dma_wait3A_112 = tpu.memref_slice %arg8[%run_scoped3A_28, %dma_wait3A_110, %dma_wait3A_111] : memref<2x100x128xf32, #tpu.memory_space<vmem>> -> memref<1x100x128xf32, #tpu.memory_space<vmem>>
      %dma_wait3A_113 = tpu.memref_squeeze %dma_wait3A_112 : memref<1x100x128xf32, #tpu.memory_space<vmem>> -> memref<100x128xf32, #tpu.memory_space<vmem>>
      %dma_wait3A_114 = arith.constant 0 : i32
      %dma_wait3A_115 = arith.constant 0 : i32
      %dma_wait3A_116 = tpu.memref_slice %dma_wait3A_113[%dma_wait3A_114, %dma_wait3A_115] : memref<100x128xf32, #tpu.memory_space<vmem>> -> memref<40x128xf32, #tpu.memory_space<vmem>>
      tpu.wait_dma2 semaphore(%run_scoped3A_81 : memref<!tpu.dma_semaphore, #tpu.memory_space<semaphore_mem>>) src(%dma_wait3A_116 : memref<40x128xf32, #tpu.memory_space<vmem>>) dst(%dma_wait3A_109 : memref<40x128xf32, #tpu.memory_space<vmem_shared>>)
      tpu.yield
    }) : () -> ()
    %barrier3A = arith.constant 0 : index
    tpu.barrier barrier_id(%barrier3A)
    %mul3A_29 = arith.constant 2 : i32
    %mul3A_30 = arith.muli %add3A, %mul3A_29 : i32
    %add3A_31 = arith.constant 0 : i32
    %add3A_32 = arith.addi %mul3A_30, %add3A_31 : i32
    "tpu.region"() ({
      %run_scoped3A_81 = tpu.sem_alloc : memref<!tpu.dma_semaphore, #tpu.memory_space<semaphore_mem>>
      %dma_start3A_82 = arith.constant 0 : i32
      %dma_start3A_83 = arith.constant 0 : i32
      %dma_start3A_84 = tpu.memref_slice %arg3[%add3A_32, %dma_start3A_82, %dma_start3A_83] : memref<64x50x100xi32, #tpu.memory_space<hbm>> -> memref<1x50x100xi32, #tpu.memory_space<hbm>>
      %dma_start3A_85 = tpu.memref_squeeze %dma_start3A_84 : memref<1x50x100xi32, #tpu.memory_space<hbm>> -> memref<50x100xi32, #tpu.memory_space<hbm>>
      %dma_start3A_86 = arith.constant 0 : i32
      %dma_start3A_87 = arith.constant 0 : i32
      %dma_start3A_88 = tpu.memref_slice %arg3[%add3A_32, %dma_start3A_86, %dma_start3A_87] : memref<64x50x100xi32, #tpu.memory_space<hbm>> -> memref<1x50x100xi32, #tpu.memory_space<hbm>>
      %dma_start3A_89 = tpu.memref_squeeze %dma_start3A_88 : memref<1x50x100xi32, #tpu.memory_space<hbm>> -> memref<50x100xi32, #tpu.memory_space<hbm>>
      tpu.enqueue_dma source(%dma_start3A_89 : memref<50x100xi32, #tpu.memory_space<hbm>>) target(%arg6 : memref<50x100xi32, #tpu.memory_space<vmem>>) target_semaphore(%run_scoped3A_81 : memref<!tpu.dma_semaphore, #tpu.memory_space<semaphore_mem>>)
      %dma_wait3A = arith.constant 0 : i32
      %dma_wait3A_90 = arith.constant 0 : i32
      %dma_wait3A_91 = tpu.memref_slice %arg3[%add3A_32, %dma_wait3A, %dma_wait3A_90] : memref<64x50x100xi32, #tpu.memory_space<hbm>> -> memref<1x50x100xi32, #tpu.memory_space<hbm>>
      %dma_wait3A_92 = tpu.memref_squeeze %dma_wait3A_91 : memref<1x50x100xi32, #tpu.memory_space<hbm>> -> memref<50x100xi32, #tpu.memory_space<hbm>>
      %dma_wait3A_93 = arith.constant 0 : i32
      %dma_wait3A_94 = arith.constant 0 : i32
      %dma_wait3A_95 = tpu.memref_slice %arg3[%add3A_32, %dma_wait3A_93, %dma_wait3A_94] : memref<64x50x100xi32, #tpu.memory_space<hbm>> -> memref<1x50x100xi32, #tpu.memory_space<hbm>>
      %dma_wait3A_96 = tpu.memref_squeeze %dma_wait3A_95 : memref<1x50x100xi32, #tpu.memory_space<hbm>> -> memref<50x100xi32, #tpu.memory_space<hbm>>
      tpu.wait_dma2 semaphore(%run_scoped3A_81 : memref<!tpu.dma_semaphore, #tpu.memory_space<semaphore_mem>>) src(%dma_wait3A_96 : memref<50x100xi32, #tpu.memory_space<hbm>>) dst(%arg6 : memref<50x100xi32, #tpu.memory_space<vmem>>)
      tpu.yield
    }) : () -> ()
    %mul3A_33 = arith.constant 2 : i32
    %mul3A_34 = arith.muli %add3A, %mul3A_33 : i32
    %add3A_35 = arith.constant 0 : i32
    %add3A_36 = arith.addi %mul3A_34, %add3A_35 : i32
    "tpu.region"() ({
      %run_scoped3A_81 = tpu.sem_alloc : memref<!tpu.dma_semaphore, #tpu.memory_space<semaphore_mem>>
      %dma_start3A_82 = arith.constant 0 : i32
      %dma_start3A_83 = arith.constant 0 : i32
      %dma_start3A_84 = tpu.memref_slice %arg4[%add3A_36, %dma_start3A_82, %dma_start3A_83] : memref<64x50x100xi32, #tpu.memory_space<hbm>> -> memref<1x50x100xi32, #tpu.memory_space<hbm>>
      %dma_start3A_85 = tpu.memref_squeeze %dma_start3A_84 : memref<1x50x100xi32, #tpu.memory_space<hbm>> -> memref<50x100xi32, #tpu.memory_space<hbm>>
      %dma_start3A_86 = arith.constant 0 : i32
      %dma_start3A_87 = arith.constant 0 : i32
      %dma_start3A_88 = tpu.memref_slice %arg4[%add3A_36, %dma_start3A_86, %dma_start3A_87] : memref<64x50x100xi32, #tpu.memory_space<hbm>> -> memref<1x50x100xi32, #tpu.memory_space<hbm>>
      %dma_start3A_89 = tpu.memref_squeeze %dma_start3A_88 : memref<1x50x100xi32, #tpu.memory_space<hbm>> -> memref<50x100xi32, #tpu.memory_space<hbm>>
      tpu.enqueue_dma source(%dma_start3A_89 : memref<50x100xi32, #tpu.memory_space<hbm>>) target(%arg7 : memref<50x100xi32, #tpu.memory_space<vmem>>) target_semaphore(%run_scoped3A_81 : memref<!tpu.dma_semaphore, #tpu.memory_space<semaphore_mem>>)
      %dma_wait3A = arith.constant 0 : i32
      %dma_wait3A_90 = arith.constant 0 : i32
      %dma_wait3A_91 = tpu.memref_slice %arg4[%add3A_36, %dma_wait3A, %dma_wait3A_90] : memref<64x50x100xi32, #tpu.memory_space<hbm>> -> memref<1x50x100xi32, #tpu.memory_space<hbm>>
      %dma_wait3A_92 = tpu.memref_squeeze %dma_wait3A_91 : memref<1x50x100xi32, #tpu.memory_space<hbm>> -> memref<50x100xi32, #tpu.memory_space<hbm>>
      %dma_wait3A_93 = arith.constant 0 : i32
      %dma_wait3A_94 = arith.constant 0 : i32
      %dma_wait3A_95 = tpu.memref_slice %arg4[%add3A_36, %dma_wait3A_93, %dma_wait3A_94] : memref<64x50x100xi32, #tpu.memory_space<hbm>> -> memref<1x50x100xi32, #tpu.memory_space<hbm>>
      %dma_wait3A_96 = tpu.memref_squeeze %dma_wait3A_95 : memref<1x50x100xi32, #tpu.memory_space<hbm>> -> memref<50x100xi32, #tpu.memory_space<hbm>>
      tpu.wait_dma2 semaphore(%run_scoped3A_81 : memref<!tpu.dma_semaphore, #tpu.memory_space<semaphore_mem>>) src(%dma_wait3A_96 : memref<50x100xi32, #tpu.memory_space<hbm>>) dst(%arg7 : memref<50x100xi32, #tpu.memory_space<vmem>>)
      tpu.yield
    }) : () -> ()
    %dma_start3A = arith.constant 0 : i32
    %dma_start3A_37 = arith.constant 0 : i32
    %dma_start3A_38 = arith.constant 0 : i32
    %dma_start3A_39 = arith.constant 0 : i32
    %dma_start3A_40 = tpu.memref_slice %arg8[%dma_start3A_37, %dma_start3A_38, %dma_start3A_39] : memref<2x100x128xf32, #tpu.memory_space<vmem>> -> memref<1x100x128xf32, #tpu.memory_space<vmem>>
    %dma_start3A_41 = tpu.memref_squeeze %dma_start3A_40 : memref<1x100x128xf32, #tpu.memory_space<vmem>> -> memref<100x128xf32, #tpu.memory_space<vmem>>
    %dma_start3A_42 = arith.constant 0 : i32
    %dma_start3A_43 = tpu.memref_slice %arg6[%dma_start3A, %dma_start3A_42] : memref<50x100xi32, #tpu.memory_space<vmem>> -> memref<1x100xi32, #tpu.memory_space<vmem>>
    %dma_start3A_44 = tpu.memref_squeeze %dma_start3A_43 : memref<1x100xi32, #tpu.memory_space<vmem>> -> memref<100xi32, #tpu.memory_space<vmem>>
    %dma_start3A_45 = arith.constant 0 : i32
    %dma_start3A_46 = arith.constant 0 : i32
    %dma_start3A_47 = tpu.memref_slice %arg2[%dma_start3A_45, %dma_start3A_46] : memref<10000x128xf32, #tpu.memory_space<hbm>> -> memref<10000x128xf32, #tpu.memory_space<hbm>>
    tpu.enqueue_indirect_dma source(%dma_start3A_47 : memref<10000x128xf32, #tpu.memory_space<hbm>>) target(%dma_start3A_41 : memref<100x128xf32, #tpu.memory_space<vmem>>) offsets(%dma_start3A_44 : memref<100xi32, #tpu.memory_space<vmem>>) semaphore(%arg10 : memref<!tpu.dma_semaphore, #tpu.memory_space<semaphore_mem>>)
    %scan3A_48 = arith.constant 0 : i32
    %scan3A_49 = arith.constant 0 : i32
    %scan3A_50 = arith.constant 25 : i32
    %scan3A_51 = arith.addi %scan3A_49, %scan3A_50 : i32
    %scan3A_52 = arith.constant 1 : i32
    scf.for %scan3A_81 = %scan3A_49 to %scan3A_51 step %scan3A_52  : i32 {
      %mul3A_82 = arith.constant 2 : i32
      %mul3A_83 = arith.muli %scan3A_81, %mul3A_82 : i32
      %add3A_84 = arith.constant 1 : i32
      %add3A_85 = arith.addi %mul3A_83, %add3A_84 : i32
      %dma_start3A_86 = arith.constant 1 : i32
      %dma_start3A_87 = arith.constant 0 : i32
      %dma_start3A_88 = arith.constant 0 : i32
      %dma_start3A_89 = tpu.memref_slice %arg8[%dma_start3A_86, %dma_start3A_87, %dma_start3A_88] : memref<2x100x128xf32, #tpu.memory_space<vmem>> -> memref<1x100x128xf32, #tpu.memory_space<vmem>>
      %dma_start3A_90 = tpu.memref_squeeze %dma_start3A_89 : memref<1x100x128xf32, #tpu.memory_space<vmem>> -> memref<100x128xf32, #tpu.memory_space<vmem>>
      %dma_start3A_91 = arith.constant 0 : i32
      %dma_start3A_92 = tpu.memref_slice %arg6[%add3A_85, %dma_start3A_91] : memref<50x100xi32, #tpu.memory_space<vmem>> -> memref<1x100xi32, #tpu.memory_space<vmem>>
      %dma_start3A_93 = tpu.memref_squeeze %dma_start3A_92 : memref<1x100xi32, #tpu.memory_space<vmem>> -> memref<100xi32, #tpu.memory_space<vmem>>
      %dma_start3A_94 = arith.constant 0 : i32
      %dma_start3A_95 = arith.constant 0 : i32
      %dma_start3A_96 = tpu.memref_slice %arg2[%dma_start3A_94, %dma_start3A_95] : memref<10000x128xf32, #tpu.memory_space<hbm>> -> memref<10000x128xf32, #tpu.memory_space<hbm>>
      tpu.enqueue_indirect_dma source(%dma_start3A_96 : memref<10000x128xf32, #tpu.memory_space<hbm>>) target(%dma_start3A_90 : memref<100x128xf32, #tpu.memory_space<vmem>>) offsets(%dma_start3A_93 : memref<100xi32, #tpu.memory_space<vmem>>) semaphore(%arg11 : memref<!tpu.dma_semaphore, #tpu.memory_space<semaphore_mem>>)
      %dma_wait3A = arith.constant 0 : i32
      %dma_wait3A_97 = arith.constant 0 : i32
      %dma_wait3A_98 = arith.constant 0 : i32
      %dma_wait3A_99 = tpu.memref_slice %arg8[%dma_wait3A, %dma_wait3A_97, %dma_wait3A_98] : memref<2x100x128xf32, #tpu.memory_space<vmem>> -> memref<1x100x128xf32, #tpu.memory_space<vmem>>
      %dma_wait3A_100 = tpu.memref_squeeze %dma_wait3A_99 : memref<1x100x128xf32, #tpu.memory_space<vmem>> -> memref<100x128xf32, #tpu.memory_space<vmem>>
      %dma_wait3A_101 = arith.constant 0 : i32
      %dma_wait3A_102 = tpu.memref_slice %arg6[%mul3A_83, %dma_wait3A_101] : memref<50x100xi32, #tpu.memory_space<vmem>> -> memref<1x100xi32, #tpu.memory_space<vmem>>
      %dma_wait3A_103 = tpu.memref_squeeze %dma_wait3A_102 : memref<1x100xi32, #tpu.memory_space<vmem>> -> memref<100xi32, #tpu.memory_space<vmem>>
      %dma_wait3A_104 = arith.constant 0 : i32
      %dma_wait3A_105 = arith.constant 0 : i32
      %dma_wait3A_106 = tpu.memref_slice %arg2[%dma_wait3A_104, %dma_wait3A_105] : memref<10000x128xf32, #tpu.memory_space<hbm>> -> memref<10000x128xf32, #tpu.memory_space<hbm>>
      tpu.wait_indirect_dma semaphore(%arg10 : memref<!tpu.dma_semaphore, #tpu.memory_space<semaphore_mem>>) src(%dma_wait3A_106 : memref<10000x128xf32, #tpu.memory_space<hbm>>) dst(%dma_wait3A_100 : memref<100x128xf32, #tpu.memory_space<vmem>>)
      %dma_start3A_107 = arith.constant 0 : i32
      %dma_start3A_108 = arith.constant 0 : i32
      %dma_start3A_109 = arith.constant 0 : i32
      %dma_start3A_110 = tpu.memref_slice %arg8[%dma_start3A_107, %dma_start3A_108, %dma_start3A_109] : memref<2x100x128xf32, #tpu.memory_space<vmem>> -> memref<1x100x128xf32, #tpu.memory_space<vmem>>
      %dma_start3A_111 = tpu.memref_squeeze %dma_start3A_110 : memref<1x100x128xf32, #tpu.memory_space<vmem>> -> memref<100x128xf32, #tpu.memory_space<vmem>>
      %dma_start3A_112 = arith.constant 0 : i32
      %dma_start3A_113 = tpu.memref_slice %arg7[%mul3A_83, %dma_start3A_112] : memref<50x100xi32, #tpu.memory_space<vmem>> -> memref<1x100xi32, #tpu.memory_space<vmem>>
      %dma_start3A_114 = tpu.memref_squeeze %dma_start3A_113 : memref<1x100xi32, #tpu.memory_space<vmem>> -> memref<100xi32, #tpu.memory_space<vmem>>
      %dma_start3A_115 = arith.constant 0 : i32
      %dma_start3A_116 = arith.constant 0 : i32
      %dma_start3A_117 = tpu.memref_slice %arg9[%dma_start3A_115, %dma_start3A_116] : memref<10240x128xf32, #tpu.memory_space<vmem_shared>> -> memref<10240x128xf32, #tpu.memory_space<vmem_shared>>
      tpu.enqueue_indirect_dma source(%dma_start3A_111 : memref<100x128xf32, #tpu.memory_space<vmem>>) target(%dma_start3A_117 : memref<10240x128xf32, #tpu.memory_space<vmem_shared>>) offsets(%dma_start3A_114 : memref<100xi32, #tpu.memory_space<vmem>>) semaphore(%arg12 : memref<!tpu.dma_semaphore, #tpu.memory_space<semaphore_mem>>) {add = true}
      %dma_wait3A_118 = arith.constant 0 : i32
      %dma_wait3A_119 = arith.constant 0 : i32
      %dma_wait3A_120 = arith.constant 0 : i32
      %dma_wait3A_121 = tpu.memref_slice %arg8[%dma_wait3A_118, %dma_wait3A_119, %dma_wait3A_120] : memref<2x100x128xf32, #tpu.memory_space<vmem>> -> memref<1x100x128xf32, #tpu.memory_space<vmem>>
      %dma_wait3A_122 = tpu.memref_squeeze %dma_wait3A_121 : memref<1x100x128xf32, #tpu.memory_space<vmem>> -> memref<100x128xf32, #tpu.memory_space<vmem>>
      %dma_wait3A_123 = arith.constant 0 : i32
      %dma_wait3A_124 = tpu.memref_slice %arg7[%mul3A_83, %dma_wait3A_123] : memref<50x100xi32, #tpu.memory_space<vmem>> -> memref<1x100xi32, #tpu.memory_space<vmem>>
      %dma_wait3A_125 = tpu.memref_squeeze %dma_wait3A_124 : memref<1x100xi32, #tpu.memory_space<vmem>> -> memref<100xi32, #tpu.memory_space<vmem>>
      %dma_wait3A_126 = arith.constant 0 : i32
      %dma_wait3A_127 = arith.constant 0 : i32
      %dma_wait3A_128 = tpu.memref_slice %arg9[%dma_wait3A_126, %dma_wait3A_127] : memref<10240x128xf32, #tpu.memory_space<vmem_shared>> -> memref<10240x128xf32, #tpu.memory_space<vmem_shared>>
      tpu.wait_indirect_dma semaphore(%arg12 : memref<!tpu.dma_semaphore, #tpu.memory_space<semaphore_mem>>) src(%dma_wait3A_122 : memref<100x128xf32, #tpu.memory_space<vmem>>) dst(%dma_wait3A_128 : memref<10240x128xf32, #tpu.memory_space<vmem_shared>>)
      %lt3A = arith.constant 24 : i32
      %lt3A_129 = arith.cmpi slt, %scan3A_81, %lt3A : i32
      %convert_element_type3A = arith.extui %lt3A_129 : i1 to i32
      %cond3A = arith.constant 0 : i32
      %cond3A_130 = arith.cmpi ne, %convert_element_type3A, %cond3A : i32
      scf.if %cond3A_130 {
        %add3A_166 = arith.constant 2 : i32
        %add3A_167 = arith.addi %mul3A_83, %add3A_166 : i32
        %dma_start3A_168 = arith.constant 0 : i32
        %dma_start3A_169 = arith.constant 0 : i32
        %dma_start3A_170 = arith.constant 0 : i32
        %dma_start3A_171 = tpu.memref_slice %arg8[%dma_start3A_168, %dma_start3A_169, %dma_start3A_170] : memref<2x100x128xf32, #tpu.memory_space<vmem>> -> memref<1x100x128xf32, #tpu.memory_space<vmem>>
        %dma_start3A_172 = tpu.memref_squeeze %dma_start3A_171 : memref<1x100x128xf32, #tpu.memory_space<vmem>> -> memref<100x128xf32, #tpu.memory_space<vmem>>
        %dma_start3A_173 = arith.constant 0 : i32
        %dma_start3A_174 = tpu.memref_slice %arg6[%add3A_167, %dma_start3A_173] : memref<50x100xi32, #tpu.memory_space<vmem>> -> memref<1x100xi32, #tpu.memory_space<vmem>>
        %dma_start3A_175 = tpu.memref_squeeze %dma_start3A_174 : memref<1x100xi32, #tpu.memory_space<vmem>> -> memref<100xi32, #tpu.memory_space<vmem>>
        %dma_start3A_176 = arith.constant 0 : i32
        %dma_start3A_177 = arith.constant 0 : i32
        %dma_start3A_178 = tpu.memref_slice %arg2[%dma_start3A_176, %dma_start3A_177] : memref<10000x128xf32, #tpu.memory_space<hbm>> -> memref<10000x128xf32, #tpu.memory_space<hbm>>
        tpu.enqueue_indirect_dma source(%dma_start3A_178 : memref<10000x128xf32, #tpu.memory_space<hbm>>) target(%dma_start3A_172 : memref<100x128xf32, #tpu.memory_space<vmem>>) offsets(%dma_start3A_175 : memref<100xi32, #tpu.memory_space<vmem>>) semaphore(%arg10 : memref<!tpu.dma_semaphore, #tpu.memory_space<semaphore_mem>>)
      } else {
      }
      %dma_wait3A_131 = arith.constant 1 : i32
      %dma_wait3A_132 = arith.constant 0 : i32
      %dma_wait3A_133 = arith.constant 0 : i32
      %dma_wait3A_134 = tpu.memref_slice %arg8[%dma_wait3A_131, %dma_wait3A_132, %dma_wait3A_133] : memref<2x100x128xf32, #tpu.memory_space<vmem>> -> memref<1x100x128xf32, #tpu.memory_space<vmem>>
      %dma_wait3A_135 = tpu.memref_squeeze %dma_wait3A_134 : memref<1x100x128xf32, #tpu.memory_space<vmem>> -> memref<100x128xf32, #tpu.memory_space<vmem>>
      %dma_wait3A_136 = arith.constant 0 : i32
      %dma_wait3A_137 = tpu.memref_slice %arg6[%add3A_85, %dma_wait3A_136] : memref<50x100xi32, #tpu.memory_space<vmem>> -> memref<1x100xi32, #tpu.memory_space<vmem>>
      %dma_wait3A_138 = tpu.memref_squeeze %dma_wait3A_137 : memref<1x100xi32, #tpu.memory_space<vmem>> -> memref<100xi32, #tpu.memory_space<vmem>>
      %dma_wait3A_139 = arith.constant 0 : i32
      %dma_wait3A_140 = arith.constant 0 : i32
      %dma_wait3A_141 = tpu.memref_slice %arg2[%dma_wait3A_139, %dma_wait3A_140] : memref<10000x128xf32, #tpu.memory_space<hbm>> -> memref<10000x128xf32, #tpu.memory_space<hbm>>
      tpu.wait_indirect_dma semaphore(%arg11 : memref<!tpu.dma_semaphore, #tpu.memory_space<semaphore_mem>>) src(%dma_wait3A_141 : memref<10000x128xf32, #tpu.memory_space<hbm>>) dst(%dma_wait3A_135 : memref<100x128xf32, #tpu.memory_space<vmem>>)
      %add3A_142 = arith.constant 1 : i32
      %add3A_143 = arith.addi %mul3A_83, %add3A_142 : i32
      %dma_start3A_144 = arith.constant 1 : i32
      %dma_start3A_145 = arith.constant 0 : i32
      %dma_start3A_146 = arith.constant 0 : i32
      %dma_start3A_147 = tpu.memref_slice %arg8[%dma_start3A_144, %dma_start3A_145, %dma_start3A_146] : memref<2x100x128xf32, #tpu.memory_space<vmem>> -> memref<1x100x128xf32, #tpu.memory_space<vmem>>
      %dma_start3A_148 = tpu.memref_squeeze %dma_start3A_147 : memref<1x100x128xf32, #tpu.memory_space<vmem>> -> memref<100x128xf32, #tpu.memory_space<vmem>>
      %dma_start3A_149 = arith.constant 0 : i32
      %dma_start3A_150 = tpu.memref_slice %arg7[%add3A_143, %dma_start3A_149] : memref<50x100xi32, #tpu.memory_space<vmem>> -> memref<1x100xi32, #tpu.memory_space<vmem>>
      %dma_start3A_151 = tpu.memref_squeeze %dma_start3A_150 : memref<1x100xi32, #tpu.memory_space<vmem>> -> memref<100xi32, #tpu.memory_space<vmem>>
      %dma_start3A_152 = arith.constant 0 : i32
      %dma_start3A_153 = arith.constant 0 : i32
      %dma_start3A_154 = tpu.memref_slice %arg9[%dma_start3A_152, %dma_start3A_153] : memref<10240x128xf32, #tpu.memory_space<vmem_shared>> -> memref<10240x128xf32, #tpu.memory_space<vmem_shared>>
      tpu.enqueue_indirect_dma source(%dma_start3A_148 : memref<100x128xf32, #tpu.memory_space<vmem>>) target(%dma_start3A_154 : memref<10240x128xf32, #tpu.memory_space<vmem_shared>>) offsets(%dma_start3A_151 : memref<100xi32, #tpu.memory_space<vmem>>) semaphore(%arg12 : memref<!tpu.dma_semaphore, #tpu.memory_space<semaphore_mem>>) {add = true}
      %dma_wait3A_155 = arith.constant 1 : i32
      %dma_wait3A_156 = arith.constant 0 : i32
      %dma_wait3A_157 = arith.constant 0 : i32
      %dma_wait3A_158 = tpu.memref_slice %arg8[%dma_wait3A_155, %dma_wait3A_156, %dma_wait3A_157] : memref<2x100x128xf32, #tpu.memory_space<vmem>> -> memref<1x100x128xf32, #tpu.memory_space<vmem>>
      %dma_wait3A_159 = tpu.memref_squeeze %dma_wait3A_158 : memref<1x100x128xf32, #tpu.memory_space<vmem>> -> memref<100x128xf32, #tpu.memory_space<vmem>>
      %dma_wait3A_160 = arith.constant 0 : i32
      %dma_wait3A_161 = tpu.memref_slice %arg7[%add3A_143, %dma_wait3A_160] : memref<50x100xi32, #tpu.memory_space<vmem>> -> memref<1x100xi32, #tpu.memory_space<vmem>>
      %dma_wait3A_162 = tpu.memref_squeeze %dma_wait3A_161 : memref<1x100xi32, #tpu.memory_space<vmem>> -> memref<100xi32, #tpu.memory_space<vmem>>
      %dma_wait3A_163 = arith.constant 0 : i32
      %dma_wait3A_164 = arith.constant 0 : i32
      %dma_wait3A_165 = tpu.memref_slice %arg9[%dma_wait3A_163, %dma_wait3A_164] : memref<10240x128xf32, #tpu.memory_space<vmem_shared>> -> memref<10240x128xf32, #tpu.memory_space<vmem_shared>>
      tpu.wait_indirect_dma semaphore(%arg12 : memref<!tpu.dma_semaphore, #tpu.memory_space<semaphore_mem>>) src(%dma_wait3A_159 : memref<100x128xf32, #tpu.memory_space<vmem>>) dst(%dma_wait3A_165 : memref<10240x128xf32, #tpu.memory_space<vmem_shared>>)
    }
    %scan3A_53 = arith.constant 25 : i32
    %mul3A_54 = arith.constant 2 : i32
    %mul3A_55 = arith.muli %add3A, %mul3A_54 : i32
    %add3A_56 = arith.constant 1 : i32
    %add3A_57 = arith.addi %mul3A_55, %add3A_56 : i32
    "tpu.region"() ({
      %run_scoped3A_81 = tpu.sem_alloc : memref<!tpu.dma_semaphore, #tpu.memory_space<semaphore_mem>>
      %dma_start3A_82 = arith.constant 0 : i32
      %dma_start3A_83 = arith.constant 0 : i32
      %dma_start3A_84 = tpu.memref_slice %arg3[%add3A_57, %dma_start3A_82, %dma_start3A_83] : memref<64x50x100xi32, #tpu.memory_space<hbm>> -> memref<1x50x100xi32, #tpu.memory_space<hbm>>
      %dma_start3A_85 = tpu.memref_squeeze %dma_start3A_84 : memref<1x50x100xi32, #tpu.memory_space<hbm>> -> memref<50x100xi32, #tpu.memory_space<hbm>>
      %dma_start3A_86 = arith.constant 0 : i32
      %dma_start3A_87 = arith.constant 0 : i32
      %dma_start3A_88 = tpu.memref_slice %arg3[%add3A_57, %dma_start3A_86, %dma_start3A_87] : memref<64x50x100xi32, #tpu.memory_space<hbm>> -> memref<1x50x100xi32, #tpu.memory_space<hbm>>
      %dma_start3A_89 = tpu.memref_squeeze %dma_start3A_88 : memref<1x50x100xi32, #tpu.memory_space<hbm>> -> memref<50x100xi32, #tpu.memory_space<hbm>>
      tpu.enqueue_dma source(%dma_start3A_89 : memref<50x100xi32, #tpu.memory_space<hbm>>) target(%arg6 : memref<50x100xi32, #tpu.memory_space<vmem>>) target_semaphore(%run_scoped3A_81 : memref<!tpu.dma_semaphore, #tpu.memory_space<semaphore_mem>>)
      %dma_wait3A = arith.constant 0 : i32
      %dma_wait3A_90 = arith.constant 0 : i32
      %dma_wait3A_91 = tpu.memref_slice %arg3[%add3A_57, %dma_wait3A, %dma_wait3A_90] : memref<64x50x100xi32, #tpu.memory_space<hbm>> -> memref<1x50x100xi32, #tpu.memory_space<hbm>>
      %dma_wait3A_92 = tpu.memref_squeeze %dma_wait3A_91 : memref<1x50x100xi32, #tpu.memory_space<hbm>> -> memref<50x100xi32, #tpu.memory_space<hbm>>
      %dma_wait3A_93 = arith.constant 0 : i32
      %dma_wait3A_94 = arith.constant 0 : i32
      %dma_wait3A_95 = tpu.memref_slice %arg3[%add3A_57, %dma_wait3A_93, %dma_wait3A_94] : memref<64x50x100xi32, #tpu.memory_space<hbm>> -> memref<1x50x100xi32, #tpu.memory_space<hbm>>
      %dma_wait3A_96 = tpu.memref_squeeze %dma_wait3A_95 : memref<1x50x100xi32, #tpu.memory_space<hbm>> -> memref<50x100xi32, #tpu.memory_space<hbm>>
      tpu.wait_dma2 semaphore(%run_scoped3A_81 : memref<!tpu.dma_semaphore, #tpu.memory_space<semaphore_mem>>) src(%dma_wait3A_96 : memref<50x100xi32, #tpu.memory_space<hbm>>) dst(%arg6 : memref<50x100xi32, #tpu.memory_space<vmem>>)
      tpu.yield
    }) : () -> ()
    %mul3A_58 = arith.constant 2 : i32
    %mul3A_59 = arith.muli %add3A, %mul3A_58 : i32
    %add3A_60 = arith.constant 1 : i32
    %add3A_61 = arith.addi %mul3A_59, %add3A_60 : i32
    "tpu.region"() ({
      %run_scoped3A_81 = tpu.sem_alloc : memref<!tpu.dma_semaphore, #tpu.memory_space<semaphore_mem>>
      %dma_start3A_82 = arith.constant 0 : i32
      %dma_start3A_83 = arith.constant 0 : i32
      %dma_start3A_84 = tpu.memref_slice %arg4[%add3A_61, %dma_start3A_82, %dma_start3A_83] : memref<64x50x100xi32, #tpu.memory_space<hbm>> -> memref<1x50x100xi32, #tpu.memory_space<hbm>>
      %dma_start3A_85 = tpu.memref_squeeze %dma_start3A_84 : memref<1x50x100xi32, #tpu.memory_space<hbm>> -> memref<50x100xi32, #tpu.memory_space<hbm>>
      %dma_start3A_86 = arith.constant 0 : i32
      %dma_start3A_87 = arith.constant 0 : i32
      %dma_start3A_88 = tpu.memref_slice %arg4[%add3A_61, %dma_start3A_86, %dma_start3A_87] : memref<64x50x100xi32, #tpu.memory_space<hbm>> -> memref<1x50x100xi32, #tpu.memory_space<hbm>>
      %dma_start3A_89 = tpu.memref_squeeze %dma_start3A_88 : memref<1x50x100xi32, #tpu.memory_space<hbm>> -> memref<50x100xi32, #tpu.memory_space<hbm>>
      tpu.enqueue_dma source(%dma_start3A_89 : memref<50x100xi32, #tpu.memory_space<hbm>>) target(%arg7 : memref<50x100xi32, #tpu.memory_space<vmem>>) target_semaphore(%run_scoped3A_81 : memref<!tpu.dma_semaphore, #tpu.memory_space<semaphore_mem>>)
      %dma_wait3A = arith.constant 0 : i32
      %dma_wait3A_90 = arith.constant 0 : i32
      %dma_wait3A_91 = tpu.memref_slice %arg4[%add3A_61, %dma_wait3A, %dma_wait3A_90] : memref<64x50x100xi32, #tpu.memory_space<hbm>> -> memref<1x50x100xi32, #tpu.memory_space<hbm>>
      %dma_wait3A_92 = tpu.memref_squeeze %dma_wait3A_91 : memref<1x50x100xi32, #tpu.memory_space<hbm>> -> memref<50x100xi32, #tpu.memory_space<hbm>>
      %dma_wait3A_93 = arith.constant 0 : i32
      %dma_wait3A_94 = arith.constant 0 : i32
      %dma_wait3A_95 = tpu.memref_slice %arg4[%add3A_61, %dma_wait3A_93, %dma_wait3A_94] : memref<64x50x100xi32, #tpu.memory_space<hbm>> -> memref<1x50x100xi32, #tpu.memory_space<hbm>>
      %dma_wait3A_96 = tpu.memref_squeeze %dma_wait3A_95 : memref<1x50x100xi32, #tpu.memory_space<hbm>> -> memref<50x100xi32, #tpu.memory_space<hbm>>
      tpu.wait_dma2 semaphore(%run_scoped3A_81 : memref<!tpu.dma_semaphore, #tpu.memory_space<semaphore_mem>>) src(%dma_wait3A_96 : memref<50x100xi32, #tpu.memory_space<hbm>>) dst(%arg7 : memref<50x100xi32, #tpu.memory_space<vmem>>)
      tpu.yield
    }) : () -> ()
    %dma_start3A_62 = arith.constant 0 : i32
    %dma_start3A_63 = arith.constant 0 : i32
    %dma_start3A_64 = arith.constant 0 : i32
    %dma_start3A_65 = arith.constant 0 : i32
    %dma_start3A_66 = tpu.memref_slice %arg8[%dma_start3A_63, %dma_start3A_64, %dma_start3A_65] : memref<2x100x128xf32, #tpu.memory_space<vmem>> -> memref<1x100x128xf32, #tpu.memory_space<vmem>>
    %dma_start3A_67 = tpu.memref_squeeze %dma_start3A_66 : memref<1x100x128xf32, #tpu.memory_space<vmem>> -> memref<100x128xf32, #tpu.memory_space<vmem>>
    %dma_start3A_68 = arith.constant 0 : i32
    %dma_start3A_69 = tpu.memref_slice %arg6[%dma_start3A_62, %dma_start3A_68] : memref<50x100xi32, #tpu.memory_space<vmem>> -> memref<1x100xi32, #tpu.memory_space<vmem>>
    %dma_start3A_70 = tpu.memref_squeeze %dma_start3A_69 : memref<1x100xi32, #tpu.memory_space<vmem>> -> memref<100xi32, #tpu.memory_space<vmem>>
    %dma_start3A_71 = arith.constant 0 : i32
    %dma_start3A_72 = arith.constant 0 : i32
    %dma_start3A_73 = tpu.memref_slice %arg2[%dma_start3A_71, %dma_start3A_72] : memref<10000x128xf32, #tpu.memory_space<hbm>> -> memref<10000x128xf32, #tpu.memory_space<hbm>>
    tpu.enqueue_indirect_dma source(%dma_start3A_73 : memref<10000x128xf32, #tpu.memory_space<hbm>>) target(%dma_start3A_67 : memref<100x128xf32, #tpu.memory_space<vmem>>) offsets(%dma_start3A_70 : memref<100xi32, #tpu.memory_space<vmem>>) semaphore(%arg10 : memref<!tpu.dma_semaphore, #tpu.memory_space<semaphore_mem>>)
    %scan3A_74 = arith.constant 0 : i32
    %scan3A_75 = arith.constant 0 : i32
    %scan3A_76 = arith.constant 25 : i32
    %scan3A_77 = arith.addi %scan3A_75, %scan3A_76 : i32
    %scan3A_78 = arith.constant 1 : i32
    scf.for %scan3A_81 = %scan3A_75 to %scan3A_77 step %scan3A_78  : i32 {
      %mul3A_82 = arith.constant 2 : i32
      %mul3A_83 = arith.muli %scan3A_81, %mul3A_82 : i32
      %add3A_84 = arith.constant 1 : i32
      %add3A_85 = arith.addi %mul3A_83, %add3A_84 : i32
      %dma_start3A_86 = arith.constant 1 : i32
      %dma_start3A_87 = arith.constant 0 : i32
      %dma_start3A_88 = arith.constant 0 : i32
      %dma_start3A_89 = tpu.memref_slice %arg8[%dma_start3A_86, %dma_start3A_87, %dma_start3A_88] : memref<2x100x128xf32, #tpu.memory_space<vmem>> -> memref<1x100x128xf32, #tpu.memory_space<vmem>>
      %dma_start3A_90 = tpu.memref_squeeze %dma_start3A_89 : memref<1x100x128xf32, #tpu.memory_space<vmem>> -> memref<100x128xf32, #tpu.memory_space<vmem>>
      %dma_start3A_91 = arith.constant 0 : i32
      %dma_start3A_92 = tpu.memref_slice %arg6[%add3A_85, %dma_start3A_91] : memref<50x100xi32, #tpu.memory_space<vmem>> -> memref<1x100xi32, #tpu.memory_space<vmem>>
      %dma_start3A_93 = tpu.memref_squeeze %dma_start3A_92 : memref<1x100xi32, #tpu.memory_space<vmem>> -> memref<100xi32, #tpu.memory_space<vmem>>
      %dma_start3A_94 = arith.constant 0 : i32
      %dma_start3A_95 = arith.constant 0 : i32
      %dma_start3A_96 = tpu.memref_slice %arg2[%dma_start3A_94, %dma_start3A_95] : memref<10000x128xf32, #tpu.memory_space<hbm>> -> memref<10000x128xf32, #tpu.memory_space<hbm>>
      tpu.enqueue_indirect_dma source(%dma_start3A_96 : memref<10000x128xf32, #tpu.memory_space<hbm>>) target(%dma_start3A_90 : memref<100x128xf32, #tpu.memory_space<vmem>>) offsets(%dma_start3A_93 : memref<100xi32, #tpu.memory_space<vmem>>) semaphore(%arg11 : memref<!tpu.dma_semaphore, #tpu.memory_space<semaphore_mem>>)
      %dma_wait3A = arith.constant 0 : i32
      %dma_wait3A_97 = arith.constant 0 : i32
      %dma_wait3A_98 = arith.constant 0 : i32
      %dma_wait3A_99 = tpu.memref_slice %arg8[%dma_wait3A, %dma_wait3A_97, %dma_wait3A_98] : memref<2x100x128xf32, #tpu.memory_space<vmem>> -> memref<1x100x128xf32, #tpu.memory_space<vmem>>
      %dma_wait3A_100 = tpu.memref_squeeze %dma_wait3A_99 : memref<1x100x128xf32, #tpu.memory_space<vmem>> -> memref<100x128xf32, #tpu.memory_space<vmem>>
      %dma_wait3A_101 = arith.constant 0 : i32
      %dma_wait3A_102 = tpu.memref_slice %arg6[%mul3A_83, %dma_wait3A_101] : memref<50x100xi32, #tpu.memory_space<vmem>> -> memref<1x100xi32, #tpu.memory_space<vmem>>
      %dma_wait3A_103 = tpu.memref_squeeze %dma_wait3A_102 : memref<1x100xi32, #tpu.memory_space<vmem>> -> memref<100xi32, #tpu.memory_space<vmem>>
      %dma_wait3A_104 = arith.constant 0 : i32
      %dma_wait3A_105 = arith.constant 0 : i32
      %dma_wait3A_106 = tpu.memref_slice %arg2[%dma_wait3A_104, %dma_wait3A_105] : memref<10000x128xf32, #tpu.memory_space<hbm>> -> memref<10000x128xf32, #tpu.memory_space<hbm>>
      tpu.wait_indirect_dma semaphore(%arg10 : memref<!tpu.dma_semaphore, #tpu.memory_space<semaphore_mem>>) src(%dma_wait3A_106 : memref<10000x128xf32, #tpu.memory_space<hbm>>) dst(%dma_wait3A_100 : memref<100x128xf32, #tpu.memory_space<vmem>>)
      %dma_start3A_107 = arith.constant 0 : i32
      %dma_start3A_108 = arith.constant 0 : i32
      %dma_start3A_109 = arith.constant 0 : i32
      %dma_start3A_110 = tpu.memref_slice %arg8[%dma_start3A_107, %dma_start3A_108, %dma_start3A_109] : memref<2x100x128xf32, #tpu.memory_space<vmem>> -> memref<1x100x128xf32, #tpu.memory_space<vmem>>
      %dma_start3A_111 = tpu.memref_squeeze %dma_start3A_110 : memref<1x100x128xf32, #tpu.memory_space<vmem>> -> memref<100x128xf32, #tpu.memory_space<vmem>>
      %dma_start3A_112 = arith.constant 0 : i32
      %dma_start3A_113 = tpu.memref_slice %arg7[%mul3A_83, %dma_start3A_112] : memref<50x100xi32, #tpu.memory_space<vmem>> -> memref<1x100xi32, #tpu.memory_space<vmem>>
      %dma_start3A_114 = tpu.memref_squeeze %dma_start3A_113 : memref<1x100xi32, #tpu.memory_space<vmem>> -> memref<100xi32, #tpu.memory_space<vmem>>
      %dma_start3A_115 = arith.constant 0 : i32
      %dma_start3A_116 = arith.constant 0 : i32
      %dma_start3A_117 = tpu.memref_slice %arg9[%dma_start3A_115, %dma_start3A_116] : memref<10240x128xf32, #tpu.memory_space<vmem_shared>> -> memref<10240x128xf32, #tpu.memory_space<vmem_shared>>
      tpu.enqueue_indirect_dma source(%dma_start3A_111 : memref<100x128xf32, #tpu.memory_space<vmem>>) target(%dma_start3A_117 : memref<10240x128xf32, #tpu.memory_space<vmem_shared>>) offsets(%dma_start3A_114 : memref<100xi32, #tpu.memory_space<vmem>>) semaphore(%arg12 : memref<!tpu.dma_semaphore, #tpu.memory_space<semaphore_mem>>) {add = true}
      %dma_wait3A_118 = arith.constant 0 : i32
      %dma_wait3A_119 = arith.constant 0 : i32
      %dma_wait3A_120 = arith.constant 0 : i32
      %dma_wait3A_121 = tpu.memref_slice %arg8[%dma_wait3A_118, %dma_wait3A_119, %dma_wait3A_120] : memref<2x100x128xf32, #tpu.memory_space<vmem>> -> memref<1x100x128xf32, #tpu.memory_space<vmem>>
      %dma_wait3A_122 = tpu.memref_squeeze %dma_wait3A_121 : memref<1x100x128xf32, #tpu.memory_space<vmem>> -> memref<100x128xf32, #tpu.memory_space<vmem>>
      %dma_wait3A_123 = arith.constant 0 : i32
      %dma_wait3A_124 = tpu.memref_slice %arg7[%mul3A_83, %dma_wait3A_123] : memref<50x100xi32, #tpu.memory_space<vmem>> -> memref<1x100xi32, #tpu.memory_space<vmem>>
      %dma_wait3A_125 = tpu.memref_squeeze %dma_wait3A_124 : memref<1x100xi32, #tpu.memory_space<vmem>> -> memref<100xi32, #tpu.memory_space<vmem>>
      %dma_wait3A_126 = arith.constant 0 : i32
      %dma_wait3A_127 = arith.constant 0 : i32
      %dma_wait3A_128 = tpu.memref_slice %arg9[%dma_wait3A_126, %dma_wait3A_127] : memref<10240x128xf32, #tpu.memory_space<vmem_shared>> -> memref<10240x128xf32, #tpu.memory_space<vmem_shared>>
      tpu.wait_indirect_dma semaphore(%arg12 : memref<!tpu.dma_semaphore, #tpu.memory_space<semaphore_mem>>) src(%dma_wait3A_122 : memref<100x128xf32, #tpu.memory_space<vmem>>) dst(%dma_wait3A_128 : memref<10240x128xf32, #tpu.memory_space<vmem_shared>>)
      %lt3A = arith.constant 24 : i32
      %lt3A_129 = arith.cmpi slt, %scan3A_81, %lt3A : i32
      %convert_element_type3A = arith.extui %lt3A_129 : i1 to i32
      %cond3A = arith.constant 0 : i32
      %cond3A_130 = arith.cmpi ne, %convert_element_type3A, %cond3A : i32
      scf.if %cond3A_130 {
        %add3A_166 = arith.constant 2 : i32
        %add3A_167 = arith.addi %mul3A_83, %add3A_166 : i32
        %dma_start3A_168 = arith.constant 0 : i32
        %dma_start3A_169 = arith.constant 0 : i32
        %dma_start3A_170 = arith.constant 0 : i32
        %dma_start3A_171 = tpu.memref_slice %arg8[%dma_start3A_168, %dma_start3A_169, %dma_start3A_170] : memref<2x100x128xf32, #tpu.memory_space<vmem>> -> memref<1x100x128xf32, #tpu.memory_space<vmem>>
        %dma_start3A_172 = tpu.memref_squeeze %dma_start3A_171 : memref<1x100x128xf32, #tpu.memory_space<vmem>> -> memref<100x128xf32, #tpu.memory_space<vmem>>
        %dma_start3A_173 = arith.constant 0 : i32
        %dma_start3A_174 = tpu.memref_slice %arg6[%add3A_167, %dma_start3A_173] : memref<50x100xi32, #tpu.memory_space<vmem>> -> memref<1x100xi32, #tpu.memory_space<vmem>>
        %dma_start3A_175 = tpu.memref_squeeze %dma_start3A_174 : memref<1x100xi32, #tpu.memory_space<vmem>> -> memref<100xi32, #tpu.memory_space<vmem>>
        %dma_start3A_176 = arith.constant 0 : i32
        %dma_start3A_177 = arith.constant 0 : i32
        %dma_start3A_178 = tpu.memref_slice %arg2[%dma_start3A_176, %dma_start3A_177] : memref<10000x128xf32, #tpu.memory_space<hbm>> -> memref<10000x128xf32, #tpu.memory_space<hbm>>
        tpu.enqueue_indirect_dma source(%dma_start3A_178 : memref<10000x128xf32, #tpu.memory_space<hbm>>) target(%dma_start3A_172 : memref<100x128xf32, #tpu.memory_space<vmem>>) offsets(%dma_start3A_175 : memref<100xi32, #tpu.memory_space<vmem>>) semaphore(%arg10 : memref<!tpu.dma_semaphore, #tpu.memory_space<semaphore_mem>>)
      } else {
      }
      %dma_wait3A_131 = arith.constant 1 : i32
      %dma_wait3A_132 = arith.constant 0 : i32
      %dma_wait3A_133 = arith.constant 0 : i32
      %dma_wait3A_134 = tpu.memref_slice %arg8[%dma_wait3A_131, %dma_wait3A_132, %dma_wait3A_133] : memref<2x100x128xf32, #tpu.memory_space<vmem>> -> memref<1x100x128xf32, #tpu.memory_space<vmem>>
      %dma_wait3A_135 = tpu.memref_squeeze %dma_wait3A_134 : memref<1x100x128xf32, #tpu.memory_space<vmem>> -> memref<100x128xf32, #tpu.memory_space<vmem>>
      %dma_wait3A_136 = arith.constant 0 : i32
      %dma_wait3A_137 = tpu.memref_slice %arg6[%add3A_85, %dma_wait3A_136] : memref<50x100xi32, #tpu.memory_space<vmem>> -> memref<1x100xi32, #tpu.memory_space<vmem>>
      %dma_wait3A_138 = tpu.memref_squeeze %dma_wait3A_137 : memref<1x100xi32, #tpu.memory_space<vmem>> -> memref<100xi32, #tpu.memory_space<vmem>>
      %dma_wait3A_139 = arith.constant 0 : i32
      %dma_wait3A_140 = arith.constant 0 : i32
      %dma_wait3A_141 = tpu.memref_slice %arg2[%dma_wait3A_139, %dma_wait3A_140] : memref<10000x128xf32, #tpu.memory_space<hbm>> -> memref<10000x128xf32, #tpu.memory_space<hbm>>
      tpu.wait_indirect_dma semaphore(%arg11 : memref<!tpu.dma_semaphore, #tpu.memory_space<semaphore_mem>>) src(%dma_wait3A_141 : memref<10000x128xf32, #tpu.memory_space<hbm>>) dst(%dma_wait3A_135 : memref<100x128xf32, #tpu.memory_space<vmem>>)
      %add3A_142 = arith.constant 1 : i32
      %add3A_143 = arith.addi %mul3A_83, %add3A_142 : i32
      %dma_start3A_144 = arith.constant 1 : i32
      %dma_start3A_145 = arith.constant 0 : i32
      %dma_start3A_146 = arith.constant 0 : i32
      %dma_start3A_147 = tpu.memref_slice %arg8[%dma_start3A_144, %dma_start3A_145, %dma_start3A_146] : memref<2x100x128xf32, #tpu.memory_space<vmem>> -> memref<1x100x128xf32, #tpu.memory_space<vmem>>
      %dma_start3A_148 = tpu.memref_squeeze %dma_start3A_147 : memref<1x100x128xf32, #tpu.memory_space<vmem>> -> memref<100x128xf32, #tpu.memory_space<vmem>>
      %dma_start3A_149 = arith.constant 0 : i32
      %dma_start3A_150 = tpu.memref_slice %arg7[%add3A_143, %dma_start3A_149] : memref<50x100xi32, #tpu.memory_space<vmem>> -> memref<1x100xi32, #tpu.memory_space<vmem>>
      %dma_start3A_151 = tpu.memref_squeeze %dma_start3A_150 : memref<1x100xi32, #tpu.memory_space<vmem>> -> memref<100xi32, #tpu.memory_space<vmem>>
      %dma_start3A_152 = arith.constant 0 : i32
      %dma_start3A_153 = arith.constant 0 : i32
      %dma_start3A_154 = tpu.memref_slice %arg9[%dma_start3A_152, %dma_start3A_153] : memref<10240x128xf32, #tpu.memory_space<vmem_shared>> -> memref<10240x128xf32, #tpu.memory_space<vmem_shared>>
      tpu.enqueue_indirect_dma source(%dma_start3A_148 : memref<100x128xf32, #tpu.memory_space<vmem>>) target(%dma_start3A_154 : memref<10240x128xf32, #tpu.memory_space<vmem_shared>>) offsets(%dma_start3A_151 : memref<100xi32, #tpu.memory_space<vmem>>) semaphore(%arg12 : memref<!tpu.dma_semaphore, #tpu.memory_space<semaphore_mem>>) {add = true}
      %dma_wait3A_155 = arith.constant 1 : i32
      %dma_wait3A_156 = arith.constant 0 : i32
      %dma_wait3A_157 = arith.constant 0 : i32
      %dma_wait3A_158 = tpu.memref_slice %arg8[%dma_wait3A_155, %dma_wait3A_156, %dma_wait3A_157] : memref<2x100x128xf32, #tpu.memory_space<vmem>> -> memref<1x100x128xf32, #tpu.memory_space<vmem>>
      %dma_wait3A_159 = tpu.memref_squeeze %dma_wait3A_158 : memref<1x100x128xf32, #tpu.memory_space<vmem>> -> memref<100x128xf32, #tpu.memory_space<vmem>>
      %dma_wait3A_160 = arith.constant 0 : i32
      %dma_wait3A_161 = tpu.memref_slice %arg7[%add3A_143, %dma_wait3A_160] : memref<50x100xi32, #tpu.memory_space<vmem>> -> memref<1x100xi32, #tpu.memory_space<vmem>>
      %dma_wait3A_162 = tpu.memref_squeeze %dma_wait3A_161 : memref<1x100xi32, #tpu.memory_space<vmem>> -> memref<100xi32, #tpu.memory_space<vmem>>
      %dma_wait3A_163 = arith.constant 0 : i32
      %dma_wait3A_164 = arith.constant 0 : i32
      %dma_wait3A_165 = tpu.memref_slice %arg9[%dma_wait3A_163, %dma_wait3A_164] : memref<10240x128xf32, #tpu.memory_space<vmem_shared>> -> memref<10240x128xf32, #tpu.memory_space<vmem_shared>>
      tpu.wait_indirect_dma semaphore(%arg12 : memref<!tpu.dma_semaphore, #tpu.memory_space<semaphore_mem>>) src(%dma_wait3A_159 : memref<100x128xf32, #tpu.memory_space<vmem>>) dst(%dma_wait3A_165 : memref<10240x128xf32, #tpu.memory_space<vmem_shared>>)
    }
    %scan3A_79 = arith.constant 25 : i32
    %barrier3A_80 = arith.constant 0 : index
    tpu.barrier barrier_id(%barrier3A_80)
    "tpu.region"() ({
      %run_scoped3A_81 = tpu.sem_alloc : memref<!tpu.dma_semaphore, #tpu.memory_space<semaphore_mem>>
      %dma_start3A_82 = arith.constant 0 : i32
      %dma_start3A_83 = tpu.memref_slice %arg5[%arg0, %mul3A_8, %dma_start3A_82] : memref<2x10240x128xf32, #tpu.memory_space<hbm>> -> memref<1x640x128xf32, #tpu.memory_space<hbm>>
      %dma_start3A_84 = tpu.memref_squeeze %dma_start3A_83 : memref<1x640x128xf32, #tpu.memory_space<hbm>> -> memref<640x128xf32, #tpu.memory_space<hbm>>
      %dma_start3A_85 = arith.constant 0 : i32
      %dma_start3A_86 = tpu.memref_slice %arg9[%mul3A_8, %dma_start3A_85] : memref<10240x128xf32, #tpu.memory_space<vmem_shared>> -> memref<640x128xf32, #tpu.memory_space<vmem_shared>>
      tpu.enqueue_dma source(%dma_start3A_86 : memref<640x128xf32, #tpu.memory_space<vmem_shared>>) target(%dma_start3A_84 : memref<640x128xf32, #tpu.memory_space<hbm>>) target_semaphore(%run_scoped3A_81 : memref<!tpu.dma_semaphore, #tpu.memory_space<semaphore_mem>>)
      %dma_wait3A = arith.constant 0 : i32
      %dma_wait3A_87 = tpu.memref_slice %arg5[%arg0, %mul3A_8, %dma_wait3A] : memref<2x10240x128xf32, #tpu.memory_space<hbm>> -> memref<1x640x128xf32, #tpu.memory_space<hbm>>
      %dma_wait3A_88 = tpu.memref_squeeze %dma_wait3A_87 : memref<1x640x128xf32, #tpu.memory_space<hbm>> -> memref<640x128xf32, #tpu.memory_space<hbm>>
      %dma_wait3A_89 = arith.constant 0 : i32
      %dma_wait3A_90 = tpu.memref_slice %arg9[%mul3A_8, %dma_wait3A_89] : memref<10240x128xf32, #tpu.memory_space<vmem_shared>> -> memref<640x128xf32, #tpu.memory_space<vmem_shared>>
      tpu.wait_dma2 semaphore(%run_scoped3A_81 : memref<!tpu.dma_semaphore, #tpu.memory_space<semaphore_mem>>) src(%dma_wait3A_90 : memref<640x128xf32, #tpu.memory_space<vmem_shared>>) dst(%dma_wait3A_88 : memref<640x128xf32, #tpu.memory_space<hbm>>)
      tpu.yield
    }) : () -> ()
    return
  }
}

module attributes {stable_mosaic.version = 14 : i64} {
  func.func @_scale_body(%arg0: i32, %arg1: memref<5000x128xf32, #tpu.memory_space<vmem>>, %arg2: memref<128x128xf32, #tpu.memory_space<vmem>>, %arg3: memref<1x128xf32, #tpu.memory_space<vmem>>, %arg4: memref<128x128xf32, #tpu.memory_space<vmem>>, %arg5: memref<5000x128xf32, #tpu.memory_space<vmem>>, %arg6: memref<5000x128xf32, #tpu.memory_space<vmem>>, %arg7: memref<5000x128xf32, #tpu.memory_space<vmem>>, %arg8: memref<5000x128xf32, #tpu.memory_space<vmem>>) attributes {dimension_semantics = [#tpu.dimension_semantics<arbitrary>], iteration_bounds = array<i64: 2>, scalar_prefetch = 0 : i64, scratch_operands = 0 : i64, tpu.core_type = #tpu.core_type<tc>, window_params = [{transform_indices = @transform_0, window_bounds = array<i64: 5000, 128>}, {pipeline_mode = #tpu.pipeline_mode<synchronous>, transform_indices = @transform_1, window_bounds = array<i64: 128, 128>}, {pipeline_mode = #tpu.pipeline_mode<synchronous>, transform_indices = @transform_2, window_bounds = array<i64: 1, 128>}, {pipeline_mode = #tpu.pipeline_mode<synchronous>, transform_indices = @transform_3, window_bounds = array<i64: 128, 128>}, {transform_indices = @transform_4, window_bounds = array<i64: 5000, 128>}, {transform_indices = @transform_5, window_bounds = array<i64: 5000, 128>}, {transform_indices = @transform_6, window_bounds = array<i64: 5000, 128>}, {transform_indices = @transform_7, window_bounds = array<i64: 5000, 128>}]} {
    %get3A = arith.constant 0 : index
    %get3A_0 = arith.constant 0 : index
    %get3A_1 = vector.load %arg1[%get3A, %get3A_0] : memref<5000x128xf32, #tpu.memory_space<vmem>>, vector<5000x128xf32>
    %get3A_2 = arith.constant 0 : index
    %get3A_3 = arith.constant 0 : index
    %get3A_4 = vector.load %arg2[%get3A_2, %get3A_3] : memref<128x128xf32, #tpu.memory_space<vmem>>, vector<128x128xf32>
    %dot_general3A = arith.constant dense<0.000000e+00> : vector<5000x128xf32>
    %dot_general3A_5 = tpu.matmul %get3A_1, %get3A_4, %dot_general3A {dimension_numbers = #tpu.dot_dimension_numbers<[1], [0], [0], [1], [0, 0, 1, 1], [], []>, transpose_lhs_hint = false} : vector<5000x128xf32>, vector<128x128xf32>, vector<5000x128xf32> -> vector<5000x128xf32>
    %get3A_6 = arith.constant 0 : index
    %get3A_7 = arith.constant 0 : index
    %get3A_8 = vector.load %arg3[%get3A_6, %get3A_7] : memref<1x128xf32, #tpu.memory_space<vmem>>, vector<1x128xf32>
    %add3A = vector.broadcast %get3A_8 : vector<1x128xf32> to vector<5000x128xf32>
    %add3A_9 = arith.addf %dot_general3A_5, %add3A : vector<5000x128xf32>
    %max3A = arith.constant 0.000000e+00 : f32
    %max3A_10 = vector.broadcast %max3A : f32 to vector<5000x128xf32>
    %max3A_11 = arith.maximumf %add3A_9, %max3A_10 : vector<5000x128xf32>
    %get3A_12 = arith.constant 0 : index
    %get3A_13 = arith.constant 0 : index
    %get3A_14 = vector.load %arg4[%get3A_12, %get3A_13] : memref<128x128xf32, #tpu.memory_space<vmem>>, vector<128x128xf32>
    %dot_general3A_15 = arith.constant dense<0.000000e+00> : vector<5000x128xf32>
    %dot_general3A_16 = tpu.matmul %max3A_11, %get3A_14, %dot_general3A_15 {dimension_numbers = #tpu.dot_dimension_numbers<[1], [0], [0], [1], [0, 0, 1, 1], [], []>, transpose_lhs_hint = false} : vector<5000x128xf32>, vector<128x128xf32>, vector<5000x128xf32> -> vector<5000x128xf32>
    %get3A_17 = arith.constant 0 : index
    %get3A_18 = arith.constant 0 : index
    %get3A_19 = vector.load %arg5[%get3A_17, %get3A_18] : memref<5000x128xf32, #tpu.memory_space<vmem>>, vector<5000x128xf32>
    %get3A_20 = arith.constant 0 : index
    %get3A_21 = arith.constant 0 : index
    %get3A_22 = vector.load %arg6[%get3A_20, %get3A_21] : memref<5000x128xf32, #tpu.memory_space<vmem>>, vector<5000x128xf32>
    %add3A_23 = arith.addf %get3A_19, %get3A_22 : vector<5000x128xf32>
    %add3A_24 = arith.constant 1.000000e+00 : f32
    %add3A_25 = vector.broadcast %add3A_24 : f32 to vector<5000x128xf32>
    %add3A_26 = arith.addf %add3A_23, %add3A_25 : vector<5000x128xf32>
    %sqrt3A = math.sqrt %add3A_26 : vector<5000x128xf32>
    %div3A = arith.constant 1.000000e+00 : f32
    %div3A_27 = vector.broadcast %div3A : f32 to vector<5000x128xf32>
    %div3A_28 = arith.divf %div3A_27, %sqrt3A : vector<5000x128xf32>
    %swap3A = arith.constant 0 : index
    %swap3A_29 = arith.constant 0 : index
    %swap3A_30 = vector.load %arg7[%swap3A, %swap3A_29] : memref<5000x128xf32, #tpu.memory_space<vmem>>, vector<5000x128xf32>
    tpu.vector_store %arg7[%swap3A, %swap3A_29], %div3A_28 {strides = array<i32>} : memref<5000x128xf32, #tpu.memory_space<vmem>>, vector<5000x128xf32>,
    %mul3A = arith.mulf %div3A_28, %dot_general3A_16 : vector<5000x128xf32>
    %swap3A_31 = arith.constant 0 : index
    %swap3A_32 = arith.constant 0 : index
    %swap3A_33 = vector.load %arg8[%swap3A_31, %swap3A_32] : memref<5000x128xf32, #tpu.memory_space<vmem>>, vector<5000x128xf32>
    tpu.vector_store %arg8[%swap3A_31, %swap3A_32], %mul3A {strides = array<i32>} : memref<5000x128xf32, #tpu.memory_space<vmem>>, vector<5000x128xf32>,
    return
  }
  func.func @transform_0(%arg0: i32) -> (i32, i32) {
    %c0_i32 = arith.constant 0 : i32
    %c0_i32_0 = arith.constant 0 : i32
    return %arg0, %c0_i32 : i32, i32
  }
  func.func @transform_1(%arg0: i32) -> (i32, i32) {
    %c0_i32 = arith.constant 0 : i32
    %c0_i32_0 = arith.constant 0 : i32
    %c0_i32_1 = arith.constant 0 : i32
    return %c0_i32, %c0_i32_0 : i32, i32
  }
  func.func @transform_2(%arg0: i32) -> (i32, i32) {
    %c0_i32 = arith.constant 0 : i32
    %c0_i32_0 = arith.constant 0 : i32
    %c0_i32_1 = arith.constant 0 : i32
    return %c0_i32, %c0_i32_0 : i32, i32
  }
  func.func @transform_3(%arg0: i32) -> (i32, i32) {
    %c0_i32 = arith.constant 0 : i32
    %c0_i32_0 = arith.constant 0 : i32
    %c0_i32_1 = arith.constant 0 : i32
    return %c0_i32, %c0_i32_0 : i32, i32
  }
  func.func @transform_4(%arg0: i32) -> (i32, i32) {
    %c0_i32 = arith.constant 0 : i32
    %c0_i32_0 = arith.constant 0 : i32
    return %arg0, %c0_i32 : i32, i32
  }
  func.func @transform_5(%arg0: i32) -> (i32, i32) {
    %c0_i32 = arith.constant 0 : i32
    %c0_i32_0 = arith.constant 0 : i32
    return %arg0, %c0_i32 : i32, i32
  }
  func.func @transform_6(%arg0: i32) -> (i32, i32) {
    %c0_i32 = arith.constant 0 : i32
    %c0_i32_0 = arith.constant 0 : i32
    return %arg0, %c0_i32 : i32, i32
  }
  func.func @transform_7(%arg0: i32) -> (i32, i32) {
    %c0_i32 = arith.constant 0 : i32
    %c0_i32_0 = arith.constant 0 : i32
    return %arg0, %c0_i32 : i32, i32
  }
}

module attributes {stable_mosaic.version = 14 : i64} {
  func.func @_mid_body(%arg0: i32, %arg1: memref<5000x128xf32, #tpu.memory_space<vmem>>, %arg2: memref<5000x128xf32, #tpu.memory_space<vmem>>, %arg3: memref<5000x128xf32, #tpu.memory_space<vmem>>, %arg4: memref<5000x128xf32, #tpu.memory_space<vmem>>, %arg5: memref<1x128xf32, #tpu.memory_space<vmem>>, %arg6: memref<128x128xf32, #tpu.memory_space<vmem>>, %arg7: memref<1x128xf32, #tpu.memory_space<vmem>>, %arg8: memref<128x128xf32, #tpu.memory_space<vmem>>, %arg9: memref<5000x128xf32, #tpu.memory_space<vmem>>) attributes {dimension_semantics = [#tpu.dimension_semantics<arbitrary>], iteration_bounds = array<i64: 2>, scalar_prefetch = 0 : i64, scratch_operands = 0 : i64, tpu.core_type = #tpu.core_type<tc>, window_params = [{transform_indices = @transform_0, window_bounds = array<i64: 5000, 128>}, {transform_indices = @transform_1, window_bounds = array<i64: 5000, 128>}, {transform_indices = @transform_2, window_bounds = array<i64: 5000, 128>}, {transform_indices = @transform_3, window_bounds = array<i64: 5000, 128>}, {pipeline_mode = #tpu.pipeline_mode<synchronous>, transform_indices = @transform_4, window_bounds = array<i64: 1, 128>}, {pipeline_mode = #tpu.pipeline_mode<synchronous>, transform_indices = @transform_5, window_bounds = array<i64: 128, 128>}, {pipeline_mode = #tpu.pipeline_mode<synchronous>, transform_indices = @transform_6, window_bounds = array<i64: 1, 128>}, {pipeline_mode = #tpu.pipeline_mode<synchronous>, transform_indices = @transform_7, window_bounds = array<i64: 128, 128>}, {transform_indices = @transform_8, window_bounds = array<i64: 5000, 128>}]} {
    %get3A = arith.constant 0 : index
    %get3A_0 = arith.constant 0 : index
    %get3A_1 = vector.load %arg4[%get3A, %get3A_0] : memref<5000x128xf32, #tpu.memory_space<vmem>>, vector<5000x128xf32>
    %get3A_2 = arith.constant 0 : index
    %get3A_3 = arith.constant 0 : index
    %get3A_4 = vector.load %arg1[%get3A_2, %get3A_3] : memref<5000x128xf32, #tpu.memory_space<vmem>>, vector<5000x128xf32>
    %get3A_5 = arith.constant 0 : index
    %get3A_6 = arith.constant 0 : index
    %get3A_7 = vector.load %arg2[%get3A_5, %get3A_6] : memref<5000x128xf32, #tpu.memory_space<vmem>>, vector<5000x128xf32>
    %add3A = arith.addf %get3A_4, %get3A_7 : vector<5000x128xf32>
    %get3A_8 = arith.constant 0 : index
    %get3A_9 = arith.constant 0 : index
    %get3A_10 = vector.load %arg3[%get3A_8, %get3A_9] : memref<5000x128xf32, #tpu.memory_space<vmem>>, vector<5000x128xf32>
    %add3A_11 = arith.addf %add3A, %get3A_10 : vector<5000x128xf32>
    %mul3A = arith.mulf %get3A_1, %add3A_11 : vector<5000x128xf32>
    %get3A_12 = arith.constant 0 : index
    %get3A_13 = arith.constant 0 : index
    %get3A_14 = vector.load %arg5[%get3A_12, %get3A_13] : memref<1x128xf32, #tpu.memory_space<vmem>>, vector<1x128xf32>
    %add3A_15 = vector.broadcast %get3A_14 : vector<1x128xf32> to vector<5000x128xf32>
    %add3A_16 = arith.addf %mul3A, %add3A_15 : vector<5000x128xf32>
    %get3A_17 = arith.constant 0 : index
    %get3A_18 = arith.constant 0 : index
    %get3A_19 = vector.load %arg6[%get3A_17, %get3A_18] : memref<128x128xf32, #tpu.memory_space<vmem>>, vector<128x128xf32>
    %dot_general3A = arith.constant dense<0.000000e+00> : vector<5000x128xf32>
    %dot_general3A_20 = tpu.matmul %add3A_16, %get3A_19, %dot_general3A {dimension_numbers = #tpu.dot_dimension_numbers<[1], [0], [0], [1], [0, 0, 1, 1], [], []>, transpose_lhs_hint = false} : vector<5000x128xf32>, vector<128x128xf32>, vector<5000x128xf32> -> vector<5000x128xf32>
    %get3A_21 = arith.constant 0 : index
    %get3A_22 = arith.constant 0 : index
    %get3A_23 = vector.load %arg7[%get3A_21, %get3A_22] : memref<1x128xf32, #tpu.memory_space<vmem>>, vector<1x128xf32>
    %add3A_24 = vector.broadcast %get3A_23 : vector<1x128xf32> to vector<5000x128xf32>
    %add3A_25 = arith.addf %dot_general3A_20, %add3A_24 : vector<5000x128xf32>
    %max3A = arith.constant 0.000000e+00 : f32
    %max3A_26 = vector.broadcast %max3A : f32 to vector<5000x128xf32>
    %max3A_27 = arith.maximumf %add3A_25, %max3A_26 : vector<5000x128xf32>
    %get3A_28 = arith.constant 0 : index
    %get3A_29 = arith.constant 0 : index
    %get3A_30 = vector.load %arg8[%get3A_28, %get3A_29] : memref<128x128xf32, #tpu.memory_space<vmem>>, vector<128x128xf32>
    %dot_general3A_31 = arith.constant dense<0.000000e+00> : vector<5000x128xf32>
    %dot_general3A_32 = tpu.matmul %max3A_27, %get3A_30, %dot_general3A_31 {dimension_numbers = #tpu.dot_dimension_numbers<[1], [0], [0], [1], [0, 0, 1, 1], [], []>, transpose_lhs_hint = false} : vector<5000x128xf32>, vector<128x128xf32>, vector<5000x128xf32> -> vector<5000x128xf32>
    %mul3A_33 = arith.mulf %get3A_1, %dot_general3A_32 : vector<5000x128xf32>
    %swap3A = arith.constant 0 : index
    %swap3A_34 = arith.constant 0 : index
    %swap3A_35 = vector.load %arg9[%swap3A, %swap3A_34] : memref<5000x128xf32, #tpu.memory_space<vmem>>, vector<5000x128xf32>
    tpu.vector_store %arg9[%swap3A, %swap3A_34], %mul3A_33 {strides = array<i32>} : memref<5000x128xf32, #tpu.memory_space<vmem>>, vector<5000x128xf32>,
    return
  }
  func.func @transform_0(%arg0: i32) -> (i32, i32) {
    %c0_i32 = arith.constant 0 : i32
    %c0_i32_0 = arith.constant 0 : i32
    return %arg0, %c0_i32 : i32, i32
  }
  func.func @transform_1(%arg0: i32) -> (i32, i32) {
    %c0_i32 = arith.constant 0 : i32
    %c0_i32_0 = arith.constant 0 : i32
    return %arg0, %c0_i32 : i32, i32
  }
  func.func @transform_2(%arg0: i32) -> (i32, i32) {
    %c0_i32 = arith.constant 0 : i32
    %c0_i32_0 = arith.constant 0 : i32
    return %arg0, %c0_i32 : i32, i32
  }
  func.func @transform_3(%arg0: i32) -> (i32, i32) {
    %c0_i32 = arith.constant 0 : i32
    %c0_i32_0 = arith.constant 0 : i32
    return %arg0, %c0_i32 : i32, i32
  }
  func.func @transform_4(%arg0: i32) -> (i32, i32) {
    %c0_i32 = arith.constant 0 : i32
    %c0_i32_0 = arith.constant 0 : i32
    %c0_i32_1 = arith.constant 0 : i32
    return %c0_i32, %c0_i32_0 : i32, i32
  }
  func.func @transform_5(%arg0: i32) -> (i32, i32) {
    %c0_i32 = arith.constant 0 : i32
    %c0_i32_0 = arith.constant 0 : i32
    %c0_i32_1 = arith.constant 0 : i32
    return %c0_i32, %c0_i32_0 : i32, i32
  }
  func.func @transform_6(%arg0: i32) -> (i32, i32) {
    %c0_i32 = arith.constant 0 : i32
    %c0_i32_0 = arith.constant 0 : i32
    %c0_i32_1 = arith.constant 0 : i32
    return %c0_i32, %c0_i32_0 : i32, i32
  }
  func.func @transform_7(%arg0: i32) -> (i32, i32) {
    %c0_i32 = arith.constant 0 : i32
    %c0_i32_0 = arith.constant 0 : i32
    %c0_i32_1 = arith.constant 0 : i32
    return %c0_i32, %c0_i32_0 : i32, i32
  }
  func.func @transform_8(%arg0: i32) -> (i32, i32) {
    %c0_i32 = arith.constant 0 : i32
    %c0_i32_0 = arith.constant 0 : i32
    return %arg0, %c0_i32 : i32, i32
  }
}

module attributes {stable_mosaic.version = 14 : i64} {
  func.func @_out_body(%arg0: i32, %arg1: memref<5000x128xf32, #tpu.memory_space<vmem>>, %arg2: memref<5000x128xf32, #tpu.memory_space<vmem>>, %arg3: memref<5000x128xf32, #tpu.memory_space<vmem>>, %arg4: memref<5000x128xf32, #tpu.memory_space<vmem>>, %arg5: memref<1x128xf32, #tpu.memory_space<vmem>>, %arg6: memref<128x128xf32, #tpu.memory_space<vmem>>, %arg7: memref<1x128xf32, #tpu.memory_space<vmem>>, %arg8: memref<5000x128xf32, #tpu.memory_space<vmem>>) attributes {dimension_semantics = [#tpu.dimension_semantics<arbitrary>], iteration_bounds = array<i64: 2>, scalar_prefetch = 0 : i64, scratch_operands = 0 : i64, tpu.core_type = #tpu.core_type<tc>, window_params = [{transform_indices = @transform_0, window_bounds = array<i64: 5000, 128>}, {transform_indices = @transform_1, window_bounds = array<i64: 5000, 128>}, {transform_indices = @transform_2, window_bounds = array<i64: 5000, 128>}, {transform_indices = @transform_3, window_bounds = array<i64: 5000, 128>}, {pipeline_mode = #tpu.pipeline_mode<synchronous>, transform_indices = @transform_4, window_bounds = array<i64: 1, 128>}, {pipeline_mode = #tpu.pipeline_mode<synchronous>, transform_indices = @transform_5, window_bounds = array<i64: 128, 128>}, {pipeline_mode = #tpu.pipeline_mode<synchronous>, transform_indices = @transform_6, window_bounds = array<i64: 1, 128>}, {transform_indices = @transform_7, window_bounds = array<i64: 5000, 128>}]} {
    %get3A = arith.constant 0 : index
    %get3A_0 = arith.constant 0 : index
    %get3A_1 = vector.load %arg4[%get3A, %get3A_0] : memref<5000x128xf32, #tpu.memory_space<vmem>>, vector<5000x128xf32>
    %get3A_2 = arith.constant 0 : index
    %get3A_3 = arith.constant 0 : index
    %get3A_4 = vector.load %arg1[%get3A_2, %get3A_3] : memref<5000x128xf32, #tpu.memory_space<vmem>>, vector<5000x128xf32>
    %get3A_5 = arith.constant 0 : index
    %get3A_6 = arith.constant 0 : index
    %get3A_7 = vector.load %arg2[%get3A_5, %get3A_6] : memref<5000x128xf32, #tpu.memory_space<vmem>>, vector<5000x128xf32>
    %add3A = arith.addf %get3A_4, %get3A_7 : vector<5000x128xf32>
    %get3A_8 = arith.constant 0 : index
    %get3A_9 = arith.constant 0 : index
    %get3A_10 = vector.load %arg3[%get3A_8, %get3A_9] : memref<5000x128xf32, #tpu.memory_space<vmem>>, vector<5000x128xf32>
    %add3A_11 = arith.addf %add3A, %get3A_10 : vector<5000x128xf32>
    %mul3A = arith.mulf %get3A_1, %add3A_11 : vector<5000x128xf32>
    %get3A_12 = arith.constant 0 : index
    %get3A_13 = arith.constant 0 : index
    %get3A_14 = vector.load %arg5[%get3A_12, %get3A_13] : memref<1x128xf32, #tpu.memory_space<vmem>>, vector<1x128xf32>
    %add3A_15 = vector.broadcast %get3A_14 : vector<1x128xf32> to vector<5000x128xf32>
    %add3A_16 = arith.addf %mul3A, %add3A_15 : vector<5000x128xf32>
    %get3A_17 = arith.constant 0 : index
    %get3A_18 = arith.constant 0 : index
    %get3A_19 = vector.load %arg6[%get3A_17, %get3A_18] : memref<128x128xf32, #tpu.memory_space<vmem>>, vector<128x128xf32>
    %dot_general3A = arith.constant dense<0.000000e+00> : vector<5000x128xf32>
    %dot_general3A_20 = tpu.matmul %add3A_16, %get3A_19, %dot_general3A {dimension_numbers = #tpu.dot_dimension_numbers<[1], [0], [0], [1], [0, 0, 1, 1], [], []>, transpose_lhs_hint = false} : vector<5000x128xf32>, vector<128x128xf32>, vector<5000x128xf32> -> vector<5000x128xf32>
    %get3A_21 = arith.constant 0 : index
    %get3A_22 = arith.constant 0 : index
    %get3A_23 = vector.load %arg7[%get3A_21, %get3A_22] : memref<1x128xf32, #tpu.memory_space<vmem>>, vector<1x128xf32>
    %add3A_24 = vector.broadcast %get3A_23 : vector<1x128xf32> to vector<5000x128xf32>
    %add3A_25 = arith.addf %dot_general3A_20, %add3A_24 : vector<5000x128xf32>
    %max3A = arith.constant 0.000000e+00 : f32
    %max3A_26 = vector.broadcast %max3A : f32 to vector<5000x128xf32>
    %max3A_27 = arith.maximumf %add3A_25, %max3A_26 : vector<5000x128xf32>
    %swap3A = arith.constant 0 : index
    %swap3A_28 = arith.constant 0 : index
    %swap3A_29 = vector.load %arg8[%swap3A, %swap3A_28] : memref<5000x128xf32, #tpu.memory_space<vmem>>, vector<5000x128xf32>
    tpu.vector_store %arg8[%swap3A, %swap3A_28], %max3A_27 {strides = array<i32>} : memref<5000x128xf32, #tpu.memory_space<vmem>>, vector<5000x128xf32>,
    return
  }
  func.func @transform_0(%arg0: i32) -> (i32, i32) {
    %c0_i32 = arith.constant 0 : i32
    %c0_i32_0 = arith.constant 0 : i32
    return %arg0, %c0_i32 : i32, i32
  }
  func.func @transform_1(%arg0: i32) -> (i32, i32) {
    %c0_i32 = arith.constant 0 : i32
    %c0_i32_0 = arith.constant 0 : i32
    return %arg0, %c0_i32 : i32, i32
  }
  func.func @transform_2(%arg0: i32) -> (i32, i32) {
    %c0_i32 = arith.constant 0 : i32
    %c0_i32_0 = arith.constant 0 : i32
    return %arg0, %c0_i32 : i32, i32
  }
  func.func @transform_3(%arg0: i32) -> (i32, i32) {
    %c0_i32 = arith.constant 0 : i32
    %c0_i32_0 = arith.constant 0 : i32
    return %arg0, %c0_i32 : i32, i32
  }
  func.func @transform_4(%arg0: i32) -> (i32, i32) {
    %c0_i32 = arith.constant 0 : i32
    %c0_i32_0 = arith.constant 0 : i32
    %c0_i32_1 = arith.constant 0 : i32
    return %c0_i32, %c0_i32_0 : i32, i32
  }
  func.func @transform_5(%arg0: i32) -> (i32, i32) {
    %c0_i32 = arith.constant 0 : i32
    %c0_i32_0 = arith.constant 0 : i32
    %c0_i32_1 = arith.constant 0 : i32
    return %c0_i32, %c0_i32_0 : i32, i32
  }
  func.func @transform_6(%arg0: i32) -> (i32, i32) {
    %c0_i32 = arith.constant 0 : i32
    %c0_i32_0 = arith.constant 0 : i32
    %c0_i32_1 = arith.constant 0 : i32
    return %c0_i32, %c0_i32_0 : i32, i32
  }
  func.func @transform_7(%arg0: i32) -> (i32, i32) {
    %c0_i32 = arith.constant 0 : i32
    %c0_i32_0 = arith.constant 0 : i32
    return %arg0, %c0_i32 : i32, i32
  }
}

</mosaic_0001>

<sc_bundles>
// kernel: kernel.11.cloned.1.call-start
scs
__scs_entry_jumppad:
0x0: {  	(pc) =	sbr.rel $0x88, $3  }
0x1: {  	(tag) =	ssettag $0x0;
	lr =	simm.s32 $0x1  }
0x2: {  	[smem:$0x3F95] =	sst lr;
	_ =	strace $0xD0000000  }
0x3: {  	_ = 	snop  }
0x4: {  	_ = 	snop  }
0x5: {  	_ = 	snop  }
0x6: {  	_ = 	snop  }
0x7: {  	_ = 	snop  }
__scs_overlays_trampoline_lowered:
0x8: {  	[smem:$0x3FA4] =	sst s0  }
0x9: {  	[smem:$0x3FA5] =	sst s1  }
0xa: {  	[smem:$0x3FA6] =	sst s2  }
0xb: {  	[smem:$0x3FA7] =	sst s3  }
0xc: {  	[smem:$0x3FA8] =	sst s4  }
0xd: {  	[smem:$0x3FA9] =	sst s5  }
0xe: {  	[smem:$0x3FAA] =	sst s6  }
0xf: {  	[smem:$0x3FAB] =	sst s7  }
0x10: {  	[smem:$0x3FAC] =	sst s8  }
0x11: {  	[smem:$0x3FAD] =	sst s9;
	s0 =	simm.s32 @!p0 $0x0  }
0x12: {  	s1 =	sld [smem:$0x3F93];
	s0 =	simm.s32 @p0 $0x1  }
0x13: {  	[smem:$0x3FAE] =	sst s0;
	s0 =	simm.s32 @!p1 $0x0  }
0x14: {  	s2 =	sld [smem:$0x3F92];
	s0 =	simm.s32 @p1 $0x1  }
0x15: {  	[smem:$0x3FAF] =	sst s0;
	s0 =	simm.s32 @!p2 $0x0  }
0x16: {  	s3 =	sld [smem:$0x3FDB];
	s0 =	simm.s32 @p2 $0x1  }
0x17: {  	s4 =	simm.s32 $0x1BF5;
	[smem:$0x3FB1] =	sst s0  }
0x18: {  	s0 =	sld [smem:$0x3F94];
	_ =	swait.ge [sflag:s4], $0x0  }
0x19: {  	s7 =	sld [smem:$0x3F95]  }
0x1a: {  	s8 =	sadd.s32 $0xFFFFE003, lr  }
0x1b: {  	s9 =	sadd.s32 $0xFFFFFEF7, lr;
	s5 =	simm.s32 $0xFFFFFFFF;
	p2 =	slt.u32 s8, $0xFFFFF086  }
0x1c: {  	p1 =	slt.u32 s9, $0xF7A;
	s5 =	simm.s32 @!p2 $0x0  }
0x1d: {  	s5 =	simm.s32 @p1 $0x1;
	p0 =	seq.s32 s7, s2  }
0x1e: {  	s7 =	smul.u32 @!p0 $0xF7A, s2;
	p2 =	seq.s32 @!p0 s5, $0x0  }
0x1f: {  	s9 =	smul.u32 $0xF7A, s1;
	s8 =	simm.s32 @!p0 $0x1BF5;
	p2 =	por !p2, p0  }
0x20: {  	[sflag:s8] =	ssyncset.s32 @!p0 $0xFFFFF086;
	s6 =	sadd.s32 @!p0 s3, s7;
	s7 =	simm.s32 @!p0 $0x108  }
0x21: {  	s3 =	sadd.s32 s3, s9;
	s6 =	sadd.s32 @!p0 $0x88, s6;
	s7 =	simm.s32 @p2 $0x1082  }
0x22: {  	[simem:s7], [sflag:s8] =	dma.local @!p0 [hbm:s6], $0xF7A  }
0x23: {  	s9 =	sor.u32 $0xD0000000, s2;
	s6 =	simm.s32 $0x108;
	_ =	swait.ge @!p0 [sflag:s8], $0x0  }
0x24: {  	s3 =	sadd.s32 $0x88, s3;
	s6 =	simm.s32 @!p1 $0x1082;
	[sflag:s4] =	ssyncset.s32 $0xFFFFF086  }
0x25: {  	[simem:s6], [sflag:s4] =	dma.local [hbm:s3], $0xF7A  }
0x26: {  	[smem:$0x3F95] =	sst s1;
	(tag) =	ssettag s2;
	_ =	strace s9  }
0x27: {  	s1 =	sld [smem:$0x3FA5]  }
0x28: {  	s2 =	sld [smem:$0x3FA6]  }
0x29: {  	s4 =	sld [smem:$0x3FA8]  }
0x2a: {  	p0 =	seq.s32 s5, $0x0;
	s5 =	sld [smem:$0x3FA9]  }
0x2b: {  	s6 =	sld [smem:$0x3FAA]  }
0x2c: {  	s7 =	sld [smem:$0x3FAB]  }
0x2d: {  	s3 =	simm.s32 $0x108;
	s8 =	sld [smem:$0x3FAC]  }
0x2e: {  	s3 =	simm.s32 @!p0 $0x1082;
	s9 =	sld [smem:$0x3FAD]  }
0x2f: {  	lr =	sadd.s32 s0, s3;
	s0 =	sld [smem:$0x3FA4]  }
0x30: {  	s3 =	sld [smem:$0x3FA7]  }
0x31: {  	[smem:$0x3FB0] =	sst s10  }
0x32: {  	s10 =	sld [smem:$0x3FAE];
	_ =	sdelay $0x3  }
0x33: {  	p0 =	seq.s32 s10, $0x1;
	s10 =	sld [smem:$0x3FB0];
	_ =	sdelay $0x3  }
0x34: {  	[smem:$0x3FB0] =	sst s10  }
0x35: {  	s10 =	sld [smem:$0x3FAF];
	_ =	sdelay $0x3  }
0x36: {  	p1 =	seq.s32 s10, $0x1;
	s10 =	sld [smem:$0x3FB0];
	_ =	sdelay $0x3  }
0x37: {  	[smem:$0x3FB0] =	sst s10  }
0x38: {  	s10 =	sld [smem:$0x3FB1]  }
0x39: {  	_ = 	snop;
	(pc) =	sbr.ind lr, $3  }
0x3a: {  	_ = 	snop  }
0x3b: {  	_ = 	snop  }
0x3c: {  	p2 =	seq.s32 s10, $0x1;
	s10 =	sld [smem:$0x3FB0]  }
0x3d: {  	_ =	shalt  }
0x3e: {  	_ =	shalt  }
0x3f: {  	_ =	shalt  }
0x40: {  	_ =	shalt  }
0x41: {  	_ =	shalt  }
0x42: {  	_ =	shalt  }
0x43: {  	_ =	shalt  }
0x44: {  	_ =	shalt  }
0x45: {  	_ =	shalt  }
0x46: {  	_ =	shalt  }
0x47: {  	_ =	shalt  }
0x48: {  	_ =	shalt  }
0x49: {  	_ =	shalt  }
0x4a: {  	_ =	shalt  }
0x4b: {  	_ =	shalt  }
0x4c: {  	_ =	shalt  }
0x4d: {  	_ =	shalt  }
0x4e: {  	_ =	shalt  }
0x4f: {  	_ =	shalt  }
0x50: {  	_ =	shalt  }
0x51: {  	_ =	shalt  }
0x52: {  	_ =	shalt  }
0x53: {  	_ =	shalt  }
0x54: {  	_ =	shalt  }
0x55: {  	_ =	shalt  }
0x56: {  	_ =	shalt  }
0x57: {  	_ =	shalt  }
0x58: {  	_ =	shalt  }
0x59: {  	_ =	shalt  }
0x5a: {  	_ =	shalt  }
0x5b: {  	_ =	shalt  }
0x5c: {  	_ =	shalt  }
0x5d: {  	_ =	shalt  }
0x5e: {  	_ =	shalt  }
0x5f: {  	_ =	shalt  }
0x60: {  	_ =	shalt  }
0x61: {  	_ =	shalt  }
0x62: {  	_ =	shalt  }
0x63: {  	_ =	shalt  }
0x64: {  	_ =	shalt  }
0x65: {  	_ =	shalt  }
0x66: {  	_ =	shalt  }
0x67: {  	_ =	shalt  }
0x68: {  	_ =	shalt  }
0x69: {  	_ =	shalt  }
0x6a: {  	_ =	shalt  }
0x6b: {  	_ =	shalt  }
0x6c: {  	_ =	shalt  }
0x6d: {  	_ =	shalt  }
0x6e: {  	_ =	shalt  }
0x6f: {  	_ =	shalt  }
0x70: {  	_ =	shalt  }
0x71: {  	_ =	shalt  }
0x72: {  	_ =	shalt  }
0x73: {  	_ =	shalt  }
0x74: {  	_ =	shalt  }
0x75: {  	_ =	shalt  }
0x76: {  	_ =	shalt  }
0x77: {  	_ =	shalt  }
0x78: {  	_ =	shalt  }
0x79: {  	_ =	shalt  }
0x7a: {  	_ =	shalt  }
0x7b: {  	_ =	shalt  }
0x7c: {  	_ =	shalt  }
0x7d: {  	_ =	shalt  }
0x7e: {  	_ =	shalt  }
0x7f: {  	_ =	shalt  }
0x80: {  	_ =	shalt  }
0x81: {  	_ =	shalt  }
0x82: {  	_ =	shalt  }
0x83: {  	_ =	shalt  }
0x84: {  	_ =	shalt  }
0x85: {  	_ =	shalt  }
0x86: {  	_ =	shalt  }
0x87: {  	_ =	shalt  }
.Lfunc_end0:
.L_simem_size_0:
called_computation.1_lowered:
.L_overlay_start_0:
0x88: {  	s2 =	sld [smem:$0x3FD9]  }
0x89: {  	s3 =	sld [smem:$0x3FFE];
	_ =	sdelay $0x1  }
0x8a: {  	s1 =	srdreg.scid  }
0x8b: {  	s0 =	sand.u32 $0x1, s1  }
0x8c: {  	s17 =	sshll.u32 s0, $0xA;
	s2 =	sadd.s32 s3, s2  }
0x8d: {  	s2 =	sadd.s32 s2, s17  }
0x8e: {  	[smem:$0x3FBC] =	sst s2  }
0x8f: {  	_ = 	snop  }
0x90: {  	s2 =	sld [smem:$0x3FD0];
	(tm) =	ssettm $0x1  }
0x91: {  	s18 =	sld [smem:$0x3FFB];
	_ =	sdelay $0x3  }
0x92: {  	_ =	strace s18  }
0x93: {  	s3 =	sld [smem:$0x3FFC];
	_ =	sdelay $0x3  }
0x94: {  	_ =	strace s3  }
0x95: {  	s3 =	sld [smem:$0x3FFD];
	_ =	sdelay $0x3  }
0x96: {  	_ =	strace s3  }
0x97: {  	_ =	strace $0x8FFFFFFF  }
0x98: {  	s19 =	sld [smem:$0x3FDB];
	_ =	sdelay $0x1  }
0x99: {  	s4 =	simm.s32 $_scs_section_size  }
0x9a: {  	s5 =	simm.s32 $_size__tile_overlayer_lowered;
	s6 =	simm.s32 $_tile_overlayer_lowered  }
0x9b: {  	s22 =	simm.s32 $0x1BFF;
	s21 =	sshll.u32 s6, $0x1;
	s3 =	sadd.s32 s4, s19  }
0x9c: {  	s7 =	simm.s32 $0x0;
	s20 =	sshll.u32 s5, $0x1;
	s5 =	sadd.s32 s21, s3  }
0x9d: {  	[timem:s7], [sflag:s22] =	dma.local [hbm:s5], s20  }
0x9e: {  	_ =	swait.ge [sflag:s22], s20  }
0x9f: {  	s4 =	ssub.s32 $0x0, s20;
	[sflag:s22] =	ssyncset.done $0x0  }
0xa0: {  	[sflag:s22] =	ssyncadd.s32 s4;
	_ =	sdelay $0x1  }
0xa1: {  	s23 =	simm.s32 $0x1B8B  }
0xa2: {  	_ =	swait.ge [sflag:s23], $0x1  }
0xa3: {  	[sflag:s23] =	ssyncset.done $0x0  }
0xa4: {  	s25 =	simm.s32 $0x1B8E;
	s24 =	sld [smem:$0x3FFE];
	[sflag:s23] =	ssyncadd.s32 $0xFFFFFFFF  }
0xa5: {  	s26 =	simm.s32 $execute0_lowered;
	[smem:$0x3FD2] =	sst s25  }
0xa6: {  	s5 =	sshll.u32 s26, $0x1;
	_ =	strace $0x80000049;
	[dreg:$0x1] =	wrdreg $0xFFFFFFFF  }
0xa7: {  	s28 =	simm.s32 $_size_execute0_lowered;
	s3 =	sadd.s32 s3, s5;
	[dreg:$0x0] =	wrdreg $0x0  }
0xa8: {  	s5 =	sshll.u32 s28, $0x1;
	[dreg:$0x2] =	wrdreg s3  }
0xa9: {  	[dreg:$0x3] =	wrdreg s5  }
0xaa: {  	[dreg:$0x4] =	wrdreg $0xC0  }
0xab: {  	_ =	task [dreg:s7], $0x5FFFF  }
0xac: {  	[dreg:$0x1] =	wrdreg $0xFFFFFFFF  }
0xad: {  	[dreg:$0x0] =	wrdreg $0x60  }
0xae: {  	[dreg:$0x2] =	wrdreg s2  }
0xaf: {  	[dreg:$0x3] =	wrdreg s24  }
0xb0: {  	[dreg:$0x4] =	wrdreg $0xA0000  }
0xb1: {  	[dreg:$0x5] =	wrdreg $0x9  }
0xb2: {  	_ =	task.clear_ibuf [dreg:s7], $0x6FFFF;
	_ =	strace $0x90000049  }
0xb3: {  	s29 =	simm.s32 $0x9;
	_ =	strace $0x8000004B  }
0xb4: {  	_ =	swait.ge [sflag:s29], $0x1  }
0xb5: {  	[sflag:s29] =	ssyncadd.s32 $0xFFFFFFFF  }
0xb6: {  	_ =	strace $0x9000004B  }
0xb7: {  	_ =	sfence  }
0xb8: {  	s30 =	sld [smem:$0x0];
	_ =	sdelay $0x2  }
0xb9: {  	s31 =	sshll.u32 s1, $0xD;
	s1 =	sshrl.u32 s1, $0x2  }
0xba: {  	s3 =	sand.u32 $0x4000, s31;
	s1 =	sadd.s32 s1, s30  }
0xbb: {  	s0 =	sor.u32 s3, s0;
	s1 =	sshll.u32 s1, $0x11  }
0xbc: {  	s0 =	sor.u32 s1, s0  }
0xbd: {  	s0 =	sadd.s32 $0x8F2B, s0  }
0xbe: {  	[sflag:s0] =	ssyncadd.remote.s32 $0x1  }
0xbf: {  	_ =	sfence.sel $0xFFFF  }
0xc0: {  	[dreg:$0x0] =	wrdreg $0xFFFFFFFF;
	(pc) =	sbr.abs _section_cstart, $3  }
0xc1: {  	[dreg:$0x1] =	wrdreg $0xFFFFFFFF  }
0xc2: {  	_ =	task.clear_ibuf [dreg:s7], $0x2FFFF;
	_ =	strace $0x9FFFFFFF  }
0xc3: {  	(tm) =	ssettm $0x7FFFFFFF  }
tec
execute0_lowered:
.L_overlay_start_1:
0x0: {  	(tag) =	ssettag $0x1  }
0x1: {  	s0 =	rddreg [dreg:$0x0]  }
0x2: {  	s5 =	rddreg [dreg:$0x1];
	s1 =	srdreg.scid  }
0x3: {  	s3 =	rddreg [dreg:$0x2];
	s23 =	stileid.u32  }
0x4: {  	s4 =	simm.s32 $0x0;
	s19 =	simm.s32 $0x4;
	s20 =	simm.s32 $0x1C00  }
0x5: {  	s21 =	simm.s32 $0x64;
	s22 =	simm.s32 $0x6C00;
	s28 =	simm.s32 $0x3400  }
0x6: {  	s29 =	simm.s32 $0x3480;
	s6 =	sand.u32 $0x1, s1;
	s8 =	smul.u32 $0x14000, s23  }
0x7: {  	[smem:$0x7FF] =	sst s4;
	s14 =	sadd.s32 $0x61600, s5;
	s9 =	smul.u32 $0x50000, s23  }
0x8: {  	s15 =	sadd.s32 $0x3600, s5;
	s30 =	sshll.u32 s23, $0x2;
	s23 =	simm.s32 $0x1  }
0x9: {  	s7 =	smul.u32 $0x140000, s6;
	s24 =	ssub.s32 $0x2, s6;
	s6 =	sshll.u32 s6, $0x1  }
0xa: {  	_ =	strace $0x8000004A;
	s25 =	sshrl.u32 s24, $0x1;
	s10 =	sor.u32 s6, s30  }
0xb: {  	s26 =	sshrl.u32 s9, $0x2;
	s7 =	sadd.s32 s8, s7;
	s12 =	smul.u32 $0x1C00, s10  }
0xc: {  	s17 =	ssub.s32 s24, s25;
	s13 =	smul.u32 $0x380, s10;
	s24 =	simm.s32 $0x3  }
0xd: {  	s25 =	simm.s32 $0x2;
	s7 =	sshrl.u32 s7, $0x3;
	s17 =	smax.u32 s17, $0x1  }
0xe: {  	s16 =	sadd.s32 s7, s5;
	s5 =	sadd.s32 s26, s3;
	s18 =	sshrl.u32 s12, $0x3  }
0xf: {  	s12 =	sadd.s32 s14, s13;
	s13 =	sadd.s32 s15, s13;
	s26 =	simm.s32 $0x1880  }
0x10: {  	s31 =	sadd.s32 $0x3200, s5;
	s7 =	sadd.s32 $0x6400, s5;
	s8 =	sadd.s32 $0x9600, s5  }
0x11: {  	s9 =	sadd.s32 $0xC800, s5;
	s10 =	sadd.s32 $0xFA00, s5;
	s11 =	sadd.s32 $0x12C00, s5  }
0x12: {  	s18 =	sadd.s32 $0x380, s18;
	s16 =	sadd.s32 $0x11600, s16;
	[dreg:$0x4] =	wrdreg s31  }
0x13: {  	v0 =	vimm.f32 $0.0e+00;
	s14 =	sadd.s32 s14, s18;
	s15 =	sadd.s32 s15, s18;
	s18 =	simm.s32 $0x3800  }
.LBB2_1:
0x14: {  	s30 =	simm.s32 $0x0;
	s31 =	simm.s32 $0x200  }
.LBB2_2:
0x15: {  	p0 =	sne.s32 s31, $0xC600;
	[tilespmem:s30+$0x3870] =	vst v0  }
0x16: {  	[tilespmem:s30+$0x3800] =	vst v0  }
0x17: {  	[tilespmem:s30+$0x3810] =	vst v0  }
.Ltmp0:
0x18: {  	[tilespmem:s30+$0x3820] =	vst v0;
	(pc) =	sbr.rel @p0 .LBB2_2-.Ltmp0, $4  }
0x19: {  	[tilespmem:s30+$0x3830] =	vst v0  }
0x1a: {  	[tilespmem:s30+$0x3840] =	vst v0  }
0x1b: {  	[tilespmem:s30+$0x3850] =	vst v0  }
0x1c: {  	[tilespmem:s30+$0x3860] =	vst v0;
	s30 =	sshra.s32 s31, $0x2;
	s31 =	sadd.s32 $0x200, s31  }
0x1d: {  	[tilespmem:s30+$0x3870] =	vst v0  }
0x1e: {  	[tilespmem:s30+$0x3800] =	vst v0  }
0x1f: {  	[tilespmem:s30+$0x3810] =	vst v0  }
0x20: {  	[tilespmem:s30+$0x3820] =	vst v0  }
0x21: {  	[tilespmem:s30+$0x3830] =	vst v0  }
0x22: {  	[tilespmem:s30+$0x3840] =	vst v0  }
0x23: {  	[tilespmem:s30+$0x3850] =	vst v0  }
0x24: {  	[tilespmem:s30+$0x3860] =	vst v0  }
0x25: {  	[spmem:s5] =	stream.linear.scatter [tilespmem:s18], [sflag:$0x4], $0x3200, $0x38;
	[tilespmem:$0x1E000] =	vst v63  }
0x26: {  	_ =	swait.ge [sflag:s19], $0x3200  }
0x27: {  	[sflag:s19] =	ssyncset.done $0x0  }
0x28: {  	s1 =	rddreg [dreg:$0x4];
	[sflag:s19] =	ssyncadd.s32 $0xFFFFCE00  }
0x29: {  	[spmem:s1] =	stream.linear.scatter [tilespmem:s18], [sflag:$0x4], $0x3200, $0x38;
	[tilespmem:$0x1E000] =	vst v63  }
0x2a: {  	_ =	swait.ge [sflag:s19], $0x3200  }
0x2b: {  	[sflag:s19] =	ssyncset.done $0x0  }
0x2c: {  	[sflag:s19] =	ssyncadd.s32 $0xFFFFCE00  }
0x2d: {  	[spmem:s7] =	stream.linear.scatter [tilespmem:s18], [sflag:$0x4], $0x3200, $0x38;
	[tilespmem:$0x1E000] =	vst v63  }
0x2e: {  	_ =	swait.ge [sflag:s19], $0x3200  }
0x2f: {  	[sflag:s19] =	ssyncset.done $0x0  }
0x30: {  	[sflag:s19] =	ssyncadd.s32 $0xFFFFCE00  }
0x31: {  	[spmem:s8] =	stream.linear.scatter [tilespmem:s18], [sflag:$0x4], $0x3200, $0x38;
	[tilespmem:$0x1E000] =	vst v63  }
0x32: {  	_ =	swait.ge [sflag:s19], $0x3200  }
0x33: {  	[sflag:s19] =	ssyncset.done $0x0  }
0x34: {  	[sflag:s19] =	ssyncadd.s32 $0xFFFFCE00  }
0x35: {  	[spmem:s9] =	stream.linear.scatter [tilespmem:s18], [sflag:$0x4], $0x3200, $0x38;
	[tilespmem:$0x1E000] =	vst v63  }
0x36: {  	_ =	swait.ge [sflag:s19], $0x3200  }
0x37: {  	[sflag:s19] =	ssyncset.done $0x0  }
0x38: {  	[sflag:s19] =	ssyncadd.s32 $0xFFFFCE00  }
0x39: {  	[spmem:s10] =	stream.linear.scatter [tilespmem:s18], [sflag:$0x4], $0x3200, $0x38;
	[tilespmem:$0x1E000] =	vst v63  }
0x3a: {  	_ =	swait.ge [sflag:s19], $0x3200  }
0x3b: {  	[sflag:s19] =	ssyncset.done $0x0  }
0x3c: {  	[sflag:s19] =	ssyncadd.s32 $0xFFFFCE00  }
0x3d: {  	[spmem:s11] =	stream.linear.scatter [tilespmem:s18], [sflag:$0x4], $0x1400, $0x38;
	[tilespmem:$0x1E000] =	vst v63  }
0x3e: {  	_ =	swait.ge [sflag:s19], $0x1400  }
0x3f: {  	[sflag:s19] =	ssyncset.done $0x0  }
0x40: {  	[sflag:s19] =	ssyncadd.s32 $0xFFFFEC00  }
0x41: {  	s30 =	simm.s32 $0x0;
	[bflag:$0x0] =	sbarrier.arrive $0xFFFF  }
0x42: {  	[tilespmem:s30], [sflag:$0x4] =	stream.linear.gather [hbm4b:s12+s30], $0x1900, $0x38;
	[tilespmem:$0x1E000] =	vst v63  }
0x43: {  	_ =	swait.ge [sflag:s19], $0x1900  }
0x44: {  	[sflag:s19] =	ssyncset.done $0x0  }
0x45: {  	[sflag:s19] =	ssyncadd.s32 $0xFFFFE700  }
0x46: {  	[tilespmem:s20], [sflag:$0x4] =	stream.linear.gather [hbm4b:s13+s30], $0x1900, $0x38;
	[tilespmem:$0x1E000] =	vst v63  }
0x47: {  	_ =	swait.ge [sflag:s19], $0x1900  }
0x48: {  	[sflag:s19] =	ssyncset.done $0x0  }
0x49: {  	[sflag:s19] =	ssyncadd.s32 $0xFFFFE700  }
0x4a: {  	[tilespmem:s18], [sflag:$0x1] =	stream.indirect.gather [hbm4b:s0+s21], $0x80, s30, s21, $0xb8;
	[tilespmem:$0x1E000] =	vst v63  }
0x4b: {  	s30 =	simm.s32 $0x80  }
0x4c: {  	[tilespmem:s22], [sflag:$0x2] =	stream.indirect.gather [hbm4b:s0+s21], $0x80, s30, s21, $0xb8;
	[tilespmem:$0x1E000] =	vst v63  }
0x4d: {  	_ =	swait.ge [sflag:s23], $0x3200  }
0x4e: {  	[sflag:s23] =	ssyncset.done $0x0  }
0x4f: {  	s30 =	simm.s32 $0x1C00;
	[sflag:s23] =	ssyncadd.s32 $0xFFFFCE00  }
0x50: {  	[spmem:s3] =	stream.indirect.scatter.add.f32 [tilespmem:s18], [sflag:$0x3], $0x80, s30, s21, $0xb8;
	[tilespmem:$0x1E000] =	vst v63  }
0x51: {  	_ =	swait.ge [sflag:s24], $0x3200  }
0x52: {  	[sflag:s24] =	ssyncset.done $0x0  }
0x53: {  	s30 =	simm.s32 $0x100;
	[sflag:s24] =	ssyncadd.s32 $0xFFFFCE00  }
0x54: {  	[tilespmem:s18], [sflag:$0x1] =	stream.indirect.gather [hbm4b:s0+s21], $0x80, s30, s21, $0xb8;
	[tilespmem:$0x1E000] =	vst v63  }
0x55: {  	_ =	swait.ge [sflag:s25], $0x3200  }
0x56: {  	[sflag:s25] =	ssyncset.done $0x0  }
0x57: {  	s30 =	simm.s32 $0x1C80;
	[sflag:s25] =	ssyncadd.s32 $0xFFFFCE00  }
0x58: {  	[spmem:s3] =	stream.indirect.scatter.add.f32 [tilespmem:s22], [sflag:$0x3], $0x80, s30, s21, $0xb8;
	[tilespmem:$0x1E000] =	vst v63  }
0x59: {  	_ =	swait.ge [sflag:s24], $0x3200  }
0x5a: {  	s31 =	simm.s32 $0x800;
	s30 =	simm.s32 $0x100;
	[sflag:s24] =	ssyncset.done $0x0  }
.LBB2_4:
0x5b: {  	s1 =	sadd.s32 $0x80, s30  }
0x5c: {  	[sflag:s24] =	ssyncadd.s32 $0xFFFFCE00;
	s2 =	smov.u32 s31;
	s6 =	sadd.s32 $0x400, s31  }
0x5d: {  	[tilespmem:s22], [sflag:$0x2] =	stream.indirect.gather [hbm4b:s0+s21], $0x80, s1, s21, $0xb8;
	[tilespmem:$0x1E000] =	vst v63  }
0x5e: {  	p0 =	sne.s32 s31, $0x5C00;
	_ =	swait.ge [sflag:s23], $0x3200  }
0x5f: {  	[sflag:s23] =	ssyncset.done $0x0  }
0x60: {  	s1 =	sadd.s32 $0x1C00, s30;
	[sflag:s23] =	ssyncadd.s32 $0xFFFFCE00  }
0x61: {  	[spmem:s3] =	stream.indirect.scatter.add.f32 [tilespmem:s18], [sflag:$0x3], $0x80, s1, s21, $0xb8;
	[tilespmem:$0x1E000] =	vst v63  }
0x62: {  	_ =	swait.ge [sflag:s24], $0x3200  }
0x63: {  	[sflag:s24] =	ssyncset.done $0x0  }
0x64: {  	s1 =	sadd.s32 $0x100, s30;
	[sflag:s24] =	ssyncadd.s32 $0xFFFFCE00  }
0x65: {  	[tilespmem:s18], [sflag:$0x1] =	stream.indirect.gather [hbm4b:s0+s21], $0x80, s1, s21, $0xb8;
	[tilespmem:$0x1E000] =	vst v63  }
0x66: {  	_ =	swait.ge [sflag:s25], $0x3200  }
.Ltmp1:
0x67: {  	[sflag:s25] =	ssyncset.done $0x0;
	(pc) =	sbr.rel @p0 .LBB2_4-.Ltmp1, $4  }
0x68: {  	s1 =	sadd.s32 $0x1C80, s30;
	[sflag:s25] =	ssyncadd.s32 $0xFFFFCE00  }
0x69: {  	[spmem:s3] =	stream.indirect.scatter.add.f32 [tilespmem:s22], [sflag:$0x3], $0x80, s1, s21, $0xb8;
	[tilespmem:$0x1E000] =	vst v63  }
0x6a: {  	_ =	swait.ge [sflag:s24], $0x3200  }
0x6b: {  	s31 =	smov.u32 s6;
	s30 =	sshra.s32 s2, $0x2;
	[sflag:s24] =	ssyncset.done $0x0  }
0x6c: {  	s1 =	sadd.s32 $0x80, s30;
	[sflag:s24] =	ssyncadd.s32 $0xFFFFCE00  }
0x6d: {  	[tilespmem:s22], [sflag:$0x2] =	stream.indirect.gather [hbm4b:s0+s21], $0x80, s1, s21, $0xb8;
	[tilespmem:$0x1E000] =	vst v63  }
0x6e: {  	_ =	swait.ge [sflag:s23], $0x3200  }
0x6f: {  	[sflag:s23] =	ssyncset.done $0x0  }
0x70: {  	s2 =	sadd.s32 $0x1C00, s30;
	[sflag:s23] =	ssyncadd.s32 $0xFFFFCE00  }
0x71: {  	[spmem:s3] =	stream.indirect.scatter.add.f32 [tilespmem:s18], [sflag:$0x3], $0x80, s2, s21, $0xb8;
	[tilespmem:$0x1E000] =	vst v63  }
0x72: {  	_ =	swait.ge [sflag:s24], $0x3200  }
0x73: {  	[sflag:s24] =	ssyncset.done $0x0  }
0x74: {  	s6 =	sadd.s32 $0x100, s30;
	[sflag:s24] =	ssyncadd.s32 $0xFFFFCE00  }
0x75: {  	[tilespmem:s18], [sflag:$0x1] =	stream.indirect.gather [hbm4b:s0+s21], $0x80, s6, s21, $0xb8;
	[tilespmem:$0x1E000] =	vst v63  }
0x76: {  	_ =	swait.ge [sflag:s25], $0x3200  }
0x77: {  	[sflag:s25] =	ssyncset.done $0x0  }
0x78: {  	s2 =	sadd.s32 $0x1C80, s30;
	[sflag:s25] =	ssyncadd.s32 $0xFFFFCE00  }
0x79: {  	[spmem:s3] =	stream.indirect.scatter.add.f32 [tilespmem:s22], [sflag:$0x3], $0x80, s2, s21, $0xb8;
	[tilespmem:$0x1E000] =	vst v63  }
0x7a: {  	_ =	swait.ge [sflag:s24], $0x3200  }
0x7b: {  	[sflag:s24] =	ssyncset.done $0x0  }
0x7c: {  	[sflag:s24] =	ssyncadd.s32 $0xFFFFCE00  }
0x7d: {  	[tilespmem:s22], [sflag:$0x2] =	stream.indirect.gather [hbm4b:s0+s21], $0x80, s26, s21, $0xb8;
	[tilespmem:$0x1E000] =	vst v63  }
0x7e: {  	_ =	swait.ge [sflag:s23], $0x3200  }
0x7f: {  	[sflag:s23] =	ssyncset.done $0x0  }
0x80: {  	[sflag:s23] =	ssyncadd.s32 $0xFFFFCE00  }
0x81: {  	[spmem:s3] =	stream.indirect.scatter.add.f32 [tilespmem:s18], [sflag:$0x3], $0x80, s28, s21, $0xb8;
	[tilespmem:$0x1E000] =	vst v63  }
0x82: {  	_ =	swait.ge [sflag:s24], $0x3200  }
0x83: {  	[sflag:s24] =	ssyncset.done $0x0  }
0x84: {  	[sflag:s24] =	ssyncadd.s32 $0xFFFFCE00  }
0x85: {  	_ =	swait.ge [sflag:s25], $0x3200  }
0x86: {  	[sflag:s25] =	ssyncset.done $0x0  }
0x87: {  	[sflag:s25] =	ssyncadd.s32 $0xFFFFCE00  }
0x88: {  	[spmem:s3] =	stream.indirect.scatter.add.f32 [tilespmem:s22], [sflag:$0x3], $0x80, s29, s21, $0xb8;
	[tilespmem:$0x1E000] =	vst v63  }
0x89: {  	_ =	swait.ge [sflag:s24], $0x3200  }
0x8a: {  	[sflag:s24] =	ssyncset.done $0x0  }
0x8b: {  	s6 =	simm.s32 $0x0;
	[sflag:s24] =	ssyncadd.s32 $0xFFFFCE00  }
0x8c: {  	[tilespmem:s6], [sflag:$0x4] =	stream.linear.gather [hbm4b:s14+s6], $0x1900, $0x38;
	[tilespmem:$0x1E000] =	vst v63  }
0x8d: {  	_ =	swait.ge [sflag:s19], $0x1900  }
0x8e: {  	[sflag:s19] =	ssyncset.done $0x0  }
0x8f: {  	[sflag:s19] =	ssyncadd.s32 $0xFFFFE700  }
0x90: {  	[tilespmem:s20], [sflag:$0x4] =	stream.linear.gather [hbm4b:s15+s6], $0x1900, $0x38;
	[tilespmem:$0x1E000] =	vst v63  }
0x91: {  	_ =	swait.ge [sflag:s19], $0x1900  }
0x92: {  	[sflag:s19] =	ssyncset.done $0x0  }
0x93: {  	[sflag:s19] =	ssyncadd.s32 $0xFFFFE700  }
0x94: {  	[tilespmem:s18], [sflag:$0x1] =	stream.indirect.gather [hbm4b:s0+s21], $0x80, s6, s21, $0xb8;
	[tilespmem:$0x1E000] =	vst v63  }
0x95: {  	s2 =	simm.s32 $0x80  }
0x96: {  	[tilespmem:s22], [sflag:$0x2] =	stream.indirect.gather [hbm4b:s0+s21], $0x80, s2, s21, $0xb8;
	[tilespmem:$0x1E000] =	vst v63  }
0x97: {  	_ =	swait.ge [sflag:s23], $0x3200  }
0x98: {  	[sflag:s23] =	ssyncset.done $0x0  }
0x99: {  	s6 =	simm.s32 $0x1C00;
	[sflag:s23] =	ssyncadd.s32 $0xFFFFCE00  }
0x9a: {  	[spmem:s3] =	stream.indirect.scatter.add.f32 [tilespmem:s18], [sflag:$0x3], $0x80, s6, s21, $0xb8;
	[tilespmem:$0x1E000] =	vst v63  }
0x9b: {  	_ =	swait.ge [sflag:s24], $0x3200  }
0x9c: {  	[sflag:s24] =	ssyncset.done $0x0  }
0x9d: {  	s2 =	simm.s32 $0x100;
	[sflag:s24] =	ssyncadd.s32 $0xFFFFCE00  }
0x9e: {  	[tilespmem:s18], [sflag:$0x1] =	stream.indirect.gather [hbm4b:s0+s21], $0x80, s2, s21, $0xb8;
	[tilespmem:$0x1E000] =	vst v63  }
0x9f: {  	_ =	swait.ge [sflag:s25], $0x3200  }
0xa0: {  	[sflag:s25] =	ssyncset.done $0x0  }
0xa1: {  	s6 =	simm.s32 $0x1C80;
	[sflag:s25] =	ssyncadd.s32 $0xFFFFCE00  }
0xa2: {  	[spmem:s3] =	stream.indirect.scatter.add.f32 [tilespmem:s22], [sflag:$0x3], $0x80, s6, s21, $0xb8;
	[tilespmem:$0x1E000] =	vst v63  }
0xa3: {  	_ =	swait.ge [sflag:s24], $0x3200  }
0xa4: {  	s31 =	simm.s32 $0x800;
	s30 =	simm.s32 $0x100;
	[sflag:s24] =	ssyncset.done $0x0  }
.LBB2_6:
0xa5: {  	s1 =	sadd.s32 $0x80, s30  }
0xa6: {  	[sflag:s24] =	ssyncadd.s32 $0xFFFFCE00;
	s2 =	smov.u32 s31;
	s6 =	sadd.s32 $0x400, s31  }
0xa7: {  	[tilespmem:s22], [sflag:$0x2] =	stream.indirect.gather [hbm4b:s0+s21], $0x80, s1, s21, $0xb8;
	[tilespmem:$0x1E000] =	vst v63  }
0xa8: {  	p0 =	sne.s32 s31, $0x5C00;
	_ =	swait.ge [sflag:s23], $0x3200  }
0xa9: {  	[sflag:s23] =	ssyncset.done $0x0  }
0xaa: {  	s1 =	sadd.s32 $0x1C00, s30;
	[sflag:s23] =	ssyncadd.s32 $0xFFFFCE00  }
0xab: {  	[spmem:s3] =	stream.indirect.scatter.add.f32 [tilespmem:s18], [sflag:$0x3], $0x80, s1, s21, $0xb8;
	[tilespmem:$0x1E000] =	vst v63  }
0xac: {  	_ =	swait.ge [sflag:s24], $0x3200  }
0xad: {  	[sflag:s24] =	ssyncset.done $0x0  }
0xae: {  	s1 =	sadd.s32 $0x100, s30;
	[sflag:s24] =	ssyncadd.s32 $0xFFFFCE00  }
0xaf: {  	[tilespmem:s18], [sflag:$0x1] =	stream.indirect.gather [hbm4b:s0+s21], $0x80, s1, s21, $0xb8;
	[tilespmem:$0x1E000] =	vst v63  }
0xb0: {  	_ =	swait.ge [sflag:s25], $0x3200  }
.Ltmp2:
0xb1: {  	[sflag:s25] =	ssyncset.done $0x0;
	(pc) =	sbr.rel @p0 .LBB2_6-.Ltmp2, $4  }
0xb2: {  	s1 =	sadd.s32 $0x1C80, s30;
	[sflag:s25] =	ssyncadd.s32 $0xFFFFCE00  }
0xb3: {  	[spmem:s3] =	stream.indirect.scatter.add.f32 [tilespmem:s22], [sflag:$0x3], $0x80, s1, s21, $0xb8;
	[tilespmem:$0x1E000] =	vst v63  }
0xb4: {  	_ =	swait.ge [sflag:s24], $0x3200  }
0xb5: {  	s31 =	smov.u32 s6;
	s30 =	sshra.s32 s2, $0x2;
	[sflag:s24] =	ssyncset.done $0x0  }
0xb6: {  	s1 =	sadd.s32 $0x80, s30;
	[sflag:s24] =	ssyncadd.s32 $0xFFFFCE00  }
0xb7: {  	[tilespmem:s22], [sflag:$0x2] =	stream.indirect.gather [hbm4b:s0+s21], $0x80, s1, s21, $0xb8;
	[tilespmem:$0x1E000] =	vst v63  }
0xb8: {  	_ =	swait.ge [sflag:s23], $0x3200  }
0xb9: {  	[sflag:s23] =	ssyncset.done $0x0  }
0xba: {  	s2 =	sadd.s32 $0x1C00, s30;
	[sflag:s23] =	ssyncadd.s32 $0xFFFFCE00  }
0xbb: {  	[spmem:s3] =	stream.indirect.scatter.add.f32 [tilespmem:s18], [sflag:$0x3], $0x80, s2, s21, $0xb8;
	[tilespmem:$0x1E000] =	vst v63  }
0xbc: {  	_ =	swait.ge [sflag:s24], $0x3200  }
0xbd: {  	[sflag:s24] =	ssyncset.done $0x0  }
0xbe: {  	s6 =	sadd.s32 $0x100, s30;
	[sflag:s24] =	ssyncadd.s32 $0xFFFFCE00  }
0xbf: {  	[tilespmem:s18], [sflag:$0x1] =	stream.indirect.gather [hbm4b:s0+s21], $0x80, s6, s21, $0xb8;
	[tilespmem:$0x1E000] =	vst v63  }
0xc0: {  	_ =	swait.ge [sflag:s25], $0x3200  }
0xc1: {  	[sflag:s25] =	ssyncset.done $0x0  }
0xc2: {  	s30 =	sadd.s32 $0x1C80, s30;
	[sflag:s25] =	ssyncadd.s32 $0xFFFFCE00  }
0xc3: {  	[spmem:s3] =	stream.indirect.scatter.add.f32 [tilespmem:s22], [sflag:$0x3], $0x80, s30, s21, $0xb8;
	[tilespmem:$0x1E000] =	vst v63  }
0xc4: {  	_ =	swait.ge [sflag:s24], $0x3200  }
0xc5: {  	[sflag:s24] =	ssyncset.done $0x0  }
0xc6: {  	[sflag:s24] =	ssyncadd.s32 $0xFFFFCE00  }
0xc7: {  	[tilespmem:s22], [sflag:$0x2] =	stream.indirect.gather [hbm4b:s0+s21], $0x80, s26, s21, $0xb8;
	[tilespmem:$0x1E000] =	vst v63  }
0xc8: {  	_ =	swait.ge [sflag:s23], $0x3200  }
0xc9: {  	[sflag:s23] =	ssyncset.done $0x0  }
0xca: {  	[sflag:s23] =	ssyncadd.s32 $0xFFFFCE00  }
0xcb: {  	[spmem:s3] =	stream.indirect.scatter.add.f32 [tilespmem:s18], [sflag:$0x3], $0x80, s28, s21, $0xb8;
	[tilespmem:$0x1E000] =	vst v63  }
0xcc: {  	_ =	swait.ge [sflag:s24], $0x3200  }
0xcd: {  	[sflag:s24] =	ssyncset.done $0x0  }
0xce: {  	[sflag:s24] =	ssyncadd.s32 $0xFFFFCE00  }
0xcf: {  	_ =	swait.ge [sflag:s25], $0x3200  }
0xd0: {  	[sflag:s25] =	ssyncset.done $0x0  }
0xd1: {  	[sflag:s25] =	ssyncadd.s32 $0xFFFFCE00  }
0xd2: {  	[spmem:s3] =	stream.indirect.scatter.add.f32 [tilespmem:s22], [sflag:$0x3], $0x80, s29, s21, $0xb8;
	[tilespmem:$0x1E000] =	vst v63  }
0xd3: {  	s31 =	stileid.u32;
	_ =	swait.ge [sflag:s24], $0x3200  }
0xd4: {  	s4 =	sadd.s32 $0x1, s4;
	s1 =	sshll.u32 s31, $0x6;
	[sflag:s24] =	ssyncset.done $0x0  }
0xd5: {  	p0 =	sne.s32 s4, s17;
	s1 =	sor.u32 $0x1C04, s1;
	[sflag:s24] =	ssyncadd.s32 $0xFFFFCE00  }
.Ltmp3:
0xd6: {  	s2 =	sshrl.u32 s5, $0x3;
	[bflag:$0x0] =	sbarrier.arrive $0xFFFF;
	(pc) =	sbr.rel @p0 .LBB2_1-.Ltmp3, $4  }
0xd7: {  	[hbm:s16], [sflag:s1] =	dma.local [spmem:s2], $0x2800  }
0xd8: {  	_ =	swait.ge [sflag:s19], $0x2800  }
0xd9: {  	[sflag:s19] =	ssyncset.done $0x0  }
0xda: {  	[sflag:s19] =	ssyncadd.s32 $0xFFFFD800  }
0xdb: {  	_ =	sfence.sel $0x180000  }
0xdc: {  	[bflag:$0x0] =	sbarrier.arrive $0xFFFF  }
0xdd: {  	_ =	strace $0x9000004A  }
0xde: {  	s0 =	stileid.u32;
	[bflag:$0x2] =	sbarrier.arrive $0xFFFF  }
0xdf: {  	p0 =	sne.s32 s0, $0x0;
	s0 =	rddreg [dreg:$0x3]  }
0xe0: {  	s0 =	sadd.s32 @!p0 $0x100000, s0  }
0xe1: {  	[sflag:s0] =	ssyncadd.tile.s32 @!p0 $0x1;
	_ =	shalt  }
.Lfunc_end2:
_tile_overlayer_lowered:
.L_overlay_start_2:
0xe2: {  	(tag) =	ssettag $0x2  }
0xe3: {  	s0 =	rddreg [dreg:$0x0];
	s2 =	stileid.u32  }
0xe4: {  	s1 =	rddreg [dreg:$0x1];
	p0 =	sne.s32 s2, $0x0  }
0xe5: {  	s3 =	rddreg [dreg:$0x2];
	[bflag:$0x3] =	sbarrier.arrive $0xFFFF;
	s2 =	simm.s32 @!p0 $0x1C04  }
0xe6: {  	[timem:s3], [sflag:s2] =	dma.local @!p0 [hbm:s0], s1  }
0xe7: {  	s0 =	simm.s32 @!p0 $0x4  }
0xe8: {  	_ =	swait.ge @!p0 [sflag:s0], s1  }
0xe9: {  	s1 =	ssub.s32 @!p0 $0x0, s1;
	[sflag:s0] =	ssyncset.done @!p0 $0x0  }
0xea: {  	[sflag:s0] =	ssyncadd.s32 @!p0 s1  }
0xeb: {  	[bflag:$0x3] =	sbarrier.arrive $0xFFFF  }
0xec: {  	_ =	shalt  }

// kernel: kernel.14.cloned.1.call-start
scs
__scs_entry_jumppad:
0x0: {  	(pc) =	sbr.rel $0x88, $3  }
0x1: {  	(tag) =	ssettag $0x0;
	lr =	simm.s32 $0x1  }
0x2: {  	[smem:$0x3F95] =	sst lr;
	_ =	strace $0xD0000000  }
0x3: {  	_ = 	snop  }
0x4: {  	_ = 	snop  }
0x5: {  	_ = 	snop  }
0x6: {  	_ = 	snop  }
0x7: {  	_ = 	snop  }
__scs_overlays_trampoline_lowered:
0x8: {  	[smem:$0x3FA4] =	sst s0  }
0x9: {  	[smem:$0x3FA5] =	sst s1  }
0xa: {  	[smem:$0x3FA6] =	sst s2  }
0xb: {  	[smem:$0x3FA7] =	sst s3  }
0xc: {  	[smem:$0x3FA8] =	sst s4  }
0xd: {  	[smem:$0x3FA9] =	sst s5  }
0xe: {  	[smem:$0x3FAA] =	sst s6  }
0xf: {  	[smem:$0x3FAB] =	sst s7  }
0x10: {  	[smem:$0x3FAC] =	sst s8  }
0x11: {  	[smem:$0x3FAD] =	sst s9;
	s0 =	simm.s32 @!p0 $0x0  }
0x12: {  	s1 =	sld [smem:$0x3F93];
	s0 =	simm.s32 @p0 $0x1  }
0x13: {  	[smem:$0x3FAE] =	sst s0;
	s0 =	simm.s32 @!p1 $0x0  }
0x14: {  	s2 =	sld [smem:$0x3F92];
	s0 =	simm.s32 @p1 $0x1  }
0x15: {  	[smem:$0x3FAF] =	sst s0;
	s0 =	simm.s32 @!p2 $0x0  }
0x16: {  	s3 =	sld [smem:$0x3FDB];
	s0 =	simm.s32 @p2 $0x1  }
0x17: {  	s4 =	simm.s32 $0x1BF5;
	[smem:$0x3FB1] =	sst s0  }
0x18: {  	s0 =	sld [smem:$0x3F94];
	_ =	swait.ge [sflag:s4], $0x0  }
0x19: {  	s7 =	sld [smem:$0x3F95]  }
0x1a: {  	s8 =	sadd.s32 $0xFFFFE003, lr  }
0x1b: {  	s9 =	sadd.s32 $0xFFFFFEF7, lr;
	s5 =	simm.s32 $0xFFFFFFFF;
	p2 =	slt.u32 s8, $0xFFFFF086  }
0x1c: {  	p1 =	slt.u32 s9, $0xF7A;
	s5 =	simm.s32 @!p2 $0x0  }
0x1d: {  	s5 =	simm.s32 @p1 $0x1;
	p0 =	seq.s32 s7, s2  }
0x1e: {  	s7 =	smul.u32 @!p0 $0xF7A, s2;
	p2 =	seq.s32 @!p0 s5, $0x0  }
0x1f: {  	s9 =	smul.u32 $0xF7A, s1;
	s8 =	simm.s32 @!p0 $0x1BF5;
	p2 =	por !p2, p0  }
0x20: {  	[sflag:s8] =	ssyncset.s32 @!p0 $0xFFFFF086;
	s6 =	sadd.s32 @!p0 s3, s7;
	s7 =	simm.s32 @!p0 $0x108  }
0x21: {  	s3 =	sadd.s32 s3, s9;
	s6 =	sadd.s32 @!p0 $0x88, s6;
	s7 =	simm.s32 @p2 $0x1082  }
0x22: {  	[simem:s7], [sflag:s8] =	dma.local @!p0 [hbm:s6], $0xF7A  }
0x23: {  	s9 =	sor.u32 $0xD0000000, s2;
	s6 =	simm.s32 $0x108;
	_ =	swait.ge @!p0 [sflag:s8], $0x0  }
0x24: {  	s3 =	sadd.s32 $0x88, s3;
	s6 =	simm.s32 @!p1 $0x1082;
	[sflag:s4] =	ssyncset.s32 $0xFFFFF086  }
0x25: {  	[simem:s6], [sflag:s4] =	dma.local [hbm:s3], $0xF7A  }
0x26: {  	[smem:$0x3F95] =	sst s1;
	(tag) =	ssettag s2;
	_ =	strace s9  }
0x27: {  	s1 =	sld [smem:$0x3FA5]  }
0x28: {  	s2 =	sld [smem:$0x3FA6]  }
0x29: {  	s4 =	sld [smem:$0x3FA8]  }
0x2a: {  	p0 =	seq.s32 s5, $0x0;
	s5 =	sld [smem:$0x3FA9]  }
0x2b: {  	s6 =	sld [smem:$0x3FAA]  }
0x2c: {  	s7 =	sld [smem:$0x3FAB]  }
0x2d: {  	s3 =	simm.s32 $0x108;
	s8 =	sld [smem:$0x3FAC]  }
0x2e: {  	s3 =	simm.s32 @!p0 $0x1082;
	s9 =	sld [smem:$0x3FAD]  }
0x2f: {  	lr =	sadd.s32 s0, s3;
	s0 =	sld [smem:$0x3FA4]  }
0x30: {  	s3 =	sld [smem:$0x3FA7]  }
0x31: {  	[smem:$0x3FB0] =	sst s10  }
0x32: {  	s10 =	sld [smem:$0x3FAE];
	_ =	sdelay $0x3  }
0x33: {  	p0 =	seq.s32 s10, $0x1;
	s10 =	sld [smem:$0x3FB0];
	_ =	sdelay $0x3  }
0x34: {  	[smem:$0x3FB0] =	sst s10  }
0x35: {  	s10 =	sld [smem:$0x3FAF];
	_ =	sdelay $0x3  }
0x36: {  	p1 =	seq.s32 s10, $0x1;
	s10 =	sld [smem:$0x3FB0];
	_ =	sdelay $0x3  }
0x37: {  	[smem:$0x3FB0] =	sst s10  }
0x38: {  	s10 =	sld [smem:$0x3FB1]  }
0x39: {  	_ = 	snop;
	(pc) =	sbr.ind lr, $3  }
0x3a: {  	_ = 	snop  }
0x3b: {  	_ = 	snop  }
0x3c: {  	p2 =	seq.s32 s10, $0x1;
	s10 =	sld [smem:$0x3FB0]  }
0x3d: {  	_ =	shalt  }
0x3e: {  	_ =	shalt  }
0x3f: {  	_ =	shalt  }
0x40: {  	_ =	shalt  }
0x41: {  	_ =	shalt  }
0x42: {  	_ =	shalt  }
0x43: {  	_ =	shalt  }
0x44: {  	_ =	shalt  }
0x45: {  	_ =	shalt  }
0x46: {  	_ =	shalt  }
0x47: {  	_ =	shalt  }
0x48: {  	_ =	shalt  }
0x49: {  	_ =	shalt  }
0x4a: {  	_ =	shalt  }
0x4b: {  	_ =	shalt  }
0x4c: {  	_ =	shalt  }
0x4d: {  	_ =	shalt  }
0x4e: {  	_ =	shalt  }
0x4f: {  	_ =	shalt  }
0x50: {  	_ =	shalt  }
0x51: {  	_ =	shalt  }
0x52: {  	_ =	shalt  }
0x53: {  	_ =	shalt  }
0x54: {  	_ =	shalt  }
0x55: {  	_ =	shalt  }
0x56: {  	_ =	shalt  }
0x57: {  	_ =	shalt  }
0x58: {  	_ =	shalt  }
0x59: {  	_ =	shalt  }
0x5a: {  	_ =	shalt  }
0x5b: {  	_ =	shalt  }
0x5c: {  	_ =	shalt  }
0x5d: {  	_ =	shalt  }
0x5e: {  	_ =	shalt  }
0x5f: {  	_ =	shalt  }
0x60: {  	_ =	shalt  }
0x61: {  	_ =	shalt  }
0x62: {  	_ =	shalt  }
0x63: {  	_ =	shalt  }
0x64: {  	_ =	shalt  }
0x65: {  	_ =	shalt  }
0x66: {  	_ =	shalt  }
0x67: {  	_ =	shalt  }
0x68: {  	_ =	shalt  }
0x69: {  	_ =	shalt  }
0x6a: {  	_ =	shalt  }
0x6b: {  	_ =	shalt  }
0x6c: {  	_ =	shalt  }
0x6d: {  	_ =	shalt  }
0x6e: {  	_ =	shalt  }
0x6f: {  	_ =	shalt  }
0x70: {  	_ =	shalt  }
0x71: {  	_ =	shalt  }
0x72: {  	_ =	shalt  }
0x73: {  	_ =	shalt  }
0x74: {  	_ =	shalt  }
0x75: {  	_ =	shalt  }
0x76: {  	_ =	shalt  }
0x77: {  	_ =	shalt  }
0x78: {  	_ =	shalt  }
0x79: {  	_ =	shalt  }
0x7a: {  	_ =	shalt  }
0x7b: {  	_ =	shalt  }
0x7c: {  	_ =	shalt  }
0x7d: {  	_ =	shalt  }
0x7e: {  	_ =	shalt  }
0x7f: {  	_ =	shalt  }
0x80: {  	_ =	shalt  }
0x81: {  	_ =	shalt  }
0x82: {  	_ =	shalt  }
0x83: {  	_ =	shalt  }
0x84: {  	_ =	shalt  }
0x85: {  	_ =	shalt  }
0x86: {  	_ =	shalt  }
0x87: {  	_ =	shalt  }
.Lfunc_end0:
.L_simem_size_0:
called_computation.2_lowered:
.L_overlay_start_0:
0x88: {  	s2 =	sld [smem:$0x3FD9]  }
0x89: {  	s3 =	sld [smem:$0x3FFE];
	_ =	sdelay $0x1  }
0x8a: {  	s1 =	srdreg.scid  }
0x8b: {  	s0 =	sand.u32 $0x1, s1  }
0x8c: {  	s17 =	sshll.u32 s0, $0xA;
	s2 =	sadd.s32 s3, s2  }
0x8d: {  	s2 =	sadd.s32 s2, s17  }
0x8e: {  	[smem:$0x3FBC] =	sst s2  }
0x8f: {  	_ = 	snop  }
0x90: {  	s2 =	sld [smem:$0x3FD0];
	(tm) =	ssettm $0x1  }
0x91: {  	s18 =	sld [smem:$0x3FFB];
	_ =	sdelay $0x3  }
0x92: {  	_ =	strace s18  }
0x93: {  	s3 =	sld [smem:$0x3FFC];
	_ =	sdelay $0x3  }
0x94: {  	_ =	strace s3  }
0x95: {  	s3 =	sld [smem:$0x3FFD];
	_ =	sdelay $0x3  }
0x96: {  	_ =	strace s3  }
0x97: {  	_ =	strace $0x8FFFFFFF  }
0x98: {  	s19 =	sld [smem:$0x3FDB];
	_ =	sdelay $0x1  }
0x99: {  	s4 =	simm.s32 $_scs_section_size  }
0x9a: {  	s5 =	simm.s32 $_size__tile_overlayer_lowered;
	s6 =	simm.s32 $_tile_overlayer_lowered  }
0x9b: {  	s22 =	simm.s32 $0x1BFF;
	s21 =	sshll.u32 s6, $0x1;
	s3 =	sadd.s32 s4, s19  }
0x9c: {  	s7 =	simm.s32 $0x0;
	s20 =	sshll.u32 s5, $0x1;
	s5 =	sadd.s32 s21, s3  }
0x9d: {  	[timem:s7], [sflag:s22] =	dma.local [hbm:s5], s20  }
0x9e: {  	_ =	swait.ge [sflag:s22], s20  }
0x9f: {  	s4 =	ssub.s32 $0x0, s20;
	[sflag:s22] =	ssyncset.done $0x0  }
0xa0: {  	[sflag:s22] =	ssyncadd.s32 s4;
	_ =	sdelay $0x1  }
0xa1: {  	s23 =	simm.s32 $0x1B8B  }
0xa2: {  	_ =	swait.ge [sflag:s23], $0x1  }
0xa3: {  	[sflag:s23] =	ssyncset.done $0x0  }
0xa4: {  	s25 =	simm.s32 $0x1B8E;
	s24 =	sld [smem:$0x3FFE];
	[sflag:s23] =	ssyncadd.s32 $0xFFFFFFFF  }
0xa5: {  	s26 =	simm.s32 $execute0_lowered;
	[smem:$0x3FD2] =	sst s25  }
0xa6: {  	s5 =	sshll.u32 s26, $0x1;
	_ =	strace $0x8000004C;
	[dreg:$0x1] =	wrdreg $0xFFFFFFFF  }
0xa7: {  	s28 =	simm.s32 $_size_execute0_lowered;
	s3 =	sadd.s32 s3, s5;
	[dreg:$0x0] =	wrdreg $0x0  }
0xa8: {  	s5 =	sshll.u32 s28, $0x1;
	[dreg:$0x2] =	wrdreg s3  }
0xa9: {  	[dreg:$0x3] =	wrdreg s5  }
0xaa: {  	[dreg:$0x4] =	wrdreg $0xC0  }
0xab: {  	_ =	task [dreg:s7], $0x5FFFF  }
0xac: {  	[dreg:$0x1] =	wrdreg $0xFFFFFFFF  }
0xad: {  	[dreg:$0x0] =	wrdreg $0x60  }
0xae: {  	[dreg:$0x2] =	wrdreg s2  }
0xaf: {  	[dreg:$0x3] =	wrdreg s24  }
0xb0: {  	[dreg:$0x4] =	wrdreg $0xA0000  }
0xb1: {  	[dreg:$0x5] =	wrdreg $0x9  }
0xb2: {  	_ =	task.clear_ibuf [dreg:s7], $0x6FFFF;
	_ =	strace $0x9000004C  }
0xb3: {  	s29 =	simm.s32 $0x9;
	_ =	strace $0x8000004E  }
0xb4: {  	_ =	swait.ge [sflag:s29], $0x1  }
0xb5: {  	[sflag:s29] =	ssyncadd.s32 $0xFFFFFFFF  }
0xb6: {  	_ =	strace $0x9000004E  }
0xb7: {  	_ =	sfence  }
0xb8: {  	s30 =	sld [smem:$0x0];
	_ =	sdelay $0x2  }
0xb9: {  	s31 =	sshll.u32 s1, $0xD;
	s1 =	sshrl.u32 s1, $0x2  }
0xba: {  	s3 =	sand.u32 $0x4000, s31;
	s1 =	sadd.s32 s1, s30  }
0xbb: {  	s0 =	sor.u32 s3, s0;
	s1 =	sshll.u32 s1, $0x11  }
0xbc: {  	s0 =	sor.u32 s1, s0  }
0xbd: {  	s0 =	sadd.s32 $0x8F2B, s0  }
0xbe: {  	[sflag:s0] =	ssyncadd.remote.s32 $0x1  }
0xbf: {  	_ =	sfence.sel $0xFFFF  }
0xc0: {  	[dreg:$0x0] =	wrdreg $0xFFFFFFFF;
	(pc) =	sbr.abs _section_cstart, $3  }
0xc1: {  	[dreg:$0x1] =	wrdreg $0xFFFFFFFF  }
0xc2: {  	_ =	task.clear_ibuf [dreg:s7], $0x2FFFF;
	_ =	strace $0x9FFFFFFF  }
0xc3: {  	(tm) =	ssettm $0x7FFFFFFF  }
tec
execute0_lowered:
.L_overlay_start_1:
0x0: {  	(tag) =	ssettag $0x1  }
0x1: {  	s0 =	rddreg [dreg:$0x0]  }
0x2: {  	s5 =	rddreg [dreg:$0x1];
	s1 =	srdreg.scid  }
0x3: {  	s3 =	rddreg [dreg:$0x2];
	s23 =	stileid.u32  }
0x4: {  	s4 =	simm.s32 $0x0;
	s19 =	simm.s32 $0x4;
	s20 =	simm.s32 $0x1C00  }
0x5: {  	s21 =	simm.s32 $0x64;
	s22 =	simm.s32 $0x6C00;
	s28 =	simm.s32 $0x3400  }
0x6: {  	s29 =	simm.s32 $0x3480;
	s6 =	sand.u32 $0x1, s1;
	s8 =	smul.u32 $0x14000, s23  }
0x7: {  	[smem:$0x7FF] =	sst s4;
	s14 =	sadd.s32 $0x61600, s5;
	s9 =	smul.u32 $0x50000, s23  }
0x8: {  	s15 =	sadd.s32 $0x3600, s5;
	s30 =	sshll.u32 s23, $0x2;
	s23 =	simm.s32 $0x1  }
0x9: {  	s7 =	smul.u32 $0x140000, s6;
	s24 =	ssub.s32 $0x2, s6;
	s6 =	sshll.u32 s6, $0x1  }
0xa: {  	_ =	strace $0x8000004D;
	s25 =	sshrl.u32 s24, $0x1;
	s10 =	sor.u32 s6, s30  }
0xb: {  	s26 =	sshrl.u32 s9, $0x2;
	s7 =	sadd.s32 s8, s7;
	s12 =	smul.u32 $0x1C00, s10  }
0xc: {  	s17 =	ssub.s32 s24, s25;
	s13 =	smul.u32 $0x380, s10;
	s24 =	simm.s32 $0x3  }
0xd: {  	s25 =	simm.s32 $0x2;
	s7 =	sshrl.u32 s7, $0x3;
	s17 =	smax.u32 s17, $0x1  }
0xe: {  	s16 =	sadd.s32 s7, s5;
	s5 =	sadd.s32 s26, s3;
	s18 =	sshrl.u32 s12, $0x3  }
0xf: {  	s12 =	sadd.s32 s14, s13;
	s13 =	sadd.s32 s15, s13;
	s26 =	simm.s32 $0x1880  }
0x10: {  	s31 =	sadd.s32 $0x3200, s5;
	s7 =	sadd.s32 $0x6400, s5;
	s8 =	sadd.s32 $0x9600, s5  }
0x11: {  	s9 =	sadd.s32 $0xC800, s5;
	s10 =	sadd.s32 $0xFA00, s5;
	s11 =	sadd.s32 $0x12C00, s5  }
0x12: {  	s18 =	sadd.s32 $0x380, s18;
	s16 =	sadd.s32 $0x11600, s16;
	[dreg:$0x4] =	wrdreg s31  }
0x13: {  	v0 =	vimm.f32 $0.0e+00;
	s14 =	sadd.s32 s14, s18;
	s15 =	sadd.s32 s15, s18;
	s18 =	simm.s32 $0x3800  }
.LBB2_1:
0x14: {  	s30 =	simm.s32 $0x0;
	s31 =	simm.s32 $0x200  }
.LBB2_2:
0x15: {  	p0 =	sne.s32 s31, $0xC600;
	[tilespmem:s30+$0x3870] =	vst v0  }
0x16: {  	[tilespmem:s30+$0x3800] =	vst v0  }
0x17: {  	[tilespmem:s30+$0x3810] =	vst v0  }
.Ltmp0:
0x18: {  	[tilespmem:s30+$0x3820] =	vst v0;
	(pc) =	sbr.rel @p0 .LBB2_2-.Ltmp0, $4  }
0x19: {  	[tilespmem:s30+$0x3830] =	vst v0  }
0x1a: {  	[tilespmem:s30+$0x3840] =	vst v0  }
0x1b: {  	[tilespmem:s30+$0x3850] =	vst v0  }
0x1c: {  	[tilespmem:s30+$0x3860] =	vst v0;
	s30 =	sshra.s32 s31, $0x2;
	s31 =	sadd.s32 $0x200, s31  }
0x1d: {  	[tilespmem:s30+$0x3870] =	vst v0  }
0x1e: {  	[tilespmem:s30+$0x3800] =	vst v0  }
0x1f: {  	[tilespmem:s30+$0x3810] =	vst v0  }
0x20: {  	[tilespmem:s30+$0x3820] =	vst v0  }
0x21: {  	[tilespmem:s30+$0x3830] =	vst v0  }
0x22: {  	[tilespmem:s30+$0x3840] =	vst v0  }
0x23: {  	[tilespmem:s30+$0x3850] =	vst v0  }
0x24: {  	[tilespmem:s30+$0x3860] =	vst v0  }
0x25: {  	[spmem:s5] =	stream.linear.scatter [tilespmem:s18], [sflag:$0x4], $0x3200, $0x38;
	[tilespmem:$0x1E000] =	vst v63  }
0x26: {  	_ =	swait.ge [sflag:s19], $0x3200  }
0x27: {  	[sflag:s19] =	ssyncset.done $0x0  }
0x28: {  	s1 =	rddreg [dreg:$0x4];
	[sflag:s19] =	ssyncadd.s32 $0xFFFFCE00  }
0x29: {  	[spmem:s1] =	stream.linear.scatter [tilespmem:s18], [sflag:$0x4], $0x3200, $0x38;
	[tilespmem:$0x1E000] =	vst v63  }
0x2a: {  	_ =	swait.ge [sflag:s19], $0x3200  }
0x2b: {  	[sflag:s19] =	ssyncset.done $0x0  }
0x2c: {  	[sflag:s19] =	ssyncadd.s32 $0xFFFFCE00  }
0x2d: {  	[spmem:s7] =	stream.linear.scatter [tilespmem:s18], [sflag:$0x4], $0x3200, $0x38;
	[tilespmem:$0x1E000] =	vst v63  }
0x2e: {  	_ =	swait.ge [sflag:s19], $0x3200  }
0x2f: {  	[sflag:s19] =	ssyncset.done $0x0  }
0x30: {  	[sflag:s19] =	ssyncadd.s32 $0xFFFFCE00  }
0x31: {  	[spmem:s8] =	stream.linear.scatter [tilespmem:s18], [sflag:$0x4], $0x3200, $0x38;
	[tilespmem:$0x1E000] =	vst v63  }
0x32: {  	_ =	swait.ge [sflag:s19], $0x3200  }
0x33: {  	[sflag:s19] =	ssyncset.done $0x0  }
0x34: {  	[sflag:s19] =	ssyncadd.s32 $0xFFFFCE00  }
0x35: {  	[spmem:s9] =	stream.linear.scatter [tilespmem:s18], [sflag:$0x4], $0x3200, $0x38;
	[tilespmem:$0x1E000] =	vst v63  }
0x36: {  	_ =	swait.ge [sflag:s19], $0x3200  }
0x37: {  	[sflag:s19] =	ssyncset.done $0x0  }
0x38: {  	[sflag:s19] =	ssyncadd.s32 $0xFFFFCE00  }
0x39: {  	[spmem:s10] =	stream.linear.scatter [tilespmem:s18], [sflag:$0x4], $0x3200, $0x38;
	[tilespmem:$0x1E000] =	vst v63  }
0x3a: {  	_ =	swait.ge [sflag:s19], $0x3200  }
0x3b: {  	[sflag:s19] =	ssyncset.done $0x0  }
0x3c: {  	[sflag:s19] =	ssyncadd.s32 $0xFFFFCE00  }
0x3d: {  	[spmem:s11] =	stream.linear.scatter [tilespmem:s18], [sflag:$0x4], $0x1400, $0x38;
	[tilespmem:$0x1E000] =	vst v63  }
0x3e: {  	_ =	swait.ge [sflag:s19], $0x1400  }
0x3f: {  	[sflag:s19] =	ssyncset.done $0x0  }
0x40: {  	[sflag:s19] =	ssyncadd.s32 $0xFFFFEC00  }
0x41: {  	s30 =	simm.s32 $0x0;
	[bflag:$0x0] =	sbarrier.arrive $0xFFFF  }
0x42: {  	[tilespmem:s30], [sflag:$0x4] =	stream.linear.gather [hbm4b:s12+s30], $0x1900, $0x38;
	[tilespmem:$0x1E000] =	vst v63  }
0x43: {  	_ =	swait.ge [sflag:s19], $0x1900  }
0x44: {  	[sflag:s19] =	ssyncset.done $0x0  }
0x45: {  	[sflag:s19] =	ssyncadd.s32 $0xFFFFE700  }
0x46: {  	[tilespmem:s20], [sflag:$0x4] =	stream.linear.gather [hbm4b:s13+s30], $0x1900, $0x38;
	[tilespmem:$0x1E000] =	vst v63  }
0x47: {  	_ =	swait.ge [sflag:s19], $0x1900  }
0x48: {  	[sflag:s19] =	ssyncset.done $0x0  }
0x49: {  	[sflag:s19] =	ssyncadd.s32 $0xFFFFE700  }
0x4a: {  	[tilespmem:s18], [sflag:$0x1] =	stream.indirect.gather [hbm4b:s0+s21], $0x80, s30, s21, $0xb8;
	[tilespmem:$0x1E000] =	vst v63  }
0x4b: {  	s30 =	simm.s32 $0x80  }
0x4c: {  	[tilespmem:s22], [sflag:$0x2] =	stream.indirect.gather [hbm4b:s0+s21], $0x80, s30, s21, $0xb8;
	[tilespmem:$0x1E000] =	vst v63  }
0x4d: {  	_ =	swait.ge [sflag:s23], $0x3200  }
0x4e: {  	[sflag:s23] =	ssyncset.done $0x0  }
0x4f: {  	s30 =	simm.s32 $0x1C00;
	[sflag:s23] =	ssyncadd.s32 $0xFFFFCE00  }
0x50: {  	[spmem:s3] =	stream.indirect.scatter.add.f32 [tilespmem:s18], [sflag:$0x3], $0x80, s30, s21, $0xb8;
	[tilespmem:$0x1E000] =	vst v63  }
0x51: {  	_ =	swait.ge [sflag:s24], $0x3200  }
0x52: {  	[sflag:s24] =	ssyncset.done $0x0  }
0x53: {  	s30 =	simm.s32 $0x100;
	[sflag:s24] =	ssyncadd.s32 $0xFFFFCE00  }
0x54: {  	[tilespmem:s18], [sflag:$0x1] =	stream.indirect.gather [hbm4b:s0+s21], $0x80, s30, s21, $0xb8;
	[tilespmem:$0x1E000] =	vst v63  }
0x55: {  	_ =	swait.ge [sflag:s25], $0x3200  }
0x56: {  	[sflag:s25] =	ssyncset.done $0x0  }
0x57: {  	s30 =	simm.s32 $0x1C80;
	[sflag:s25] =	ssyncadd.s32 $0xFFFFCE00  }
0x58: {  	[spmem:s3] =	stream.indirect.scatter.add.f32 [tilespmem:s22], [sflag:$0x3], $0x80, s30, s21, $0xb8;
	[tilespmem:$0x1E000] =	vst v63  }
0x59: {  	_ =	swait.ge [sflag:s24], $0x3200  }
0x5a: {  	s31 =	simm.s32 $0x800;
	s30 =	simm.s32 $0x100;
	[sflag:s24] =	ssyncset.done $0x0  }
.LBB2_4:
0x5b: {  	s1 =	sadd.s32 $0x80, s30  }
0x5c: {  	[sflag:s24] =	ssyncadd.s32 $0xFFFFCE00;
	s2 =	smov.u32 s31;
	s6 =	sadd.s32 $0x400, s31  }
0x5d: {  	[tilespmem:s22], [sflag:$0x2] =	stream.indirect.gather [hbm4b:s0+s21], $0x80, s1, s21, $0xb8;
	[tilespmem:$0x1E000] =	vst v63  }
0x5e: {  	p0 =	sne.s32 s31, $0x5C00;
	_ =	swait.ge [sflag:s23], $0x3200  }
0x5f: {  	[sflag:s23] =	ssyncset.done $0x0  }
0x60: {  	s1 =	sadd.s32 $0x1C00, s30;
	[sflag:s23] =	ssyncadd.s32 $0xFFFFCE00  }
0x61: {  	[spmem:s3] =	stream.indirect.scatter.add.f32 [tilespmem:s18], [sflag:$0x3], $0x80, s1, s21, $0xb8;
	[tilespmem:$0x1E000] =	vst v63  }
0x62: {  	_ =	swait.ge [sflag:s24], $0x3200  }
0x63: {  	[sflag:s24] =	ssyncset.done $0x0  }
0x64: {  	s1 =	sadd.s32 $0x100, s30;
	[sflag:s24] =	ssyncadd.s32 $0xFFFFCE00  }
0x65: {  	[tilespmem:s18], [sflag:$0x1] =	stream.indirect.gather [hbm4b:s0+s21], $0x80, s1, s21, $0xb8;
	[tilespmem:$0x1E000] =	vst v63  }
0x66: {  	_ =	swait.ge [sflag:s25], $0x3200  }
.Ltmp1:
0x67: {  	[sflag:s25] =	ssyncset.done $0x0;
	(pc) =	sbr.rel @p0 .LBB2_4-.Ltmp1, $4  }
0x68: {  	s1 =	sadd.s32 $0x1C80, s30;
	[sflag:s25] =	ssyncadd.s32 $0xFFFFCE00  }
0x69: {  	[spmem:s3] =	stream.indirect.scatter.add.f32 [tilespmem:s22], [sflag:$0x3], $0x80, s1, s21, $0xb8;
	[tilespmem:$0x1E000] =	vst v63  }
0x6a: {  	_ =	swait.ge [sflag:s24], $0x3200  }
0x6b: {  	s31 =	smov.u32 s6;
	s30 =	sshra.s32 s2, $0x2;
	[sflag:s24] =	ssyncset.done $0x0  }
0x6c: {  	s1 =	sadd.s32 $0x80, s30;
	[sflag:s24] =	ssyncadd.s32 $0xFFFFCE00  }
0x6d: {  	[tilespmem:s22], [sflag:$0x2] =	stream.indirect.gather [hbm4b:s0+s21], $0x80, s1, s21, $0xb8;
	[tilespmem:$0x1E000] =	vst v63  }
0x6e: {  	_ =	swait.ge [sflag:s23], $0x3200  }
0x6f: {  	[sflag:s23] =	ssyncset.done $0x0  }
0x70: {  	s2 =	sadd.s32 $0x1C00, s30;
	[sflag:s23] =	ssyncadd.s32 $0xFFFFCE00  }
0x71: {  	[spmem:s3] =	stream.indirect.scatter.add.f32 [tilespmem:s18], [sflag:$0x3], $0x80, s2, s21, $0xb8;
	[tilespmem:$0x1E000] =	vst v63  }
0x72: {  	_ =	swait.ge [sflag:s24], $0x3200  }
0x73: {  	[sflag:s24] =	ssyncset.done $0x0  }
0x74: {  	s6 =	sadd.s32 $0x100, s30;
	[sflag:s24] =	ssyncadd.s32 $0xFFFFCE00  }
0x75: {  	[tilespmem:s18], [sflag:$0x1] =	stream.indirect.gather [hbm4b:s0+s21], $0x80, s6, s21, $0xb8;
	[tilespmem:$0x1E000] =	vst v63  }
0x76: {  	_ =	swait.ge [sflag:s25], $0x3200  }
0x77: {  	[sflag:s25] =	ssyncset.done $0x0  }
0x78: {  	s2 =	sadd.s32 $0x1C80, s30;
	[sflag:s25] =	ssyncadd.s32 $0xFFFFCE00  }
0x79: {  	[spmem:s3] =	stream.indirect.scatter.add.f32 [tilespmem:s22], [sflag:$0x3], $0x80, s2, s21, $0xb8;
	[tilespmem:$0x1E000] =	vst v63  }
0x7a: {  	_ =	swait.ge [sflag:s24], $0x3200  }
0x7b: {  	[sflag:s24] =	ssyncset.done $0x0  }
0x7c: {  	[sflag:s24] =	ssyncadd.s32 $0xFFFFCE00  }
0x7d: {  	[tilespmem:s22], [sflag:$0x2] =	stream.indirect.gather [hbm4b:s0+s21], $0x80, s26, s21, $0xb8;
	[tilespmem:$0x1E000] =	vst v63  }
0x7e: {  	_ =	swait.ge [sflag:s23], $0x3200  }
0x7f: {  	[sflag:s23] =	ssyncset.done $0x0  }
0x80: {  	[sflag:s23] =	ssyncadd.s32 $0xFFFFCE00  }
0x81: {  	[spmem:s3] =	stream.indirect.scatter.add.f32 [tilespmem:s18], [sflag:$0x3], $0x80, s28, s21, $0xb8;
	[tilespmem:$0x1E000] =	vst v63  }
0x82: {  	_ =	swait.ge [sflag:s24], $0x3200  }
0x83: {  	[sflag:s24] =	ssyncset.done $0x0  }
0x84: {  	[sflag:s24] =	ssyncadd.s32 $0xFFFFCE00  }
0x85: {  	_ =	swait.ge [sflag:s25], $0x3200  }
0x86: {  	[sflag:s25] =	ssyncset.done $0x0  }
0x87: {  	[sflag:s25] =	ssyncadd.s32 $0xFFFFCE00  }
0x88: {  	[spmem:s3] =	stream.indirect.scatter.add.f32 [tilespmem:s22], [sflag:$0x3], $0x80, s29, s21, $0xb8;
	[tilespmem:$0x1E000] =	vst v63  }
0x89: {  	_ =	swait.ge [sflag:s24], $0x3200  }
0x8a: {  	[sflag:s24] =	ssyncset.done $0x0  }
0x8b: {  	s6 =	simm.s32 $0x0;
	[sflag:s24] =	ssyncadd.s32 $0xFFFFCE00  }
0x8c: {  	[tilespmem:s6], [sflag:$0x4] =	stream.linear.gather [hbm4b:s14+s6], $0x1900, $0x38;
	[tilespmem:$0x1E000] =	vst v63  }
0x8d: {  	_ =	swait.ge [sflag:s19], $0x1900  }
0x8e: {  	[sflag:s19] =	ssyncset.done $0x0  }
0x8f: {  	[sflag:s19] =	ssyncadd.s32 $0xFFFFE700  }
0x90: {  	[tilespmem:s20], [sflag:$0x4] =	stream.linear.gather [hbm4b:s15+s6], $0x1900, $0x38;
	[tilespmem:$0x1E000] =	vst v63  }
0x91: {  	_ =	swait.ge [sflag:s19], $0x1900  }
0x92: {  	[sflag:s19] =	ssyncset.done $0x0  }
0x93: {  	[sflag:s19] =	ssyncadd.s32 $0xFFFFE700  }
0x94: {  	[tilespmem:s18], [sflag:$0x1] =	stream.indirect.gather [hbm4b:s0+s21], $0x80, s6, s21, $0xb8;
	[tilespmem:$0x1E000] =	vst v63  }
0x95: {  	s2 =	simm.s32 $0x80  }
0x96: {  	[tilespmem:s22], [sflag:$0x2] =	stream.indirect.gather [hbm4b:s0+s21], $0x80, s2, s21, $0xb8;
	[tilespmem:$0x1E000] =	vst v63  }
0x97: {  	_ =	swait.ge [sflag:s23], $0x3200  }
0x98: {  	[sflag:s23] =	ssyncset.done $0x0  }
0x99: {  	s6 =	simm.s32 $0x1C00;
	[sflag:s23] =	ssyncadd.s32 $0xFFFFCE00  }
0x9a: {  	[spmem:s3] =	stream.indirect.scatter.add.f32 [tilespmem:s18], [sflag:$0x3], $0x80, s6, s21, $0xb8;
	[tilespmem:$0x1E000] =	vst v63  }
0x9b: {  	_ =	swait.ge [sflag:s24], $0x3200  }
0x9c: {  	[sflag:s24] =	ssyncset.done $0x0  }
0x9d: {  	s2 =	simm.s32 $0x100;
	[sflag:s24] =	ssyncadd.s32 $0xFFFFCE00  }
0x9e: {  	[tilespmem:s18], [sflag:$0x1] =	stream.indirect.gather [hbm4b:s0+s21], $0x80, s2, s21, $0xb8;
	[tilespmem:$0x1E000] =	vst v63  }
0x9f: {  	_ =	swait.ge [sflag:s25], $0x3200  }
0xa0: {  	[sflag:s25] =	ssyncset.done $0x0  }
0xa1: {  	s6 =	simm.s32 $0x1C80;
	[sflag:s25] =	ssyncadd.s32 $0xFFFFCE00  }
0xa2: {  	[spmem:s3] =	stream.indirect.scatter.add.f32 [tilespmem:s22], [sflag:$0x3], $0x80, s6, s21, $0xb8;
	[tilespmem:$0x1E000] =	vst v63  }
0xa3: {  	_ =	swait.ge [sflag:s24], $0x3200  }
0xa4: {  	s31 =	simm.s32 $0x800;
	s30 =	simm.s32 $0x100;
	[sflag:s24] =	ssyncset.done $0x0  }
.LBB2_6:
0xa5: {  	s1 =	sadd.s32 $0x80, s30  }
0xa6: {  	[sflag:s24] =	ssyncadd.s32 $0xFFFFCE00;
	s2 =	smov.u32 s31;
	s6 =	sadd.s32 $0x400, s31  }
0xa7: {  	[tilespmem:s22], [sflag:$0x2] =	stream.indirect.gather [hbm4b:s0+s21], $0x80, s1, s21, $0xb8;
	[tilespmem:$0x1E000] =	vst v63  }
0xa8: {  	p0 =	sne.s32 s31, $0x5C00;
	_ =	swait.ge [sflag:s23], $0x3200  }
0xa9: {  	[sflag:s23] =	ssyncset.done $0x0  }
0xaa: {  	s1 =	sadd.s32 $0x1C00, s30;
	[sflag:s23] =	ssyncadd.s32 $0xFFFFCE00  }
0xab: {  	[spmem:s3] =	stream.indirect.scatter.add.f32 [tilespmem:s18], [sflag:$0x3], $0x80, s1, s21, $0xb8;
	[tilespmem:$0x1E000] =	vst v63  }
0xac: {  	_ =	swait.ge [sflag:s24], $0x3200  }
0xad: {  	[sflag:s24] =	ssyncset.done $0x0  }
0xae: {  	s1 =	sadd.s32 $0x100, s30;
	[sflag:s24] =	ssyncadd.s32 $0xFFFFCE00  }
0xaf: {  	[tilespmem:s18], [sflag:$0x1] =	stream.indirect.gather [hbm4b:s0+s21], $0x80, s1, s21, $0xb8;
	[tilespmem:$0x1E000] =	vst v63  }
0xb0: {  	_ =	swait.ge [sflag:s25], $0x3200  }
.Ltmp2:
0xb1: {  	[sflag:s25] =	ssyncset.done $0x0;
	(pc) =	sbr.rel @p0 .LBB2_6-.Ltmp2, $4  }
0xb2: {  	s1 =	sadd.s32 $0x1C80, s30;
	[sflag:s25] =	ssyncadd.s32 $0xFFFFCE00  }
0xb3: {  	[spmem:s3] =	stream.indirect.scatter.add.f32 [tilespmem:s22], [sflag:$0x3], $0x80, s1, s21, $0xb8;
	[tilespmem:$0x1E000] =	vst v63  }
0xb4: {  	_ =	swait.ge [sflag:s24], $0x3200  }
0xb5: {  	s31 =	smov.u32 s6;
	s30 =	sshra.s32 s2, $0x2;
	[sflag:s24] =	ssyncset.done $0x0  }
0xb6: {  	s1 =	sadd.s32 $0x80, s30;
	[sflag:s24] =	ssyncadd.s32 $0xFFFFCE00  }
0xb7: {  	[tilespmem:s22], [sflag:$0x2] =	stream.indirect.gather [hbm4b:s0+s21], $0x80, s1, s21, $0xb8;
	[tilespmem:$0x1E000] =	vst v63  }
0xb8: {  	_ =	swait.ge [sflag:s23], $0x3200  }
0xb9: {  	[sflag:s23] =	ssyncset.done $0x0  }
0xba: {  	s2 =	sadd.s32 $0x1C00, s30;
	[sflag:s23] =	ssyncadd.s32 $0xFFFFCE00  }
0xbb: {  	[spmem:s3] =	stream.indirect.scatter.add.f32 [tilespmem:s18], [sflag:$0x3], $0x80, s2, s21, $0xb8;
	[tilespmem:$0x1E000] =	vst v63  }
0xbc: {  	_ =	swait.ge [sflag:s24], $0x3200  }
0xbd: {  	[sflag:s24] =	ssyncset.done $0x0  }
0xbe: {  	s6 =	sadd.s32 $0x100, s30;
	[sflag:s24] =	ssyncadd.s32 $0xFFFFCE00  }
0xbf: {  	[tilespmem:s18], [sflag:$0x1] =	stream.indirect.gather [hbm4b:s0+s21], $0x80, s6, s21, $0xb8;
	[tilespmem:$0x1E000] =	vst v63  }
0xc0: {  	_ =	swait.ge [sflag:s25], $0x3200  }
0xc1: {  	[sflag:s25] =	ssyncset.done $0x0  }
0xc2: {  	s30 =	sadd.s32 $0x1C80, s30;
	[sflag:s25] =	ssyncadd.s32 $0xFFFFCE00  }
0xc3: {  	[spmem:s3] =	stream.indirect.scatter.add.f32 [tilespmem:s22], [sflag:$0x3], $0x80, s30, s21, $0xb8;
	[tilespmem:$0x1E000] =	vst v63  }
0xc4: {  	_ =	swait.ge [sflag:s24], $0x3200  }
0xc5: {  	[sflag:s24] =	ssyncset.done $0x0  }
0xc6: {  	[sflag:s24] =	ssyncadd.s32 $0xFFFFCE00  }
0xc7: {  	[tilespmem:s22], [sflag:$0x2] =	stream.indirect.gather [hbm4b:s0+s21], $0x80, s26, s21, $0xb8;
	[tilespmem:$0x1E000] =	vst v63  }
0xc8: {  	_ =	swait.ge [sflag:s23], $0x3200  }
0xc9: {  	[sflag:s23] =	ssyncset.done $0x0  }
0xca: {  	[sflag:s23] =	ssyncadd.s32 $0xFFFFCE00  }
0xcb: {  	[spmem:s3] =	stream.indirect.scatter.add.f32 [tilespmem:s18], [sflag:$0x3], $0x80, s28, s21, $0xb8;
	[tilespmem:$0x1E000] =	vst v63  }
0xcc: {  	_ =	swait.ge [sflag:s24], $0x3200  }
0xcd: {  	[sflag:s24] =	ssyncset.done $0x0  }
0xce: {  	[sflag:s24] =	ssyncadd.s32 $0xFFFFCE00  }
0xcf: {  	_ =	swait.ge [sflag:s25], $0x3200  }
0xd0: {  	[sflag:s25] =	ssyncset.done $0x0  }
0xd1: {  	[sflag:s25] =	ssyncadd.s32 $0xFFFFCE00  }
0xd2: {  	[spmem:s3] =	stream.indirect.scatter.add.f32 [tilespmem:s22], [sflag:$0x3], $0x80, s29, s21, $0xb8;
	[tilespmem:$0x1E000] =	vst v63  }
0xd3: {  	s31 =	stileid.u32;
	_ =	swait.ge [sflag:s24], $0x3200  }
0xd4: {  	s4 =	sadd.s32 $0x1, s4;
	s1 =	sshll.u32 s31, $0x6;
	[sflag:s24] =	ssyncset.done $0x0  }
0xd5: {  	p0 =	sne.s32 s4, s17;
	s1 =	sor.u32 $0x1C04, s1;
	[sflag:s24] =	ssyncadd.s32 $0xFFFFCE00  }
.Ltmp3:
0xd6: {  	s2 =	sshrl.u32 s5, $0x3;
	[bflag:$0x0] =	sbarrier.arrive $0xFFFF;
	(pc) =	sbr.rel @p0 .LBB2_1-.Ltmp3, $4  }
0xd7: {  	[hbm:s16], [sflag:s1] =	dma.local [spmem:s2], $0x2800  }
0xd8: {  	_ =	swait.ge [sflag:s19], $0x2800  }
0xd9: {  	[sflag:s19] =	ssyncset.done $0x0  }
0xda: {  	[sflag:s19] =	ssyncadd.s32 $0xFFFFD800  }
0xdb: {  	_ =	sfence.sel $0x180000  }
0xdc: {  	[bflag:$0x0] =	sbarrier.arrive $0xFFFF  }
0xdd: {  	_ =	strace $0x9000004D  }
0xde: {  	s0 =	stileid.u32;
	[bflag:$0x2] =	sbarrier.arrive $0xFFFF  }
0xdf: {  	p0 =	sne.s32 s0, $0x0;
	s0 =	rddreg [dreg:$0x3]  }
0xe0: {  	s0 =	sadd.s32 @!p0 $0x100000, s0  }
0xe1: {  	[sflag:s0] =	ssyncadd.tile.s32 @!p0 $0x1;
	_ =	shalt  }
.Lfunc_end2:
_tile_overlayer_lowered:
.L_overlay_start_2:
0xe2: {  	(tag) =	ssettag $0x2  }
0xe3: {  	s0 =	rddreg [dreg:$0x0];
	s2 =	stileid.u32  }
0xe4: {  	s1 =	rddreg [dreg:$0x1];
	p0 =	sne.s32 s2, $0x0  }
0xe5: {  	s3 =	rddreg [dreg:$0x2];
	[bflag:$0x3] =	sbarrier.arrive $0xFFFF;
	s2 =	simm.s32 @!p0 $0x1C04  }
0xe6: {  	[timem:s3], [sflag:s2] =	dma.local @!p0 [hbm:s0], s1  }
0xe7: {  	s0 =	simm.s32 @!p0 $0x4  }
0xe8: {  	_ =	swait.ge @!p0 [sflag:s0], s1  }
0xe9: {  	s1 =	ssub.s32 @!p0 $0x0, s1;
	[sflag:s0] =	ssyncset.done @!p0 $0x0  }
0xea: {  	[sflag:s0] =	ssyncadd.s32 @!p0 s1  }
0xeb: {  	[bflag:$0x3] =	sbarrier.arrive $0xFFFF  }
0xec: {  	_ =	shalt  }

// kernel: kernel.8.cloned.1.call-start
scs
__scs_entry_jumppad:
0x0: {  	(pc) =	sbr.rel $0x88, $3  }
0x1: {  	(tag) =	ssettag $0x0;
	lr =	simm.s32 $0x1  }
0x2: {  	[smem:$0x3F95] =	sst lr;
	_ =	strace $0xD0000000  }
0x3: {  	_ = 	snop  }
0x4: {  	_ = 	snop  }
0x5: {  	_ = 	snop  }
0x6: {  	_ = 	snop  }
0x7: {  	_ = 	snop  }
__scs_overlays_trampoline_lowered:
0x8: {  	[smem:$0x3FA4] =	sst s0  }
0x9: {  	[smem:$0x3FA5] =	sst s1  }
0xa: {  	[smem:$0x3FA6] =	sst s2  }
0xb: {  	[smem:$0x3FA7] =	sst s3  }
0xc: {  	[smem:$0x3FA8] =	sst s4  }
0xd: {  	[smem:$0x3FA9] =	sst s5  }
0xe: {  	[smem:$0x3FAA] =	sst s6  }
0xf: {  	[smem:$0x3FAB] =	sst s7  }
0x10: {  	[smem:$0x3FAC] =	sst s8  }
0x11: {  	[smem:$0x3FAD] =	sst s9;
	s0 =	simm.s32 @!p0 $0x0  }
0x12: {  	s1 =	sld [smem:$0x3F93];
	s0 =	simm.s32 @p0 $0x1  }
0x13: {  	[smem:$0x3FAE] =	sst s0;
	s0 =	simm.s32 @!p1 $0x0  }
0x14: {  	s2 =	sld [smem:$0x3F92];
	s0 =	simm.s32 @p1 $0x1  }
0x15: {  	[smem:$0x3FAF] =	sst s0;
	s0 =	simm.s32 @!p2 $0x0  }
0x16: {  	s3 =	sld [smem:$0x3FDB];
	s0 =	simm.s32 @p2 $0x1  }
0x17: {  	s4 =	simm.s32 $0x1BF5;
	[smem:$0x3FB1] =	sst s0  }
0x18: {  	s0 =	sld [smem:$0x3F94];
	_ =	swait.ge [sflag:s4], $0x0  }
0x19: {  	s7 =	sld [smem:$0x3F95]  }
0x1a: {  	s8 =	sadd.s32 $0xFFFFE003, lr  }
0x1b: {  	s9 =	sadd.s32 $0xFFFFFEF7, lr;
	s5 =	simm.s32 $0xFFFFFFFF;
	p2 =	slt.u32 s8, $0xFFFFF086  }
0x1c: {  	p1 =	slt.u32 s9, $0xF7A;
	s5 =	simm.s32 @!p2 $0x0  }
0x1d: {  	s5 =	simm.s32 @p1 $0x1;
	p0 =	seq.s32 s7, s2  }
0x1e: {  	s7 =	smul.u32 @!p0 $0xF7A, s2;
	p2 =	seq.s32 @!p0 s5, $0x0  }
0x1f: {  	s9 =	smul.u32 $0xF7A, s1;
	s8 =	simm.s32 @!p0 $0x1BF5;
	p2 =	por !p2, p0  }
0x20: {  	[sflag:s8] =	ssyncset.s32 @!p0 $0xFFFFF086;
	s6 =	sadd.s32 @!p0 s3, s7;
	s7 =	simm.s32 @!p0 $0x108  }
0x21: {  	s3 =	sadd.s32 s3, s9;
	s6 =	sadd.s32 @!p0 $0x88, s6;
	s7 =	simm.s32 @p2 $0x1082  }
0x22: {  	[simem:s7], [sflag:s8] =	dma.local @!p0 [hbm:s6], $0xF7A  }
0x23: {  	s9 =	sor.u32 $0xD0000000, s2;
	s6 =	simm.s32 $0x108;
	_ =	swait.ge @!p0 [sflag:s8], $0x0  }
0x24: {  	s3 =	sadd.s32 $0x88, s3;
	s6 =	simm.s32 @!p1 $0x1082;
	[sflag:s4] =	ssyncset.s32 $0xFFFFF086  }
0x25: {  	[simem:s6], [sflag:s4] =	dma.local [hbm:s3], $0xF7A  }
0x26: {  	[smem:$0x3F95] =	sst s1;
	(tag) =	ssettag s2;
	_ =	strace s9  }
0x27: {  	s1 =	sld [smem:$0x3FA5]  }
0x28: {  	s2 =	sld [smem:$0x3FA6]  }
0x29: {  	s4 =	sld [smem:$0x3FA8]  }
0x2a: {  	p0 =	seq.s32 s5, $0x0;
	s5 =	sld [smem:$0x3FA9]  }
0x2b: {  	s6 =	sld [smem:$0x3FAA]  }
0x2c: {  	s7 =	sld [smem:$0x3FAB]  }
0x2d: {  	s3 =	simm.s32 $0x108;
	s8 =	sld [smem:$0x3FAC]  }
0x2e: {  	s3 =	simm.s32 @!p0 $0x1082;
	s9 =	sld [smem:$0x3FAD]  }
0x2f: {  	lr =	sadd.s32 s0, s3;
	s0 =	sld [smem:$0x3FA4]  }
0x30: {  	s3 =	sld [smem:$0x3FA7]  }
0x31: {  	[smem:$0x3FB0] =	sst s10  }
0x32: {  	s10 =	sld [smem:$0x3FAE];
	_ =	sdelay $0x3  }
0x33: {  	p0 =	seq.s32 s10, $0x1;
	s10 =	sld [smem:$0x3FB0];
	_ =	sdelay $0x3  }
0x34: {  	[smem:$0x3FB0] =	sst s10  }
0x35: {  	s10 =	sld [smem:$0x3FAF];
	_ =	sdelay $0x3  }
0x36: {  	p1 =	seq.s32 s10, $0x1;
	s10 =	sld [smem:$0x3FB0];
	_ =	sdelay $0x3  }
0x37: {  	[smem:$0x3FB0] =	sst s10  }
0x38: {  	s10 =	sld [smem:$0x3FB1]  }
0x39: {  	_ = 	snop;
	(pc) =	sbr.ind lr, $3  }
0x3a: {  	_ = 	snop  }
0x3b: {  	_ = 	snop  }
0x3c: {  	p2 =	seq.s32 s10, $0x1;
	s10 =	sld [smem:$0x3FB0]  }
0x3d: {  	_ =	shalt  }
0x3e: {  	_ =	shalt  }
0x3f: {  	_ =	shalt  }
0x40: {  	_ =	shalt  }
0x41: {  	_ =	shalt  }
0x42: {  	_ =	shalt  }
0x43: {  	_ =	shalt  }
0x44: {  	_ =	shalt  }
0x45: {  	_ =	shalt  }
0x46: {  	_ =	shalt  }
0x47: {  	_ =	shalt  }
0x48: {  	_ =	shalt  }
0x49: {  	_ =	shalt  }
0x4a: {  	_ =	shalt  }
0x4b: {  	_ =	shalt  }
0x4c: {  	_ =	shalt  }
0x4d: {  	_ =	shalt  }
0x4e: {  	_ =	shalt  }
0x4f: {  	_ =	shalt  }
0x50: {  	_ =	shalt  }
0x51: {  	_ =	shalt  }
0x52: {  	_ =	shalt  }
0x53: {  	_ =	shalt  }
0x54: {  	_ =	shalt  }
0x55: {  	_ =	shalt  }
0x56: {  	_ =	shalt  }
0x57: {  	_ =	shalt  }
0x58: {  	_ =	shalt  }
0x59: {  	_ =	shalt  }
0x5a: {  	_ =	shalt  }
0x5b: {  	_ =	shalt  }
0x5c: {  	_ =	shalt  }
0x5d: {  	_ =	shalt  }
0x5e: {  	_ =	shalt  }
0x5f: {  	_ =	shalt  }
0x60: {  	_ =	shalt  }
0x61: {  	_ =	shalt  }
0x62: {  	_ =	shalt  }
0x63: {  	_ =	shalt  }
0x64: {  	_ =	shalt  }
0x65: {  	_ =	shalt  }
0x66: {  	_ =	shalt  }
0x67: {  	_ =	shalt  }
0x68: {  	_ =	shalt  }
0x69: {  	_ =	shalt  }
0x6a: {  	_ =	shalt  }
0x6b: {  	_ =	shalt  }
0x6c: {  	_ =	shalt  }
0x6d: {  	_ =	shalt  }
0x6e: {  	_ =	shalt  }
0x6f: {  	_ =	shalt  }
0x70: {  	_ =	shalt  }
0x71: {  	_ =	shalt  }
0x72: {  	_ =	shalt  }
0x73: {  	_ =	shalt  }
0x74: {  	_ =	shalt  }
0x75: {  	_ =	shalt  }
0x76: {  	_ =	shalt  }
0x77: {  	_ =	shalt  }
0x78: {  	_ =	shalt  }
0x79: {  	_ =	shalt  }
0x7a: {  	_ =	shalt  }
0x7b: {  	_ =	shalt  }
0x7c: {  	_ =	shalt  }
0x7d: {  	_ =	shalt  }
0x7e: {  	_ =	shalt  }
0x7f: {  	_ =	shalt  }
0x80: {  	_ =	shalt  }
0x81: {  	_ =	shalt  }
0x82: {  	_ =	shalt  }
0x83: {  	_ =	shalt  }
0x84: {  	_ =	shalt  }
0x85: {  	_ =	shalt  }
0x86: {  	_ =	shalt  }
0x87: {  	_ =	shalt  }
.Lfunc_end0:
.L_simem_size_0:
called_computation_lowered:
.L_overlay_start_0:
0x88: {  	s2 =	sld [smem:$0x3FD9]  }
0x89: {  	s3 =	sld [smem:$0x3FFE];
	_ =	sdelay $0x1  }
0x8a: {  	s1 =	srdreg.scid  }
0x8b: {  	s0 =	sand.u32 $0x1, s1  }
0x8c: {  	s16 =	sshll.u32 s0, $0xA;
	s2 =	sadd.s32 s3, s2  }
0x8d: {  	s2 =	sadd.s32 s2, s16  }
0x8e: {  	[smem:$0x3FBC] =	sst s2  }
0x8f: {  	_ = 	snop  }
0x90: {  	(tm) =	ssettm $0x1  }
0x91: {  	s17 =	sld [smem:$0x3FFB];
	_ =	sdelay $0x3  }
0x92: {  	_ =	strace s17  }
0x93: {  	s2 =	sld [smem:$0x3FFC];
	_ =	sdelay $0x3  }
0x94: {  	_ =	strace s2  }
0x95: {  	s2 =	sld [smem:$0x3FFD];
	_ =	sdelay $0x3  }
0x96: {  	_ =	strace s2  }
0x97: {  	_ =	strace $0x8FFFFFFF  }
0x98: {  	s18 =	sld [smem:$0x3FDB];
	_ =	sdelay $0x1  }
0x99: {  	s19 =	simm.s32 $_scs_section_size  }
0x9a: {  	s4 =	simm.s32 $_size__tile_overlayer_lowered;
	s5 =	simm.s32 $_tile_overlayer_lowered  }
0x9b: {  	s22 =	simm.s32 $0x1BFF;
	s21 =	sshll.u32 s5, $0x1;
	s2 =	sadd.s32 s19, s18  }
0x9c: {  	s6 =	simm.s32 $0x0;
	s20 =	sshll.u32 s4, $0x1;
	s4 =	sadd.s32 s21, s2  }
0x9d: {  	[timem:s6], [sflag:s22] =	dma.local [hbm:s4], s20  }
0x9e: {  	_ =	swait.ge [sflag:s22], s20  }
0x9f: {  	s3 =	ssub.s32 $0x0, s20;
	[sflag:s22] =	ssyncset.done $0x0  }
0xa0: {  	[sflag:s22] =	ssyncadd.s32 s3;
	_ =	sdelay $0x1  }
0xa1: {  	s23 =	simm.s32 $0x1B8B  }
0xa2: {  	_ =	swait.ge [sflag:s23], $0x1  }
0xa3: {  	[sflag:s23] =	ssyncset.done $0x0  }
0xa4: {  	s25 =	simm.s32 $0x1B8E;
	s24 =	sld [smem:$0x3FFE];
	[sflag:s23] =	ssyncadd.s32 $0xFFFFFFFF  }
0xa5: {  	s26 =	simm.s32 $execute0_lowered;
	[smem:$0x3FD2] =	sst s25  }
0xa6: {  	s4 =	sshll.u32 s26, $0x1;
	_ =	strace $0x80000046;
	[dreg:$0x1] =	wrdreg $0xFFFFFFFF  }
0xa7: {  	s28 =	simm.s32 $_size_execute0_lowered;
	s2 =	sadd.s32 s2, s4;
	[dreg:$0x0] =	wrdreg $0x0  }
0xa8: {  	s4 =	sshll.u32 s28, $0x1;
	[dreg:$0x2] =	wrdreg s2  }
0xa9: {  	[dreg:$0x3] =	wrdreg s4  }
0xaa: {  	[dreg:$0x4] =	wrdreg $0xC0  }
0xab: {  	_ =	task [dreg:s6], $0x5FFFF  }
0xac: {  	[dreg:$0x1] =	wrdreg $0xFFFFFFFF  }
0xad: {  	[dreg:$0x0] =	wrdreg $0x60  }
0xae: {  	[dreg:$0x2] =	wrdreg s24  }
0xaf: {  	[dreg:$0x3] =	wrdreg $0x50000  }
0xb0: {  	[dreg:$0x4] =	wrdreg $0x9  }
0xb1: {  	_ =	task.clear_ibuf [dreg:s6], $0x5FFFF;
	_ =	strace $0x90000046  }
0xb2: {  	s29 =	simm.s32 $0x9;
	_ =	strace $0x80000048  }
0xb3: {  	_ =	swait.ge [sflag:s29], $0x1  }
0xb4: {  	[sflag:s29] =	ssyncadd.s32 $0xFFFFFFFF  }
0xb5: {  	_ =	strace $0x90000048  }
0xb6: {  	_ =	sfence  }
0xb7: {  	s30 =	sld [smem:$0x0];
	_ =	sdelay $0x2  }
0xb8: {  	s31 =	sshll.u32 s1, $0xD;
	s1 =	sshrl.u32 s1, $0x2  }
0xb9: {  	s3 =	sand.u32 $0x4000, s31;
	s1 =	sadd.s32 s1, s30  }
0xba: {  	s0 =	sor.u32 s3, s0;
	s1 =	sshll.u32 s1, $0x11  }
0xbb: {  	s0 =	sor.u32 s1, s0  }
0xbc: {  	s0 =	sadd.s32 $0x8F2B, s0  }
0xbd: {  	[sflag:s0] =	ssyncadd.remote.s32 $0x1  }
0xbe: {  	_ =	sfence.sel $0xFFFF  }
0xbf: {  	[dreg:$0x0] =	wrdreg $0xFFFFFFFF;
	(pc) =	sbr.abs _section_cstart, $3  }
0xc0: {  	[dreg:$0x1] =	wrdreg $0xFFFFFFFF  }
0xc1: {  	_ =	task.clear_ibuf [dreg:s6], $0x2FFFF;
	_ =	strace $0x9FFFFFFF  }
0xc2: {  	(tm) =	ssettm $0x7FFFFFFF  }
0xc3: {  	_ =	shalt  }
tec
execute0_lowered:
.L_overlay_start_1:
0x0: {  	(tag) =	ssettag $0x1  }
0x1: {  	s4 =	rddreg [dreg:$0x0]  }
0x2: {  	s0 =	srdreg.scid;
	s2 =	rddreg [dreg:$0x1]  }
0x3: {  	s1 =	stileid.u32;
	s3 =	simm.s32 $0x0;
	s16 =	simm.s32 $0x2  }
0x4: {  	s17 =	simm.s32 $0x64;
	s5 =	sand.u32 $0x1, s0;
	s0 =	rddreg [dreg:$0x2]  }
0x5: {  	s18 =	simm.s32 $0x1;
	s7 =	smul.u32 $0x14000, s1;
	[smem:$0x7FF] =	sst s3  }
0x6: {  	s11 =	sadd.s32 $0x3600, s4;
	s28 =	smul.u32 $0x50000, s1;
	s29 =	sshll.u32 s1, $0x2  }
0x7: {  	s6 =	smul.u32 $0x140000, s5;
	s30 =	sshll.u32 s5, $0x1;
	s5 =	ssub.s32 $0x2, s5  }
0x8: {  	_ =	strace $0x80000047;
	s8 =	sor.u32 s30, s29;
	s31 =	sshrl.u32 s5, $0x1  }
0x9: {  	s6 =	sadd.s32 s7, s6;
	s7 =	sshrl.u32 s28, $0x2;
	s9 =	smul.u32 $0x1C00, s8  }
0xa: {  	s14 =	ssub.s32 s5, s31;
	s12 =	smul.u32 $0x380, s8;
	s6 =	sshrl.u32 s6, $0x3  }
0xb: {  	s14 =	smax.u32 s14, $0x1;
	s13 =	sadd.s32 s6, s4;
	s4 =	sadd.s32 s7, s2  }
0xc: {  	s10 =	sshrl.u32 s9, $0x3;
	s5 =	sadd.s32 $0x3200, s4;
	s6 =	sadd.s32 $0x6400, s4  }
0xd: {  	s7 =	sadd.s32 $0x9600, s4;
	s8 =	sadd.s32 $0xC800, s4;
	s9 =	sadd.s32 $0xFA00, s4  }
0xe: {  	s15 =	sadd.s32 s11, s10;
	s10 =	sadd.s32 $0x12C00, s4;
	s11 =	sadd.s32 s11, s12  }
0xf: {  	v0 =	vimm.f32 $0.0e+00;
	v1 =	vimm.f32 $1.000000000e+00;
	s13 =	sadd.s32 $0x11600, s13;
	s12 =	sadd.s32 $0x380, s15;
	s15 =	simm.s32 $0x1C00  }
.LBB2_1:
0x10: {  	s19 =	simm.s32 $0x0;
	s20 =	simm.s32 $0x200  }
.LBB2_2:
0x11: {  	p0 =	sne.s32 s20, $0xC600;
	[tilespmem:s19+$0x1C70] =	vst v0  }
0x12: {  	[tilespmem:s19+$0x1C00] =	vst v0  }
0x13: {  	[tilespmem:s19+$0x1C10] =	vst v0  }
.Ltmp0:
0x14: {  	[tilespmem:s19+$0x1C20] =	vst v0;
	(pc) =	sbr.rel @p0 .LBB2_2-.Ltmp0, $4  }
0x15: {  	[tilespmem:s19+$0x1C30] =	vst v0  }
0x16: {  	[tilespmem:s19+$0x1C40] =	vst v0  }
0x17: {  	[tilespmem:s19+$0x1C50] =	vst v0  }
0x18: {  	[tilespmem:s19+$0x1C60] =	vst v0;
	s19 =	sshra.s32 s20, $0x2;
	s20 =	sadd.s32 $0x200, s20  }
0x19: {  	[tilespmem:s19+$0x1C70] =	vst v0  }
0x1a: {  	[tilespmem:s19+$0x1C00] =	vst v0  }
0x1b: {  	[tilespmem:s19+$0x1C10] =	vst v0  }
0x1c: {  	[tilespmem:s19+$0x1C20] =	vst v0  }
0x1d: {  	[tilespmem:s19+$0x1C30] =	vst v0  }
0x1e: {  	[tilespmem:s19+$0x1C40] =	vst v0  }
0x1f: {  	[tilespmem:s19+$0x1C50] =	vst v0  }
0x20: {  	[tilespmem:s19+$0x1C60] =	vst v0  }
0x21: {  	[spmem:s4] =	stream.linear.scatter [tilespmem:s15], [sflag:$0x2], $0x3200, $0x38;
	[tilespmem:$0x19000] =	vst v63  }
0x22: {  	_ =	swait.ge [sflag:s16], $0x3200  }
0x23: {  	[sflag:s16] =	ssyncset.done $0x0  }
0x24: {  	[sflag:s16] =	ssyncadd.s32 $0xFFFFCE00  }
0x25: {  	[spmem:s5] =	stream.linear.scatter [tilespmem:s15], [sflag:$0x2], $0x3200, $0x38;
	[tilespmem:$0x19000] =	vst v63  }
0x26: {  	_ =	swait.ge [sflag:s16], $0x3200  }
0x27: {  	[sflag:s16] =	ssyncset.done $0x0  }
0x28: {  	[sflag:s16] =	ssyncadd.s32 $0xFFFFCE00  }
0x29: {  	[spmem:s6] =	stream.linear.scatter [tilespmem:s15], [sflag:$0x2], $0x3200, $0x38;
	[tilespmem:$0x19000] =	vst v63  }
0x2a: {  	_ =	swait.ge [sflag:s16], $0x3200  }
0x2b: {  	[sflag:s16] =	ssyncset.done $0x0  }
0x2c: {  	[sflag:s16] =	ssyncadd.s32 $0xFFFFCE00  }
0x2d: {  	[spmem:s7] =	stream.linear.scatter [tilespmem:s15], [sflag:$0x2], $0x3200, $0x38;
	[tilespmem:$0x19000] =	vst v63  }
0x2e: {  	_ =	swait.ge [sflag:s16], $0x3200  }
0x2f: {  	[sflag:s16] =	ssyncset.done $0x0  }
0x30: {  	[sflag:s16] =	ssyncadd.s32 $0xFFFFCE00  }
0x31: {  	[spmem:s8] =	stream.linear.scatter [tilespmem:s15], [sflag:$0x2], $0x3200, $0x38;
	[tilespmem:$0x19000] =	vst v63  }
0x32: {  	_ =	swait.ge [sflag:s16], $0x3200  }
0x33: {  	[sflag:s16] =	ssyncset.done $0x0  }
0x34: {  	[sflag:s16] =	ssyncadd.s32 $0xFFFFCE00  }
0x35: {  	[spmem:s9] =	stream.linear.scatter [tilespmem:s15], [sflag:$0x2], $0x3200, $0x38;
	[tilespmem:$0x19000] =	vst v63  }
0x36: {  	_ =	swait.ge [sflag:s16], $0x3200  }
0x37: {  	[sflag:s16] =	ssyncset.done $0x0  }
0x38: {  	[sflag:s16] =	ssyncadd.s32 $0xFFFFCE00  }
0x39: {  	[spmem:s10] =	stream.linear.scatter [tilespmem:s15], [sflag:$0x2], $0x1400, $0x38;
	[tilespmem:$0x19000] =	vst v63  }
0x3a: {  	_ =	swait.ge [sflag:s16], $0x1400  }
0x3b: {  	[sflag:s16] =	ssyncset.done $0x0  }
0x3c: {  	s19 =	simm.s32 $0x0;
	s20 =	simm.s32 $0x200;
	[sflag:s16] =	ssyncadd.s32 $0xFFFFEC00  }
.LBB2_4:
0x3d: {  	p0 =	sne.s32 s20, $0xC600;
	[tilespmem:s19+$0x1C70] =	vst v1  }
0x3e: {  	[tilespmem:s19+$0x1C00] =	vst v1  }
0x3f: {  	[tilespmem:s19+$0x1C10] =	vst v1  }
.Ltmp1:
0x40: {  	[tilespmem:s19+$0x1C20] =	vst v1;
	(pc) =	sbr.rel @p0 .LBB2_4-.Ltmp1, $4  }
0x41: {  	[tilespmem:s19+$0x1C30] =	vst v1  }
0x42: {  	[tilespmem:s19+$0x1C40] =	vst v1  }
0x43: {  	[tilespmem:s19+$0x1C50] =	vst v1  }
0x44: {  	[tilespmem:s19+$0x1C60] =	vst v1;
	s19 =	sshra.s32 s20, $0x2;
	s20 =	sadd.s32 $0x200, s20  }
0x45: {  	[tilespmem:s19+$0x1C70] =	vst v1  }
0x46: {  	[tilespmem:s19+$0x1C00] =	vst v1  }
0x47: {  	[tilespmem:s19+$0x1C10] =	vst v1  }
0x48: {  	[tilespmem:s19+$0x1C20] =	vst v1  }
0x49: {  	[tilespmem:s19+$0x1C30] =	vst v1  }
0x4a: {  	[tilespmem:s19+$0x1C40] =	vst v1  }
0x4b: {  	[tilespmem:s19+$0x1C50] =	vst v1  }
0x4c: {  	[tilespmem:s19+$0x1C60] =	vst v1  }
0x4d: {  	s19 =	simm.s32 $0x0;
	[bflag:$0x0] =	sbarrier.arrive $0xFFFF  }
0x4e: {  	[tilespmem:s19], [sflag:$0x2] =	stream.linear.gather [hbm4b:s11+s19], $0x1900, $0x38;
	[tilespmem:$0x19000] =	vst v63  }
0x4f: {  	_ =	swait.ge [sflag:s16], $0x1900  }
0x50: {  	[sflag:s16] =	ssyncset.done $0x0  }
0x51: {  	[sflag:s16] =	ssyncadd.s32 $0xFFFFE700  }
.LBB2_6:
0x52: {  	p0 =	sne.s32 s19, $0x6200  }
.Ltmp2:
0x53: {  	_ = 	snop;
	(pc) =	sbr.rel @p0 .LBB2_6-.Ltmp2, $3  }
0x54: {  	_ =	sdelay $0x1  }
0x55: {  	s20 =	sshra.s32 s19, $0x2;
	s19 =	sadd.s32 $0x200, s19  }
0x56: {  	[spmem:s2] =	stream.indirect.scatter.add.f32 [tilespmem:s15], [sflag:$0x1], $0x80, s20, s17, $0xb8;
	[tilespmem:$0x19000] =	vst v63  }
0x57: {  	_ =	swait.ge [sflag:s18], $0x3200  }
0x58: {  	s19 =	simm.s32 $0x31;
	[sflag:s18] =	ssyncset.done $0x0  }
.LBB2_8:
0x59: {  	p0 =	sne.s32 s19, $0x1;
	s19 =	sadd.s32 $0xFFFFFFFF, s19;
	[sflag:s18] =	ssyncadd.s32 $0xFFFFCE00  }
.Ltmp3:
0x5a: {  	(pc) =	sbr.rel @p0 .LBB2_8-.Ltmp3, $3  }
0x5b: {  	_ =	sdelay $0x1  }
0x5c: {  	_ =	swait.ge [sflag:s18], $0x3200  }
0x5d: {  	[sflag:s18] =	ssyncset.done $0x0  }
0x5e: {  	[sflag:s18] =	ssyncadd.s32 $0xFFFFCE00;
	s19 =	simm.s32 $0x0  }
0x5f: {  	[tilespmem:s19], [sflag:$0x2] =	stream.linear.gather [hbm4b:s12+s19], $0x1900, $0x38;
	[tilespmem:$0x19000] =	vst v63  }
0x60: {  	_ =	swait.ge [sflag:s16], $0x1900  }
0x61: {  	[sflag:s16] =	ssyncset.done $0x0  }
0x62: {  	[sflag:s16] =	ssyncadd.s32 $0xFFFFE700  }
.LBB2_10:
0x63: {  	p0 =	sne.s32 s19, $0x6200  }
.Ltmp4:
0x64: {  	_ = 	snop;
	(pc) =	sbr.rel @p0 .LBB2_10-.Ltmp4, $3  }
0x65: {  	_ =	sdelay $0x1  }
0x66: {  	s20 =	sshra.s32 s19, $0x2;
	s19 =	sadd.s32 $0x200, s19  }
0x67: {  	[spmem:s2] =	stream.indirect.scatter.add.f32 [tilespmem:s15], [sflag:$0x1], $0x80, s20, s17, $0xb8;
	[tilespmem:$0x19000] =	vst v63  }
0x68: {  	_ =	swait.ge [sflag:s18], $0x3200  }
0x69: {  	s19 =	simm.s32 $0x31;
	[sflag:s18] =	ssyncset.done $0x0  }
.LBB2_12:
0x6a: {  	p0 =	sne.s32 s19, $0x1;
	s19 =	sadd.s32 $0xFFFFFFFF, s19;
	[sflag:s18] =	ssyncadd.s32 $0xFFFFCE00  }
.Ltmp5:
0x6b: {  	(pc) =	sbr.rel @p0 .LBB2_12-.Ltmp5, $3  }
0x6c: {  	_ =	sdelay $0x1  }
0x6d: {  	_ =	swait.ge [sflag:s18], $0x3200  }
0x6e: {  	[sflag:s18] =	ssyncset.done $0x0  }
0x6f: {  	[sflag:s18] =	ssyncadd.s32 $0xFFFFCE00;
	s3 =	sadd.s32 $0x1, s3  }
0x70: {  	s19 =	sshll.u32 s1, $0x6;
	s20 =	sshrl.u32 s4, $0x3;
	p0 =	sne.s32 s3, s14  }
.Ltmp6:
0x71: {  	[bflag:$0x0] =	sbarrier.arrive $0xFFFF;
	s19 =	sor.u32 $0x1C02, s19;
	(pc) =	sbr.rel @p0 .LBB2_1-.Ltmp6, $4  }
0x72: {  	[hbm:s13], [sflag:s19] =	dma.local [spmem:s20], $0x2800  }
0x73: {  	_ =	swait.ge [sflag:s16], $0x2800  }
0x74: {  	[sflag:s16] =	ssyncset.done $0x0  }
0x75: {  	[sflag:s16] =	ssyncadd.s32 $0xFFFFD800  }
0x76: {  	_ =	sfence.sel $0x180000  }
0x77: {  	[bflag:$0x0] =	sbarrier.arrive $0xFFFF  }
0x78: {  	p0 =	sne.s32 s1, $0x0;
	_ =	strace $0x90000047  }
0x79: {  	s0 =	sadd.s32 @!p0 $0x100000, s0;
	[bflag:$0x2] =	sbarrier.arrive $0xFFFF  }
0x7a: {  	[sflag:s0] =	ssyncadd.tile.s32 @!p0 $0x1;
	_ =	shalt  }
.Lfunc_end2:
_tile_overlayer_lowered:
.L_overlay_start_2:
0x7b: {  	(tag) =	ssettag $0x2  }
0x7c: {  	s0 =	rddreg [dreg:$0x0];
	s2 =	stileid.u32  }
0x7d: {  	s1 =	rddreg [dreg:$0x1];
	p0 =	sne.s32 s2, $0x0  }
0x7e: {  	s3 =	rddreg [dreg:$0x2];
	[bflag:$0x3] =	sbarrier.arrive $0xFFFF;
	s2 =	simm.s32 @!p0 $0x1C02  }
0x7f: {  	[timem:s3], [sflag:s2] =	dma.local @!p0 [hbm:s0], s1  }
0x80: {  	s0 =	simm.s32 @!p0 $0x2  }
0x81: {  	_ =	swait.ge @!p0 [sflag:s0], s1  }
0x82: {  	s1 =	ssub.s32 @!p0 $0x0, s1;
	[sflag:s0] =	ssyncset.done @!p0 $0x0  }
0x83: {  	[sflag:s0] =	ssyncadd.s32 @!p0 s1  }
0x84: {  	[bflag:$0x3] =	sbarrier.arrive $0xFFFF  }
0x85: {  	_ =	shalt  }

</sc_bundles>
